<compile_context>
chip_gen: v7x
topology: tpu7x:2x2x1
jax: 0.10.2.dev20260603
libtpu: 0.0.44.dev20260713+nightly
codegen_flags: <defaults>
</compile_context>

<pallas_src>
import dataclasses
import functools

import jax
import jax.numpy as jnp
from jax import lax
from jax.experimental import pallas as pl
from jax.experimental.pallas import tpu as pltpu
from jax.experimental.pallas import tpu_sc as plsc

_N = 10000
_D = 128
_H = 8
_DH = 16
_E = 320000
_SCALE = float(_D) ** -0.5
_EPS = 1e-5

_NC = 2
_NS = 16
_EPW = _E // (_NC * _NS)
_CH = 80
_NCHUNK = -(-_EPW // _CH)
_TAIL = _EPW - (_NCHUNK - 1) * _CH
_NP = 10112
_RPS = _NP // _NS



_BROWS = _E // _CH
_BCOLS = _CH * _H


def _prologue_body(x_ref, g_ref, b_ref, w_ref, bias_ref, d_ref, p_ref,
                   q_ref, k_ref, v_ref, h_ref, batt_ref):
    x = x_ref[...]
    mu = jnp.mean(x, axis=-1, keepdims=True)
    var = jnp.mean((x - mu) ** 2, axis=-1, keepdims=True)
    h = (x - mu) * lax.rsqrt(var + _EPS) * g_ref[...] + b_ref[...]
    qkv = jnp.dot(h, w_ref[...], preferred_element_type=jnp.float32)
    qkv = qkv + bias_ref[...]
    h_ref[...] = h
    q_ref[...] = qkv[:, 0:_D] * _SCALE
    k_ref[...] = qkv[:, _D:2 * _D]
    v_ref[...] = qkv[:, 2 * _D:3 * _D]
    batt_ref[...] = d_ref[...] + p_ref[...]


def _prologue(x, g, b, w, bias, dist2, path2):
    blk = 1000
    grid = (_N // blk,)
    bblk = _BROWS // (_N // blk)
    out = jax.ShapeDtypeStruct((_N, _D), jnp.float32)
    return pl.pallas_call(
        _prologue_body,
        grid=grid,
        in_specs=[
            pl.BlockSpec((blk, _D), lambda i: (i, 0)),
            pl.BlockSpec((1, _D), lambda i: (0, 0)),
            pl.BlockSpec((1, _D), lambda i: (0, 0)),
            pl.BlockSpec((_D, 3 * _D), lambda i: (0, 0)),
            pl.BlockSpec((1, 3 * _D), lambda i: (0, 0)),
            pl.BlockSpec((bblk, _BCOLS), lambda i: (i, 0)),
            pl.BlockSpec((bblk, _BCOLS), lambda i: (i, 0)),
        ],
        out_specs=[
            pl.BlockSpec((blk, _D), lambda i: (i, 0)),
            pl.BlockSpec((blk, _D), lambda i: (i, 0)),
            pl.BlockSpec((blk, _D), lambda i: (i, 0)),
            pl.BlockSpec((blk, _D), lambda i: (i, 0)),
            pl.BlockSpec((bblk, _BCOLS), lambda i: (i, 0)),
        ],
        out_shape=[out, out, out, out,
                   jax.ShapeDtypeStruct((_BROWS, _BCOLS), jnp.float32)],
    )(x, g, b, w, bias, dist2, path2)



def _edge_body(q_hbm, k_hbm, v_hbm, ei_hbm, b_hbm,
               acc_out, s_out,
               acc_sh, s_sh, srcv, dstv, bv, qv, kv, vv, wv,
               sem_lin, sem_qk, sem_v, sem_scat):
    cid = lax.axis_index("c")
    sid = lax.axis_index("s")
    zero16 = jnp.zeros((16,), jnp.float32)

    @pl.loop(0, _CH)
    def _(r):
        @pl.loop(0, _D, step=16)
        def _(c):
            vv[r, pl.ds(c, 16)] = zero16
        wv[r, :] = zero16

    base = sid * _RPS
    for i in range(_RPS // _CH):
        pltpu.sync_copy(vv, acc_sh.at[pl.ds(base + i * _CH, _CH)])
        pltpu.sync_copy(wv, s_sh.at[pl.ds(base + i * _CH, _CH)])
    rem = _RPS - (_RPS // _CH) * _CH
    if rem:
        off = base + (_RPS // _CH) * _CH
        pltpu.sync_copy(vv.at[pl.ds(0, rem)], acc_sh.at[pl.ds(off, rem)])
        pltpu.sync_copy(wv.at[pl.ds(0, rem)], s_sh.at[pl.ds(off, rem)])
    plsc.subcore_barrier()

    wb = (cid * _NS + sid) * _EPW

    lane = lax.iota(jnp.int32, 16)

    def phase_a(p):
        @plsc.parallel_loop(0, _CH, unroll=4)
        def _(e):
            b16 = bv[p, pl.ds(e * _H, 16)]
            avec = jnp.zeros((16,), jnp.float32)
            for h in range(_H):
                qh = qv[e, pl.ds(h * _DH, _DH)]
                kh = kv[e, pl.ds(h * _DH, _DH)]
                s = jnp.sum(qh * kh) + b16[h]
                avec = jnp.where(lane == h, s, avec)
            wv[e, :] = jnp.exp(avec)

    def phase_b():
        @plsc.parallel_loop(0, _CH, unroll=4)
        def _(e):
            w16 = wv[e, :]
            for h in range(_H):
                vh = vv[e, pl.ds(h * _DH, _DH)]
                vv[e, pl.ds(h * _DH, _DH)] = vh * w16[h]

    pltpu.sync_copy(ei_hbm.at[0, pl.ds(wb, _CH)], srcv.at[0])
    pltpu.sync_copy(ei_hbm.at[1, pl.ds(wb, _CH)], dstv.at[0])
    pltpu.sync_copy(b_hbm.at[wb // _CH], bv.at[0, pl.ds(0, _BCOLS)])
    pltpu.async_copy(q_hbm.at[srcv.at[0]], qv, sem_qk)
    pltpu.async_copy(k_hbm.at[dstv.at[0]], kv, sem_qk)

    @pl.loop(0, _NCHUNK)
    def _(t):
        p = lax.rem(t, 2)
        pn = 1 - p

        @pl.when(t > 0)
        def _():
            pltpu.make_async_copy(vv, acc_sh.at[dstv.at[pn]], sem_scat).wait()
            pltpu.make_async_copy(wv, s_sh.at[dstv.at[pn]], sem_scat).wait()

        pltpu.async_copy(v_hbm.at[srcv.at[p]], vv, sem_v)

        @pl.when(t < _NCHUNK - 1)
        def _():
            ebn = jnp.minimum(wb + t * _CH + _CH, wb + _EPW - _CH)
            pltpu.async_copy(ei_hbm.at[0, pl.ds(ebn, _CH)], srcv.at[pn],
                             sem_lin)
            pltpu.async_copy(ei_hbm.at[1, pl.ds(ebn, _CH)], dstv.at[pn],
                             sem_lin)
            pltpu.async_copy(b_hbm.at[ebn // _CH], bv.at[pn, pl.ds(0, _BCOLS)],
                             sem_lin)

        pltpu.make_async_copy(q_hbm.at[srcv.at[p]], qv, sem_qk).wait()
        pltpu.make_async_copy(k_hbm.at[dstv.at[p]], kv, sem_qk).wait()
        phase_a(p)

        pltpu.make_async_copy(v_hbm.at[srcv.at[p]], vv, sem_v).wait()

        @pl.when(t < _NCHUNK - 1)
        def _():
            pltpu.make_async_copy(ei_hbm.at[0, pl.ds(wb, _CH)], srcv.at[pn],
                                  sem_lin).wait()
            pltpu.make_async_copy(ei_hbm.at[1, pl.ds(wb, _CH)], dstv.at[pn],
                                  sem_lin).wait()
            pltpu.make_async_copy(b_hbm.at[wb // _CH],
                                  bv.at[pn, pl.ds(0, _BCOLS)],
                                  sem_lin).wait()
            pltpu.async_copy(q_hbm.at[srcv.at[pn]], qv, sem_qk)
            pltpu.async_copy(k_hbm.at[dstv.at[pn]], kv, sem_qk)

        if _TAIL < _CH:
            @pl.when(t == _NCHUNK - 1)
            def _():
                psp = jnp.zeros((16,), jnp.int32) + p
                for j in range(0, _CH - _TAIL, 16):
                    plsc.store_scatter(dstv,
                                       [psp, lax.iota(jnp.int32, 16) + j],
                                       jnp.full((16,), _N, jnp.int32))

        phase_b()

        pltpu.async_copy(vv, acc_sh.at[dstv.at[p]], sem_scat, add=True)
        pltpu.async_copy(wv, s_sh.at[dstv.at[p]], sem_scat, add=True)

    lastp = lax.rem(_NCHUNK - 1, 2)
    pltpu.make_async_copy(vv, acc_sh.at[dstv.at[lastp]], sem_scat).wait()
    pltpu.make_async_copy(wv, s_sh.at[dstv.at[lastp]], sem_scat).wait()

    plsc.subcore_barrier()
    pltpu.sync_copy(acc_sh.at[pl.ds(base, _RPS)],
                    acc_out.at[cid, pl.ds(base, _RPS)])
    pltpu.sync_copy(s_sh.at[pl.ds(base, _RPS)],
                    s_out.at[cid, pl.ds(base, _RPS)])


def _edge_pass(q, k, v, edge_index, b_attn):
    cp = pltpu.CompilerParams()
    fields = pltpu.CompilerParams.__dataclass_fields__
    if "needs_layout_passes" in fields:
        cp = dataclasses.replace(cp, needs_layout_passes=False)
    if "use_tc_tiling_on_sc" in fields:
        cp = dataclasses.replace(cp, use_tc_tiling_on_sc=False)
    mesh = plsc.VectorSubcoreMesh(core_axis_name="c", subcore_axis_name="s")
    f32 = jnp.float32
    call = pl.kernel(
        _edge_body,
        out_type=(
            jax.ShapeDtypeStruct((_NC, _NP, _D), f32),
            jax.ShapeDtypeStruct((_NC, _NP, 16), f32),
        ),
        mesh=mesh,
        scratch_types=[
            pltpu.VMEM_SHARED((_NP, _D), f32),
            pltpu.VMEM_SHARED((_NP, 16), f32),
            pltpu.VMEM((2, _CH), jnp.int32),
            pltpu.VMEM((2, _CH), jnp.int32),
            pltpu.VMEM((2, _BCOLS + 8), f32),
            pltpu.VMEM((_CH, _D), f32),
            pltpu.VMEM((_CH, _D), f32),
            pltpu.VMEM((_CH, _D), f32),
            pltpu.VMEM((_CH, 16), f32),
            pltpu.SemaphoreType.DMA,
            pltpu.SemaphoreType.DMA,
            pltpu.SemaphoreType.DMA,
            pltpu.SemaphoreType.DMA,
        ],
        compiler_params=cp,
    )
    return call(q, k, v, edge_index, b_attn)



def _epilogue_body(h_ref, acc_ref, s_ref, win_ref, bin_ref, rg_ref, rb_ref,
                   w1_ref, b1_ref, w2_ref, b2_ref, out_ref):
    acc = acc_ref[0] + acc_ref[1]
    ssum = s_ref[0] + s_ref[1]
    sh = ssum[:, 0:_H]
    inv = jnp.where(sh > 0, 1.0 / sh, 0.0)
    row = lax.broadcasted_iota(jnp.int32, (_H, _D), 0)
    colh = lax.broadcasted_iota(jnp.int32, (_H, _D), 1) // _DH
    expand = (row == colh).astype(jnp.float32)
    agg = acc * jnp.dot(inv, expand, preferred_element_type=jnp.float32)
    x = (h_ref[...]
         + jnp.dot(agg, win_ref[...], preferred_element_type=jnp.float32)
         + bin_ref[...])
    mu = jnp.mean(x, axis=-1, keepdims=True)
    var = jnp.mean((x - mu) ** 2, axis=-1, keepdims=True)
    y = (x - mu) * lax.rsqrt(var + _EPS) * rg_ref[...] + rb_ref[...]
    y = jnp.dot(y, w1_ref[...], preferred_element_type=jnp.float32) + b1_ref[...]
    y = y * 0.5 * (1.0 + lax.erf(y * (2.0 ** -0.5)))
    y = jnp.dot(y, w2_ref[...], preferred_element_type=jnp.float32) + b2_ref[...]
    out_ref[...] = x + y


def _epilogue(h, acc, s, win, bin_, rg, rb, w1, b1, w2, b2):
    blk = 1000
    grid = (_N // blk,)
    return pl.pallas_call(
        _epilogue_body,
        grid=grid,
        in_specs=[
            pl.BlockSpec((blk, _D), lambda i: (i, 0)),
            pl.BlockSpec((_NC, blk, _D), lambda i: (0, i, 0)),
            pl.BlockSpec((_NC, blk, 16), lambda i: (0, i, 0)),
            pl.BlockSpec((_D, _D), lambda i: (0, 0)),
            pl.BlockSpec((1, _D), lambda i: (0, 0)),
            pl.BlockSpec((1, _D), lambda i: (0, 0)),
            pl.BlockSpec((1, _D), lambda i: (0, 0)),
            pl.BlockSpec((_D, 4 * _D), lambda i: (0, 0)),
            pl.BlockSpec((1, 4 * _D), lambda i: (0, 0)),
            pl.BlockSpec((4 * _D, _D), lambda i: (0, 0)),
            pl.BlockSpec((1, _D), lambda i: (0, 0)),
        ],
        out_specs=pl.BlockSpec((blk, _D), lambda i: (i, 0)),
        out_shape=jax.ShapeDtypeStruct((_N, _D), jnp.float32),
    )(h, acc, s, win, bin_, rg, rb, w1, b1, w2, b2)



def kernel(node_feature, edge_index, dist_attn, path_attn, ln1_g, ln1_b,
           Wqkv, bqkv, res_norm_g, res_norm_b, Win, b_in, W1, b1, W2, b2):
    q, k, v, h, b_attn = _prologue(
        node_feature, ln1_g.reshape(1, _D), ln1_b.reshape(1, _D), Wqkv,
        bqkv.reshape(1, 3 * _D), dist_attn.reshape(_BROWS, _BCOLS),
        path_attn.reshape(_BROWS, _BCOLS))
    acc, s = _edge_pass(q, k, v, edge_index, b_attn)
    return _epilogue(h, acc, s, Win, b_in.reshape(1, _D),
                     res_norm_g.reshape(1, _D), res_norm_b.reshape(1, _D),
                     W1, b1.reshape(1, 4 * _D), W2, b2.reshape(1, _D))

# --- scband reference (transcript-rebuilt; emitter-appended) ---
"""Pipeline reference for scband-graph-transformer-layer-82995948028015 (READ-ONLY COPY).

The authoritative reference and input builder live on the scoring server;
editing this copy changes nothing except your own understanding.
"""

import jax, jax.numpy as jnp
import numpy as np

N = 10000
E = 320000
D = 128
H = 8
DH = D // H
SCALE = D ** (-0.5)


def _layer_norm(x, g, b, eps=1e-5):
    mu = jnp.mean(x, axis=-1, keepdims=True)
    var = jnp.mean((x - mu) ** 2, axis=-1, keepdims=True)
    return (x - mu) / jnp.sqrt(var + eps) * g + b


def setup_inputs(seed: int = 0):
    key = jax.random.key(seed)
    ks = jax.random.split(key, 12)
    inp = {}
    inp["node_feature"] = jax.random.normal(ks[0], (N, D), dtype=jnp.float32)
    inp["edge_index"] = jax.random.randint(ks[1], (2, E), 0, N, dtype=jnp.int32)
    inp["dist_attn"] = jax.random.normal(ks[2], (E, H), dtype=jnp.float32)
    inp["path_attn"] = jax.random.normal(ks[3], (E, H), dtype=jnp.float32)
    # parameters (attention_norm, qkv, Residual: norm + in_proj + 2-layer MLP)
    inp["ln1_g"] = jnp.ones((D,), jnp.float32)
    inp["ln1_b"] = jnp.zeros((D,), jnp.float32)
    inp["Wqkv"] = jax.random.normal(ks[4], (D, 3 * D), jnp.float32) * 0.02
    inp["bqkv"] = jnp.zeros((3 * D,), jnp.float32)
    inp["res_norm_g"] = jnp.ones((D,), jnp.float32)
    inp["res_norm_b"] = jnp.zeros((D,), jnp.float32)
    inp["Win"] = jax.random.normal(ks[5], (D, D), jnp.float32) * 0.02
    inp["b_in"] = jnp.zeros((D,), jnp.float32)
    inp["W1"] = jax.random.normal(ks[6], (D, 4 * D), jnp.float32) * 0.02
    inp["b1"] = jnp.zeros((4 * D,), jnp.float32)
    inp["W2"] = jax.random.normal(ks[7], (4 * D, D), jnp.float32) * 0.02
    inp["b2"] = jnp.zeros((D,), jnp.float32)
    return inp


def reference(node_feature, edge_index, dist_attn, path_attn, ln1_g, ln1_b,
              Wqkv, bqkv, res_norm_g, res_norm_b, Win, b_in, W1, b1, W2, b2):
    src = edge_index[0]
    dst = edge_index[1]
    # attention_norm
    h = _layer_norm(node_feature, ln1_g, ln1_b)
    # qkv projection -> [3, N, H, DH]
    qkv = (h @ Wqkv + bqkv).reshape(N, 3, H, DH).transpose(1, 0, 2, 3)
    q = qkv[0] * SCALE
    k = qkv[1]
    v = qkv[2]
    # u_dot_v('Q','K'): dot(Q[src], K[dst]) per head -> [E, H]
    node_attn = jnp.einsum('ehd,ehd->eh', q[src], k[dst])
    a = node_attn + dist_attn + path_attn
    # edge_softmax grouped by dst node
    amax = jax.lax.stop_gradient(jax.ops.segment_max(a, dst, num_segments=N))
    a_exp = jnp.exp(a - amax[dst])
    a_sum = jax.ops.segment_sum(a_exp, dst, num_segments=N)
    sa = a_exp / a_sum[dst]
    # he = v[src] * sa, aggregated by sum to dst
    he = v[src] * sa[:, :, None]
    agg_h = jax.ops.segment_sum(he, dst, num_segments=N).reshape(N, D)
    # Residual(node_feature_normed, agg_h)
    x = h + (agg_h @ Win + b_in)
    y = _layer_norm(x, res_norm_g, res_norm_b)
    y = jax.nn.gelu(y @ W1 + b1, approximate=False)
    y = y @ W2 + b2
    return x + y

if __name__ == "__main__":
    import jax
    _d = setup_inputs()
    print(jax.jit(kernel)(*tuple(_d.values())))

</pallas_src>

<mosaic_0001>
#map = affine_map<(d0, d1) -> (0, 0)>
#map1 = affine_map<(d0, d1) -> (0, 0, 0)>
module attributes {stable_mosaic.version = 14 : i64} {
  func.func @_edge_body(%arg0: i32, %arg1: i32, %arg2: memref<10000x128xf32, #tpu.memory_space<hbm>>, %arg3: memref<10000x128xf32, #tpu.memory_space<hbm>>, %arg4: memref<10000x128xf32, #tpu.memory_space<hbm>>, %arg5: memref<2x320000xi32, #tpu.memory_space<hbm>>, %arg6: memref<4000x640xf32, #tpu.memory_space<hbm>>, %arg7: memref<2x10112x128xf32, #tpu.memory_space<hbm>>, %arg8: memref<2x10112x16xf32, #tpu.memory_space<hbm>>, %arg9: memref<10112x128xf32, #tpu.memory_space<vmem_shared>>, %arg10: memref<10112x16xf32, #tpu.memory_space<vmem_shared>>, %arg11: memref<2x80xi32, #tpu.memory_space<vmem>>, %arg12: memref<2x80xi32, #tpu.memory_space<vmem>>, %arg13: memref<2x648xf32, #tpu.memory_space<vmem>>, %arg14: memref<80x128xf32, #tpu.memory_space<vmem>>, %arg15: memref<80x128xf32, #tpu.memory_space<vmem>>, %arg16: memref<80x128xf32, #tpu.memory_space<vmem>>, %arg17: memref<80x16xf32, #tpu.memory_space<vmem>>, %arg18: memref<!tpu.dma_semaphore, #tpu.memory_space<semaphore_mem>>, %arg19: memref<!tpu.dma_semaphore, #tpu.memory_space<semaphore_mem>>, %arg20: memref<!tpu.dma_semaphore, #tpu.memory_space<semaphore_mem>>, %arg21: memref<!tpu.dma_semaphore, #tpu.memory_space<semaphore_mem>>) attributes {dimension_semantics = [#tpu.dimension_semantics<core_parallel>, #tpu.dimension_semantics<subcore_parallel>], iteration_bounds = array<i64: 2, 16>, scalar_prefetch = 0 : i64, scratch_operands = 13 : i64, tpu.core_type = #tpu.core_type<sc_vector_subcore>, window_params = [{transform_indices = #map}, {transform_indices = #map}, {transform_indices = #map}, {transform_indices = #map}, {transform_indices = #map}, {transform_indices = #map1}, {transform_indices = #map1}]} {
    %broadcast_in_dim3A = arith.constant 0.000000e+00 : f32
    %broadcast_in_dim3A_0 = vector.broadcast %broadcast_in_dim3A : f32 to vector<16xf32>
    %scan3A = arith.constant 0 : i32
    %scan3A_1 = arith.constant 80 : i32
    %scan3A_2 = arith.addi %scan3A, %scan3A_1 : i32
    %scan3A_3 = arith.constant 1 : i32
    scf.for %scan3A_93 = %scan3A to %scan3A_2 step %scan3A_3  : i32 {
      %mul3A_94 = arith.constant 1 : i32
      %mul3A_95 = arith.muli %scan3A_93, %mul3A_94 : i32
      %add3A_96 = arith.constant 0 : i32
      %add3A_97 = arith.addi %add3A_96, %mul3A_95 : i32
      %scan3A_98 = arith.constant 0 : i32
      %scan3A_99 = arith.constant 8 : i32
      %scan3A_100 = arith.addi %scan3A_98, %scan3A_99 : i32
      %scan3A_101 = arith.constant 1 : i32
      scf.for %scan3A_105 = %scan3A_98 to %scan3A_100 step %scan3A_101  : i32 {
        %mul3A_106 = arith.constant 16 : i32
        %mul3A_107 = arith.muli %scan3A_105, %mul3A_106 : i32
        %add3A_108 = arith.constant 0 : i32
        %add3A_109 = arith.addi %add3A_108, %mul3A_107 : i32
        %swap3A_110 = arith.index_cast %add3A_97 : i32 to index
        %swap3A_111 = arith.index_cast %add3A_109 : i32 to index
        %swap3A_112 = tpu.vector_load %arg16[%swap3A_110, %swap3A_111] {strides = array<i32>} : memref<80x128xf32, #tpu.memory_space<vmem>>, vector<16xf32>,
        tpu.vector_store %arg16[%swap3A_110, %swap3A_111], %broadcast_in_dim3A_0 {strides = array<i32>} : memref<80x128xf32, #tpu.memory_space<vmem>>, vector<16xf32>,
      }
      %scan3A_102 = arith.constant 8 : i32
      %swap3A = arith.index_cast %add3A_97 : i32 to index
      %swap3A_103 = arith.constant 0 : index
      %swap3A_104 = tpu.vector_load %arg17[%swap3A, %swap3A_103] {strides = array<i32>} : memref<80x16xf32, #tpu.memory_space<vmem>>, vector<16xf32>,
      tpu.vector_store %arg17[%swap3A, %swap3A_103], %broadcast_in_dim3A_0 {strides = array<i32>} : memref<80x16xf32, #tpu.memory_space<vmem>>, vector<16xf32>,
    }
    %scan3A_4 = arith.constant 80 : i32
    %mul3A = arith.constant 632 : i32
    %mul3A_5 = arith.muli %arg1, %mul3A : i32
    %add3A = arith.constant 0 : i32
    %add3A_6 = arith.addi %mul3A_5, %add3A : i32
    "tpu.region"() ({
      %run_scoped3A_93 = tpu.sem_alloc : memref<!tpu.dma_semaphore, #tpu.memory_space<semaphore_mem>>
      %dma_start3A_94 = arith.constant 0 : i32
      %dma_start3A_95 = tpu.memref_slice %arg9[%add3A_6, %dma_start3A_94] : memref<10112x128xf32, #tpu.memory_space<vmem_shared>> -> memref<80x128xf32, #tpu.memory_space<vmem_shared>>
      %dma_start3A_96 = arith.constant 0 : i32
      %dma_start3A_97 = tpu.memref_slice %arg9[%add3A_6, %dma_start3A_96] : memref<10112x128xf32, #tpu.memory_space<vmem_shared>> -> memref<80x128xf32, #tpu.memory_space<vmem_shared>>
      tpu.enqueue_dma source(%arg16 : memref<80x128xf32, #tpu.memory_space<vmem>>) target(%dma_start3A_97 : memref<80x128xf32, #tpu.memory_space<vmem_shared>>) target_semaphore(%run_scoped3A_93 : memref<!tpu.dma_semaphore, #tpu.memory_space<semaphore_mem>>)
      %dma_wait3A_98 = arith.constant 0 : i32
      %dma_wait3A_99 = tpu.memref_slice %arg9[%add3A_6, %dma_wait3A_98] : memref<10112x128xf32, #tpu.memory_space<vmem_shared>> -> memref<80x128xf32, #tpu.memory_space<vmem_shared>>
      %dma_wait3A_100 = arith.constant 0 : i32
      %dma_wait3A_101 = tpu.memref_slice %arg9[%add3A_6, %dma_wait3A_100] : memref<10112x128xf32, #tpu.memory_space<vmem_shared>> -> memref<80x128xf32, #tpu.memory_space<vmem_shared>>
      tpu.wait_dma2 semaphore(%run_scoped3A_93 : memref<!tpu.dma_semaphore, #tpu.memory_space<semaphore_mem>>) src(%arg16 : memref<80x128xf32, #tpu.memory_space<vmem>>) dst(%dma_wait3A_101 : memref<80x128xf32, #tpu.memory_space<vmem_shared>>)
      tpu.yield
    }) : () -> ()
    %add3A_7 = arith.constant 0 : i32
    %add3A_8 = arith.addi %mul3A_5, %add3A_7 : i32
    "tpu.region"() ({
      %run_scoped3A_93 = tpu.sem_alloc : memref<!tpu.dma_semaphore, #tpu.memory_space<semaphore_mem>>
      %dma_start3A_94 = arith.constant 0 : i32
      %dma_start3A_95 = tpu.memref_slice %arg10[%add3A_8, %dma_start3A_94] : memref<10112x16xf32, #tpu.memory_space<vmem_shared>> -> memref<80x16xf32, #tpu.memory_space<vmem_shared>>
      %dma_start3A_96 = arith.constant 0 : i32
      %dma_start3A_97 = tpu.memref_slice %arg10[%add3A_8, %dma_start3A_96] : memref<10112x16xf32, #tpu.memory_space<vmem_shared>> -> memref<80x16xf32, #tpu.memory_space<vmem_shared>>
      tpu.enqueue_dma source(%arg17 : memref<80x16xf32, #tpu.memory_space<vmem>>) target(%dma_start3A_97 : memref<80x16xf32, #tpu.memory_space<vmem_shared>>) target_semaphore(%run_scoped3A_93 : memref<!tpu.dma_semaphore, #tpu.memory_space<semaphore_mem>>)
      %dma_wait3A_98 = arith.constant 0 : i32
      %dma_wait3A_99 = tpu.memref_slice %arg10[%add3A_8, %dma_wait3A_98] : memref<10112x16xf32, #tpu.memory_space<vmem_shared>> -> memref<80x16xf32, #tpu.memory_space<vmem_shared>>
      %dma_wait3A_100 = arith.constant 0 : i32
      %dma_wait3A_101 = tpu.memref_slice %arg10[%add3A_8, %dma_wait3A_100] : memref<10112x16xf32, #tpu.memory_space<vmem_shared>> -> memref<80x16xf32, #tpu.memory_space<vmem_shared>>
      tpu.wait_dma2 semaphore(%run_scoped3A_93 : memref<!tpu.dma_semaphore, #tpu.memory_space<semaphore_mem>>) src(%arg17 : memref<80x16xf32, #tpu.memory_space<vmem>>) dst(%dma_wait3A_101 : memref<80x16xf32, #tpu.memory_space<vmem_shared>>)
      tpu.yield
    }) : () -> ()
    %add3A_9 = arith.constant 80 : i32
    %add3A_10 = arith.addi %mul3A_5, %add3A_9 : i32
    "tpu.region"() ({
      %run_scoped3A_93 = tpu.sem_alloc : memref<!tpu.dma_semaphore, #tpu.memory_space<semaphore_mem>>
      %dma_start3A_94 = arith.constant 0 : i32
      %dma_start3A_95 = tpu.memref_slice %arg9[%add3A_10, %dma_start3A_94] : memref<10112x128xf32, #tpu.memory_space<vmem_shared>> -> memref<80x128xf32, #tpu.memory_space<vmem_shared>>
      %dma_start3A_96 = arith.constant 0 : i32
      %dma_start3A_97 = tpu.memref_slice %arg9[%add3A_10, %dma_start3A_96] : memref<10112x128xf32, #tpu.memory_space<vmem_shared>> -> memref<80x128xf32, #tpu.memory_space<vmem_shared>>
      tpu.enqueue_dma source(%arg16 : memref<80x128xf32, #tpu.memory_space<vmem>>) target(%dma_start3A_97 : memref<80x128xf32, #tpu.memory_space<vmem_shared>>) target_semaphore(%run_scoped3A_93 : memref<!tpu.dma_semaphore, #tpu.memory_space<semaphore_mem>>)
      %dma_wait3A_98 = arith.constant 0 : i32
      %dma_wait3A_99 = tpu.memref_slice %arg9[%add3A_10, %dma_wait3A_98] : memref<10112x128xf32, #tpu.memory_space<vmem_shared>> -> memref<80x128xf32, #tpu.memory_space<vmem_shared>>
      %dma_wait3A_100 = arith.constant 0 : i32
      %dma_wait3A_101 = tpu.memref_slice %arg9[%add3A_10, %dma_wait3A_100] : memref<10112x128xf32, #tpu.memory_space<vmem_shared>> -> memref<80x128xf32, #tpu.memory_space<vmem_shared>>
      tpu.wait_dma2 semaphore(%run_scoped3A_93 : memref<!tpu.dma_semaphore, #tpu.memory_space<semaphore_mem>>) src(%arg16 : memref<80x128xf32, #tpu.memory_space<vmem>>) dst(%dma_wait3A_101 : memref<80x128xf32, #tpu.memory_space<vmem_shared>>)
      tpu.yield
    }) : () -> ()
    %add3A_11 = arith.constant 80 : i32
    %add3A_12 = arith.addi %mul3A_5, %add3A_11 : i32
    "tpu.region"() ({
      %run_scoped3A_93 = tpu.sem_alloc : memref<!tpu.dma_semaphore, #tpu.memory_space<semaphore_mem>>
      %dma_start3A_94 = arith.constant 0 : i32
      %dma_start3A_95 = tpu.memref_slice %arg10[%add3A_12, %dma_start3A_94] : memref<10112x16xf32, #tpu.memory_space<vmem_shared>> -> memref<80x16xf32, #tpu.memory_space<vmem_shared>>
      %dma_start3A_96 = arith.constant 0 : i32
      %dma_start3A_97 = tpu.memref_slice %arg10[%add3A_12, %dma_start3A_96] : memref<10112x16xf32, #tpu.memory_space<vmem_shared>> -> memref<80x16xf32, #tpu.memory_space<vmem_shared>>
      tpu.enqueue_dma source(%arg17 : memref<80x16xf32, #tpu.memory_space<vmem>>) target(%dma_start3A_97 : memref<80x16xf32, #tpu.memory_space<vmem_shared>>) target_semaphore(%run_scoped3A_93 : memref<!tpu.dma_semaphore, #tpu.memory_space<semaphore_mem>>)
      %dma_wait3A_98 = arith.constant 0 : i32
      %dma_wait3A_99 = tpu.memref_slice %arg10[%add3A_12, %dma_wait3A_98] : memref<10112x16xf32, #tpu.memory_space<vmem_shared>> -> memref<80x16xf32, #tpu.memory_space<vmem_shared>>
      %dma_wait3A_100 = arith.constant 0 : i32
      %dma_wait3A_101 = tpu.memref_slice %arg10[%add3A_12, %dma_wait3A_100] : memref<10112x16xf32, #tpu.memory_space<vmem_shared>> -> memref<80x16xf32, #tpu.memory_space<vmem_shared>>
      tpu.wait_dma2 semaphore(%run_scoped3A_93 : memref<!tpu.dma_semaphore, #tpu.memory_space<semaphore_mem>>) src(%arg17 : memref<80x16xf32, #tpu.memory_space<vmem>>) dst(%dma_wait3A_101 : memref<80x16xf32, #tpu.memory_space<vmem_shared>>)
      tpu.yield
    }) : () -> ()
    %add3A_13 = arith.constant 160 : i32
    %add3A_14 = arith.addi %mul3A_5, %add3A_13 : i32
    "tpu.region"() ({
      %run_scoped3A_93 = tpu.sem_alloc : memref<!tpu.dma_semaphore, #tpu.memory_space<semaphore_mem>>
      %dma_start3A_94 = arith.constant 0 : i32
      %dma_start3A_95 = tpu.memref_slice %arg9[%add3A_14, %dma_start3A_94] : memref<10112x128xf32, #tpu.memory_space<vmem_shared>> -> memref<80x128xf32, #tpu.memory_space<vmem_shared>>
      %dma_start3A_96 = arith.constant 0 : i32
      %dma_start3A_97 = tpu.memref_slice %arg9[%add3A_14, %dma_start3A_96] : memref<10112x128xf32, #tpu.memory_space<vmem_shared>> -> memref<80x128xf32, #tpu.memory_space<vmem_shared>>
      tpu.enqueue_dma source(%arg16 : memref<80x128xf32, #tpu.memory_space<vmem>>) target(%dma_start3A_97 : memref<80x128xf32, #tpu.memory_space<vmem_shared>>) target_semaphore(%run_scoped3A_93 : memref<!tpu.dma_semaphore, #tpu.memory_space<semaphore_mem>>)
      %dma_wait3A_98 = arith.constant 0 : i32
      %dma_wait3A_99 = tpu.memref_slice %arg9[%add3A_14, %dma_wait3A_98] : memref<10112x128xf32, #tpu.memory_space<vmem_shared>> -> memref<80x128xf32, #tpu.memory_space<vmem_shared>>
      %dma_wait3A_100 = arith.constant 0 : i32
      %dma_wait3A_101 = tpu.memref_slice %arg9[%add3A_14, %dma_wait3A_100] : memref<10112x128xf32, #tpu.memory_space<vmem_shared>> -> memref<80x128xf32, #tpu.memory_space<vmem_shared>>
      tpu.wait_dma2 semaphore(%run_scoped3A_93 : memref<!tpu.dma_semaphore, #tpu.memory_space<semaphore_mem>>) src(%arg16 : memref<80x128xf32, #tpu.memory_space<vmem>>) dst(%dma_wait3A_101 : memref<80x128xf32, #tpu.memory_space<vmem_shared>>)
      tpu.yield
    }) : () -> ()
    %add3A_15 = arith.constant 160 : i32
    %add3A_16 = arith.addi %mul3A_5, %add3A_15 : i32
    "tpu.region"() ({
      %run_scoped3A_93 = tpu.sem_alloc : memref<!tpu.dma_semaphore, #tpu.memory_space<semaphore_mem>>
      %dma_start3A_94 = arith.constant 0 : i32
      %dma_start3A_95 = tpu.memref_slice %arg10[%add3A_16, %dma_start3A_94] : memref<10112x16xf32, #tpu.memory_space<vmem_shared>> -> memref<80x16xf32, #tpu.memory_space<vmem_shared>>
      %dma_start3A_96 = arith.constant 0 : i32
      %dma_start3A_97 = tpu.memref_slice %arg10[%add3A_16, %dma_start3A_96] : memref<10112x16xf32, #tpu.memory_space<vmem_shared>> -> memref<80x16xf32, #tpu.memory_space<vmem_shared>>
      tpu.enqueue_dma source(%arg17 : memref<80x16xf32, #tpu.memory_space<vmem>>) target(%dma_start3A_97 : memref<80x16xf32, #tpu.memory_space<vmem_shared>>) target_semaphore(%run_scoped3A_93 : memref<!tpu.dma_semaphore, #tpu.memory_space<semaphore_mem>>)
      %dma_wait3A_98 = arith.constant 0 : i32
      %dma_wait3A_99 = tpu.memref_slice %arg10[%add3A_16, %dma_wait3A_98] : memref<10112x16xf32, #tpu.memory_space<vmem_shared>> -> memref<80x16xf32, #tpu.memory_space<vmem_shared>>
      %dma_wait3A_100 = arith.constant 0 : i32
      %dma_wait3A_101 = tpu.memref_slice %arg10[%add3A_16, %dma_wait3A_100] : memref<10112x16xf32, #tpu.memory_space<vmem_shared>> -> memref<80x16xf32, #tpu.memory_space<vmem_shared>>
      tpu.wait_dma2 semaphore(%run_scoped3A_93 : memref<!tpu.dma_semaphore, #tpu.memory_space<semaphore_mem>>) src(%arg17 : memref<80x16xf32, #tpu.memory_space<vmem>>) dst(%dma_wait3A_101 : memref<80x16xf32, #tpu.memory_space<vmem_shared>>)
      tpu.yield
    }) : () -> ()
    %add3A_17 = arith.constant 240 : i32
    %add3A_18 = arith.addi %mul3A_5, %add3A_17 : i32
    "tpu.region"() ({
      %run_scoped3A_93 = tpu.sem_alloc : memref<!tpu.dma_semaphore, #tpu.memory_space<semaphore_mem>>
      %dma_start3A_94 = arith.constant 0 : i32
      %dma_start3A_95 = tpu.memref_slice %arg9[%add3A_18, %dma_start3A_94] : memref<10112x128xf32, #tpu.memory_space<vmem_shared>> -> memref<80x128xf32, #tpu.memory_space<vmem_shared>>
      %dma_start3A_96 = arith.constant 0 : i32
      %dma_start3A_97 = tpu.memref_slice %arg9[%add3A_18, %dma_start3A_96] : memref<10112x128xf32, #tpu.memory_space<vmem_shared>> -> memref<80x128xf32, #tpu.memory_space<vmem_shared>>
      tpu.enqueue_dma source(%arg16 : memref<80x128xf32, #tpu.memory_space<vmem>>) target(%dma_start3A_97 : memref<80x128xf32, #tpu.memory_space<vmem_shared>>) target_semaphore(%run_scoped3A_93 : memref<!tpu.dma_semaphore, #tpu.memory_space<semaphore_mem>>)
      %dma_wait3A_98 = arith.constant 0 : i32
      %dma_wait3A_99 = tpu.memref_slice %arg9[%add3A_18, %dma_wait3A_98] : memref<10112x128xf32, #tpu.memory_space<vmem_shared>> -> memref<80x128xf32, #tpu.memory_space<vmem_shared>>
      %dma_wait3A_100 = arith.constant 0 : i32
      %dma_wait3A_101 = tpu.memref_slice %arg9[%add3A_18, %dma_wait3A_100] : memref<10112x128xf32, #tpu.memory_space<vmem_shared>> -> memref<80x128xf32, #tpu.memory_space<vmem_shared>>
      tpu.wait_dma2 semaphore(%run_scoped3A_93 : memref<!tpu.dma_semaphore, #tpu.memory_space<semaphore_mem>>) src(%arg16 : memref<80x128xf32, #tpu.memory_space<vmem>>) dst(%dma_wait3A_101 : memref<80x128xf32, #tpu.memory_space<vmem_shared>>)
      tpu.yield
    }) : () -> ()
    %add3A_19 = arith.constant 240 : i32
    %add3A_20 = arith.addi %mul3A_5, %add3A_19 : i32
    "tpu.region"() ({
      %run_scoped3A_93 = tpu.sem_alloc : memref<!tpu.dma_semaphore, #tpu.memory_space<semaphore_mem>>
      %dma_start3A_94 = arith.constant 0 : i32
      %dma_start3A_95 = tpu.memref_slice %arg10[%add3A_20, %dma_start3A_94] : memref<10112x16xf32, #tpu.memory_space<vmem_shared>> -> memref<80x16xf32, #tpu.memory_space<vmem_shared>>
      %dma_start3A_96 = arith.constant 0 : i32
      %dma_start3A_97 = tpu.memref_slice %arg10[%add3A_20, %dma_start3A_96] : memref<10112x16xf32, #tpu.memory_space<vmem_shared>> -> memref<80x16xf32, #tpu.memory_space<vmem_shared>>
      tpu.enqueue_dma source(%arg17 : memref<80x16xf32, #tpu.memory_space<vmem>>) target(%dma_start3A_97 : memref<80x16xf32, #tpu.memory_space<vmem_shared>>) target_semaphore(%run_scoped3A_93 : memref<!tpu.dma_semaphore, #tpu.memory_space<semaphore_mem>>)
      %dma_wait3A_98 = arith.constant 0 : i32
      %dma_wait3A_99 = tpu.memref_slice %arg10[%add3A_20, %dma_wait3A_98] : memref<10112x16xf32, #tpu.memory_space<vmem_shared>> -> memref<80x16xf32, #tpu.memory_space<vmem_shared>>
      %dma_wait3A_100 = arith.constant 0 : i32
      %dma_wait3A_101 = tpu.memref_slice %arg10[%add3A_20, %dma_wait3A_100] : memref<10112x16xf32, #tpu.memory_space<vmem_shared>> -> memref<80x16xf32, #tpu.memory_space<vmem_shared>>
      tpu.wait_dma2 semaphore(%run_scoped3A_93 : memref<!tpu.dma_semaphore, #tpu.memory_space<semaphore_mem>>) src(%arg17 : memref<80x16xf32, #tpu.memory_space<vmem>>) dst(%dma_wait3A_101 : memref<80x16xf32, #tpu.memory_space<vmem_shared>>)
      tpu.yield
    }) : () -> ()
    %add3A_21 = arith.constant 320 : i32
    %add3A_22 = arith.addi %mul3A_5, %add3A_21 : i32
    "tpu.region"() ({
      %run_scoped3A_93 = tpu.sem_alloc : memref<!tpu.dma_semaphore, #tpu.memory_space<semaphore_mem>>
      %dma_start3A_94 = arith.constant 0 : i32
      %dma_start3A_95 = tpu.memref_slice %arg9[%add3A_22, %dma_start3A_94] : memref<10112x128xf32, #tpu.memory_space<vmem_shared>> -> memref<80x128xf32, #tpu.memory_space<vmem_shared>>
      %dma_start3A_96 = arith.constant 0 : i32
      %dma_start3A_97 = tpu.memref_slice %arg9[%add3A_22, %dma_start3A_96] : memref<10112x128xf32, #tpu.memory_space<vmem_shared>> -> memref<80x128xf32, #tpu.memory_space<vmem_shared>>
      tpu.enqueue_dma source(%arg16 : memref<80x128xf32, #tpu.memory_space<vmem>>) target(%dma_start3A_97 : memref<80x128xf32, #tpu.memory_space<vmem_shared>>) target_semaphore(%run_scoped3A_93 : memref<!tpu.dma_semaphore, #tpu.memory_space<semaphore_mem>>)
      %dma_wait3A_98 = arith.constant 0 : i32
      %dma_wait3A_99 = tpu.memref_slice %arg9[%add3A_22, %dma_wait3A_98] : memref<10112x128xf32, #tpu.memory_space<vmem_shared>> -> memref<80x128xf32, #tpu.memory_space<vmem_shared>>
      %dma_wait3A_100 = arith.constant 0 : i32
      %dma_wait3A_101 = tpu.memref_slice %arg9[%add3A_22, %dma_wait3A_100] : memref<10112x128xf32, #tpu.memory_space<vmem_shared>> -> memref<80x128xf32, #tpu.memory_space<vmem_shared>>
      tpu.wait_dma2 semaphore(%run_scoped3A_93 : memref<!tpu.dma_semaphore, #tpu.memory_space<semaphore_mem>>) src(%arg16 : memref<80x128xf32, #tpu.memory_space<vmem>>) dst(%dma_wait3A_101 : memref<80x128xf32, #tpu.memory_space<vmem_shared>>)
      tpu.yield
    }) : () -> ()
    %add3A_23 = arith.constant 320 : i32
    %add3A_24 = arith.addi %mul3A_5, %add3A_23 : i32
    "tpu.region"() ({
      %run_scoped3A_93 = tpu.sem_alloc : memref<!tpu.dma_semaphore, #tpu.memory_space<semaphore_mem>>
      %dma_start3A_94 = arith.constant 0 : i32
      %dma_start3A_95 = tpu.memref_slice %arg10[%add3A_24, %dma_start3A_94] : memref<10112x16xf32, #tpu.memory_space<vmem_shared>> -> memref<80x16xf32, #tpu.memory_space<vmem_shared>>
      %dma_start3A_96 = arith.constant 0 : i32
      %dma_start3A_97 = tpu.memref_slice %arg10[%add3A_24, %dma_start3A_96] : memref<10112x16xf32, #tpu.memory_space<vmem_shared>> -> memref<80x16xf32, #tpu.memory_space<vmem_shared>>
      tpu.enqueue_dma source(%arg17 : memref<80x16xf32, #tpu.memory_space<vmem>>) target(%dma_start3A_97 : memref<80x16xf32, #tpu.memory_space<vmem_shared>>) target_semaphore(%run_scoped3A_93 : memref<!tpu.dma_semaphore, #tpu.memory_space<semaphore_mem>>)
      %dma_wait3A_98 = arith.constant 0 : i32
      %dma_wait3A_99 = tpu.memref_slice %arg10[%add3A_24, %dma_wait3A_98] : memref<10112x16xf32, #tpu.memory_space<vmem_shared>> -> memref<80x16xf32, #tpu.memory_space<vmem_shared>>
      %dma_wait3A_100 = arith.constant 0 : i32
      %dma_wait3A_101 = tpu.memref_slice %arg10[%add3A_24, %dma_wait3A_100] : memref<10112x16xf32, #tpu.memory_space<vmem_shared>> -> memref<80x16xf32, #tpu.memory_space<vmem_shared>>
      tpu.wait_dma2 semaphore(%run_scoped3A_93 : memref<!tpu.dma_semaphore, #tpu.memory_space<semaphore_mem>>) src(%arg17 : memref<80x16xf32, #tpu.memory_space<vmem>>) dst(%dma_wait3A_101 : memref<80x16xf32, #tpu.memory_space<vmem_shared>>)
      tpu.yield
    }) : () -> ()
    %add3A_25 = arith.constant 400 : i32
    %add3A_26 = arith.addi %mul3A_5, %add3A_25 : i32
    "tpu.region"() ({
      %run_scoped3A_93 = tpu.sem_alloc : memref<!tpu.dma_semaphore, #tpu.memory_space<semaphore_mem>>
      %dma_start3A_94 = arith.constant 0 : i32
      %dma_start3A_95 = tpu.memref_slice %arg9[%add3A_26, %dma_start3A_94] : memref<10112x128xf32, #tpu.memory_space<vmem_shared>> -> memref<80x128xf32, #tpu.memory_space<vmem_shared>>
      %dma_start3A_96 = arith.constant 0 : i32
      %dma_start3A_97 = tpu.memref_slice %arg9[%add3A_26, %dma_start3A_96] : memref<10112x128xf32, #tpu.memory_space<vmem_shared>> -> memref<80x128xf32, #tpu.memory_space<vmem_shared>>
      tpu.enqueue_dma source(%arg16 : memref<80x128xf32, #tpu.memory_space<vmem>>) target(%dma_start3A_97 : memref<80x128xf32, #tpu.memory_space<vmem_shared>>) target_semaphore(%run_scoped3A_93 : memref<!tpu.dma_semaphore, #tpu.memory_space<semaphore_mem>>)
      %dma_wait3A_98 = arith.constant 0 : i32
      %dma_wait3A_99 = tpu.memref_slice %arg9[%add3A_26, %dma_wait3A_98] : memref<10112x128xf32, #tpu.memory_space<vmem_shared>> -> memref<80x128xf32, #tpu.memory_space<vmem_shared>>
      %dma_wait3A_100 = arith.constant 0 : i32
      %dma_wait3A_101 = tpu.memref_slice %arg9[%add3A_26, %dma_wait3A_100] : memref<10112x128xf32, #tpu.memory_space<vmem_shared>> -> memref<80x128xf32, #tpu.memory_space<vmem_shared>>
      tpu.wait_dma2 semaphore(%run_scoped3A_93 : memref<!tpu.dma_semaphore, #tpu.memory_space<semaphore_mem>>) src(%arg16 : memref<80x128xf32, #tpu.memory_space<vmem>>) dst(%dma_wait3A_101 : memref<80x128xf32, #tpu.memory_space<vmem_shared>>)
      tpu.yield
    }) : () -> ()
    %add3A_27 = arith.constant 400 : i32
    %add3A_28 = arith.addi %mul3A_5, %add3A_27 : i32
    "tpu.region"() ({
      %run_scoped3A_93 = tpu.sem_alloc : memref<!tpu.dma_semaphore, #tpu.memory_space<semaphore_mem>>
      %dma_start3A_94 = arith.constant 0 : i32
      %dma_start3A_95 = tpu.memref_slice %arg10[%add3A_28, %dma_start3A_94] : memref<10112x16xf32, #tpu.memory_space<vmem_shared>> -> memref<80x16xf32, #tpu.memory_space<vmem_shared>>
      %dma_start3A_96 = arith.constant 0 : i32
      %dma_start3A_97 = tpu.memref_slice %arg10[%add3A_28, %dma_start3A_96] : memref<10112x16xf32, #tpu.memory_space<vmem_shared>> -> memref<80x16xf32, #tpu.memory_space<vmem_shared>>
      tpu.enqueue_dma source(%arg17 : memref<80x16xf32, #tpu.memory_space<vmem>>) target(%dma_start3A_97 : memref<80x16xf32, #tpu.memory_space<vmem_shared>>) target_semaphore(%run_scoped3A_93 : memref<!tpu.dma_semaphore, #tpu.memory_space<semaphore_mem>>)
      %dma_wait3A_98 = arith.constant 0 : i32
      %dma_wait3A_99 = tpu.memref_slice %arg10[%add3A_28, %dma_wait3A_98] : memref<10112x16xf32, #tpu.memory_space<vmem_shared>> -> memref<80x16xf32, #tpu.memory_space<vmem_shared>>
      %dma_wait3A_100 = arith.constant 0 : i32
      %dma_wait3A_101 = tpu.memref_slice %arg10[%add3A_28, %dma_wait3A_100] : memref<10112x16xf32, #tpu.memory_space<vmem_shared>> -> memref<80x16xf32, #tpu.memory_space<vmem_shared>>
      tpu.wait_dma2 semaphore(%run_scoped3A_93 : memref<!tpu.dma_semaphore, #tpu.memory_space<semaphore_mem>>) src(%arg17 : memref<80x16xf32, #tpu.memory_space<vmem>>) dst(%dma_wait3A_101 : memref<80x16xf32, #tpu.memory_space<vmem_shared>>)
      tpu.yield
    }) : () -> ()
    %add3A_29 = arith.constant 480 : i32
    %add3A_30 = arith.addi %mul3A_5, %add3A_29 : i32
    "tpu.region"() ({
      %run_scoped3A_93 = tpu.sem_alloc : memref<!tpu.dma_semaphore, #tpu.memory_space<semaphore_mem>>
      %dma_start3A_94 = arith.constant 0 : i32
      %dma_start3A_95 = tpu.memref_slice %arg9[%add3A_30, %dma_start3A_94] : memref<10112x128xf32, #tpu.memory_space<vmem_shared>> -> memref<80x128xf32, #tpu.memory_space<vmem_shared>>
      %dma_start3A_96 = arith.constant 0 : i32
      %dma_start3A_97 = tpu.memref_slice %arg9[%add3A_30, %dma_start3A_96] : memref<10112x128xf32, #tpu.memory_space<vmem_shared>> -> memref<80x128xf32, #tpu.memory_space<vmem_shared>>
      tpu.enqueue_dma source(%arg16 : memref<80x128xf32, #tpu.memory_space<vmem>>) target(%dma_start3A_97 : memref<80x128xf32, #tpu.memory_space<vmem_shared>>) target_semaphore(%run_scoped3A_93 : memref<!tpu.dma_semaphore, #tpu.memory_space<semaphore_mem>>)
      %dma_wait3A_98 = arith.constant 0 : i32
      %dma_wait3A_99 = tpu.memref_slice %arg9[%add3A_30, %dma_wait3A_98] : memref<10112x128xf32, #tpu.memory_space<vmem_shared>> -> memref<80x128xf32, #tpu.memory_space<vmem_shared>>
      %dma_wait3A_100 = arith.constant 0 : i32
      %dma_wait3A_101 = tpu.memref_slice %arg9[%add3A_30, %dma_wait3A_100] : memref<10112x128xf32, #tpu.memory_space<vmem_shared>> -> memref<80x128xf32, #tpu.memory_space<vmem_shared>>
      tpu.wait_dma2 semaphore(%run_scoped3A_93 : memref<!tpu.dma_semaphore, #tpu.memory_space<semaphore_mem>>) src(%arg16 : memref<80x128xf32, #tpu.memory_space<vmem>>) dst(%dma_wait3A_101 : memref<80x128xf32, #tpu.memory_space<vmem_shared>>)
      tpu.yield
    }) : () -> ()
    %add3A_31 = arith.constant 480 : i32
    %add3A_32 = arith.addi %mul3A_5, %add3A_31 : i32
    "tpu.region"() ({
      %run_scoped3A_93 = tpu.sem_alloc : memref<!tpu.dma_semaphore, #tpu.memory_space<semaphore_mem>>
      %dma_start3A_94 = arith.constant 0 : i32
      %dma_start3A_95 = tpu.memref_slice %arg10[%add3A_32, %dma_start3A_94] : memref<10112x16xf32, #tpu.memory_space<vmem_shared>> -> memref<80x16xf32, #tpu.memory_space<vmem_shared>>
      %dma_start3A_96 = arith.constant 0 : i32
      %dma_start3A_97 = tpu.memref_slice %arg10[%add3A_32, %dma_start3A_96] : memref<10112x16xf32, #tpu.memory_space<vmem_shared>> -> memref<80x16xf32, #tpu.memory_space<vmem_shared>>
      tpu.enqueue_dma source(%arg17 : memref<80x16xf32, #tpu.memory_space<vmem>>) target(%dma_start3A_97 : memref<80x16xf32, #tpu.memory_space<vmem_shared>>) target_semaphore(%run_scoped3A_93 : memref<!tpu.dma_semaphore, #tpu.memory_space<semaphore_mem>>)
      %dma_wait3A_98 = arith.constant 0 : i32
      %dma_wait3A_99 = tpu.memref_slice %arg10[%add3A_32, %dma_wait3A_98] : memref<10112x16xf32, #tpu.memory_space<vmem_shared>> -> memref<80x16xf32, #tpu.memory_space<vmem_shared>>
      %dma_wait3A_100 = arith.constant 0 : i32
      %dma_wait3A_101 = tpu.memref_slice %arg10[%add3A_32, %dma_wait3A_100] : memref<10112x16xf32, #tpu.memory_space<vmem_shared>> -> memref<80x16xf32, #tpu.memory_space<vmem_shared>>
      tpu.wait_dma2 semaphore(%run_scoped3A_93 : memref<!tpu.dma_semaphore, #tpu.memory_space<semaphore_mem>>) src(%arg17 : memref<80x16xf32, #tpu.memory_space<vmem>>) dst(%dma_wait3A_101 : memref<80x16xf32, #tpu.memory_space<vmem_shared>>)
      tpu.yield
    }) : () -> ()
    %add3A_33 = arith.constant 560 : i32
    %add3A_34 = arith.addi %mul3A_5, %add3A_33 : i32
    "tpu.region"() ({
      %run_scoped3A_93 = tpu.sem_alloc : memref<!tpu.dma_semaphore, #tpu.memory_space<semaphore_mem>>
      %dma_start3A_94 = arith.constant 0 : i32
      %dma_start3A_95 = arith.constant 0 : i32
      %dma_start3A_96 = tpu.memref_slice %arg16[%dma_start3A_94, %dma_start3A_95] : memref<80x128xf32, #tpu.memory_space<vmem>> -> memref<72x128xf32, #tpu.memory_space<vmem>>
      %dma_start3A_97 = arith.constant 0 : i32
      %dma_start3A_98 = tpu.memref_slice %arg9[%add3A_34, %dma_start3A_97] : memref<10112x128xf32, #tpu.memory_space<vmem_shared>> -> memref<72x128xf32, #tpu.memory_space<vmem_shared>>
      %dma_start3A_99 = arith.constant 0 : i32
      %dma_start3A_100 = tpu.memref_slice %arg9[%add3A_34, %dma_start3A_99] : memref<10112x128xf32, #tpu.memory_space<vmem_shared>> -> memref<72x128xf32, #tpu.memory_space<vmem_shared>>
      %dma_start3A_101 = arith.constant 0 : i32
      %dma_start3A_102 = arith.constant 0 : i32
      %dma_start3A_103 = tpu.memref_slice %arg16[%dma_start3A_101, %dma_start3A_102] : memref<80x128xf32, #tpu.memory_space<vmem>> -> memref<72x128xf32, #tpu.memory_space<vmem>>
      tpu.enqueue_dma source(%dma_start3A_103 : memref<72x128xf32, #tpu.memory_space<vmem>>) target(%dma_start3A_100 : memref<72x128xf32, #tpu.memory_space<vmem_shared>>) target_semaphore(%run_scoped3A_93 : memref<!tpu.dma_semaphore, #tpu.memory_space<semaphore_mem>>)
      %dma_wait3A_104 = arith.constant 0 : i32
      %dma_wait3A_105 = arith.constant 0 : i32
      %dma_wait3A_106 = tpu.memref_slice %arg16[%dma_wait3A_104, %dma_wait3A_105] : memref<80x128xf32, #tpu.memory_space<vmem>> -> memref<72x128xf32, #tpu.memory_space<vmem>>
      %dma_wait3A_107 = arith.constant 0 : i32
      %dma_wait3A_108 = tpu.memref_slice %arg9[%add3A_34, %dma_wait3A_107] : memref<10112x128xf32, #tpu.memory_space<vmem_shared>> -> memref<72x128xf32, #tpu.memory_space<vmem_shared>>
      %dma_wait3A_109 = arith.constant 0 : i32
      %dma_wait3A_110 = tpu.memref_slice %arg9[%add3A_34, %dma_wait3A_109] : memref<10112x128xf32, #tpu.memory_space<vmem_shared>> -> memref<72x128xf32, #tpu.memory_space<vmem_shared>>
      %dma_wait3A_111 = arith.constant 0 : i32
      %dma_wait3A_112 = arith.constant 0 : i32
      %dma_wait3A_113 = tpu.memref_slice %arg16[%dma_wait3A_111, %dma_wait3A_112] : memref<80x128xf32, #tpu.memory_space<vmem>> -> memref<72x128xf32, #tpu.memory_space<vmem>>
      tpu.wait_dma2 semaphore(%run_scoped3A_93 : memref<!tpu.dma_semaphore, #tpu.memory_space<semaphore_mem>>) src(%dma_wait3A_113 : memref<72x128xf32, #tpu.memory_space<vmem>>) dst(%dma_wait3A_110 : memref<72x128xf32, #tpu.memory_space<vmem_shared>>)
      tpu.yield
    }) : () -> ()
    "tpu.region"() ({
      %run_scoped3A_93 = tpu.sem_alloc : memref<!tpu.dma_semaphore, #tpu.memory_space<semaphore_mem>>
      %dma_start3A_94 = arith.constant 0 : i32
      %dma_start3A_95 = arith.constant 0 : i32
      %dma_start3A_96 = tpu.memref_slice %arg17[%dma_start3A_94, %dma_start3A_95] : memref<80x16xf32, #tpu.memory_space<vmem>> -> memref<72x16xf32, #tpu.memory_space<vmem>>
      %dma_start3A_97 = arith.constant 0 : i32
      %dma_start3A_98 = tpu.memref_slice %arg10[%add3A_34, %dma_start3A_97] : memref<10112x16xf32, #tpu.memory_space<vmem_shared>> -> memref<72x16xf32, #tpu.memory_space<vmem_shared>>
      %dma_start3A_99 = arith.constant 0 : i32
      %dma_start3A_100 = tpu.memref_slice %arg10[%add3A_34, %dma_start3A_99] : memref<10112x16xf32, #tpu.memory_space<vmem_shared>> -> memref<72x16xf32, #tpu.memory_space<vmem_shared>>
      %dma_start3A_101 = arith.constant 0 : i32
      %dma_start3A_102 = arith.constant 0 : i32
      %dma_start3A_103 = tpu.memref_slice %arg17[%dma_start3A_101, %dma_start3A_102] : memref<80x16xf32, #tpu.memory_space<vmem>> -> memref<72x16xf32, #tpu.memory_space<vmem>>
      tpu.enqueue_dma source(%dma_start3A_103 : memref<72x16xf32, #tpu.memory_space<vmem>>) target(%dma_start3A_100 : memref<72x16xf32, #tpu.memory_space<vmem_shared>>) target_semaphore(%run_scoped3A_93 : memref<!tpu.dma_semaphore, #tpu.memory_space<semaphore_mem>>)
      %dma_wait3A_104 = arith.constant 0 : i32
      %dma_wait3A_105 = arith.constant 0 : i32
      %dma_wait3A_106 = tpu.memref_slice %arg17[%dma_wait3A_104, %dma_wait3A_105] : memref<80x16xf32, #tpu.memory_space<vmem>> -> memref<72x16xf32, #tpu.memory_space<vmem>>
      %dma_wait3A_107 = arith.constant 0 : i32
      %dma_wait3A_108 = tpu.memref_slice %arg10[%add3A_34, %dma_wait3A_107] : memref<10112x16xf32, #tpu.memory_space<vmem_shared>> -> memref<72x16xf32, #tpu.memory_space<vmem_shared>>
      %dma_wait3A_109 = arith.constant 0 : i32
      %dma_wait3A_110 = tpu.memref_slice %arg10[%add3A_34, %dma_wait3A_109] : memref<10112x16xf32, #tpu.memory_space<vmem_shared>> -> memref<72x16xf32, #tpu.memory_space<vmem_shared>>
      %dma_wait3A_111 = arith.constant 0 : i32
      %dma_wait3A_112 = arith.constant 0 : i32
      %dma_wait3A_113 = tpu.memref_slice %arg17[%dma_wait3A_111, %dma_wait3A_112] : memref<80x16xf32, #tpu.memory_space<vmem>> -> memref<72x16xf32, #tpu.memory_space<vmem>>
      tpu.wait_dma2 semaphore(%run_scoped3A_93 : memref<!tpu.dma_semaphore, #tpu.memory_space<semaphore_mem>>) src(%dma_wait3A_113 : memref<72x16xf32, #tpu.memory_space<vmem>>) dst(%dma_wait3A_110 : memref<72x16xf32, #tpu.memory_space<vmem_shared>>)
      tpu.yield
    }) : () -> ()
    %barrier3A = arith.constant 0 : index
    tpu.barrier barrier_id(%barrier3A)
    %mul3A_35 = arith.constant 16 : i32
    %mul3A_36 = arith.muli %arg0, %mul3A_35 : i32
    %add3A_37 = arith.addi %mul3A_36, %arg1 : i32
    %mul3A_38 = arith.constant 10000 : i32
    %mul3A_39 = arith.muli %add3A_37, %mul3A_38 : i32
    %iota3A = tpu.iota {dimensions = array<i32: 0>} : vector<16xi32>
    %run_scoped3A = arith.constant 0 : i32
    %run_scoped3A_40 = arith.constant 0 : i32
    "tpu.region"() ({
      %run_scoped3A_93 = tpu.sem_alloc : memref<!tpu.dma_semaphore, #tpu.memory_space<semaphore_mem>>
      %dma_start3A_94 = arith.constant 0 : i32
      %dma_start3A_95 = tpu.memref_slice %arg11[%run_scoped3A_40, %dma_start3A_94] : memref<2x80xi32, #tpu.memory_space<vmem>> -> memref<1x80xi32, #tpu.memory_space<vmem>>
      %dma_start3A_96 = tpu.memref_squeeze %dma_start3A_95 : memref<1x80xi32, #tpu.memory_space<vmem>> -> memref<80xi32, #tpu.memory_space<vmem>>
      %dma_start3A_97 = tpu.memref_slice %arg5[%run_scoped3A, %mul3A_39] : memref<2x320000xi32, #tpu.memory_space<hbm>> -> memref<1x80xi32, #tpu.memory_space<hbm>>
      %dma_start3A_98 = tpu.memref_squeeze %dma_start3A_97 : memref<1x80xi32, #tpu.memory_space<hbm>> -> memref<80xi32, #tpu.memory_space<hbm>>
      %dma_start3A_99 = arith.constant 0 : i32
      %dma_start3A_100 = tpu.memref_slice %arg11[%run_scoped3A_40, %dma_start3A_99] : memref<2x80xi32, #tpu.memory_space<vmem>> -> memref<1x80xi32, #tpu.memory_space<vmem>>
      %dma_start3A_101 = tpu.memref_squeeze %dma_start3A_100 : memref<1x80xi32, #tpu.memory_space<vmem>> -> memref<80xi32, #tpu.memory_space<vmem>>
      %dma_start3A_102 = tpu.memref_slice %arg5[%run_scoped3A, %mul3A_39] : memref<2x320000xi32, #tpu.memory_space<hbm>> -> memref<1x80xi32, #tpu.memory_space<hbm>>
      %dma_start3A_103 = tpu.memref_squeeze %dma_start3A_102 : memref<1x80xi32, #tpu.memory_space<hbm>> -> memref<80xi32, #tpu.memory_space<hbm>>
      tpu.enqueue_dma source(%dma_start3A_103 : memref<80xi32, #tpu.memory_space<hbm>>) target(%dma_start3A_101 : memref<80xi32, #tpu.memory_space<vmem>>) target_semaphore(%run_scoped3A_93 : memref<!tpu.dma_semaphore, #tpu.memory_space<semaphore_mem>>)
      %dma_wait3A_104 = arith.constant 0 : i32
      %dma_wait3A_105 = tpu.memref_slice %arg11[%run_scoped3A_40, %dma_wait3A_104] : memref<2x80xi32, #tpu.memory_space<vmem>> -> memref<1x80xi32, #tpu.memory_space<vmem>>
      %dma_wait3A_106 = tpu.memref_squeeze %dma_wait3A_105 : memref<1x80xi32, #tpu.memory_space<vmem>> -> memref<80xi32, #tpu.memory_space<vmem>>
      %dma_wait3A_107 = tpu.memref_slice %arg5[%run_scoped3A, %mul3A_39] : memref<2x320000xi32, #tpu.memory_space<hbm>> -> memref<1x80xi32, #tpu.memory_space<hbm>>
      %dma_wait3A_108 = tpu.memref_squeeze %dma_wait3A_107 : memref<1x80xi32, #tpu.memory_space<hbm>> -> memref<80xi32, #tpu.memory_space<hbm>>
      %dma_wait3A_109 = arith.constant 0 : i32
      %dma_wait3A_110 = tpu.memref_slice %arg11[%run_scoped3A_40, %dma_wait3A_109] : memref<2x80xi32, #tpu.memory_space<vmem>> -> memref<1x80xi32, #tpu.memory_space<vmem>>
      %dma_wait3A_111 = tpu.memref_squeeze %dma_wait3A_110 : memref<1x80xi32, #tpu.memory_space<vmem>> -> memref<80xi32, #tpu.memory_space<vmem>>
      %dma_wait3A_112 = tpu.memref_slice %arg5[%run_scoped3A, %mul3A_39] : memref<2x320000xi32, #tpu.memory_space<hbm>> -> memref<1x80xi32, #tpu.memory_space<hbm>>
      %dma_wait3A_113 = tpu.memref_squeeze %dma_wait3A_112 : memref<1x80xi32, #tpu.memory_space<hbm>> -> memref<80xi32, #tpu.memory_space<hbm>>
      tpu.wait_dma2 semaphore(%run_scoped3A_93 : memref<!tpu.dma_semaphore, #tpu.memory_space<semaphore_mem>>) src(%dma_wait3A_113 : memref<80xi32, #tpu.memory_space<hbm>>) dst(%dma_wait3A_111 : memref<80xi32, #tpu.memory_space<vmem>>)
      tpu.yield
    }) : () -> ()
    %run_scoped3A_41 = arith.constant 1 : i32
    %run_scoped3A_42 = arith.constant 0 : i32
    "tpu.region"() ({
      %run_scoped3A_93 = tpu.sem_alloc : memref<!tpu.dma_semaphore, #tpu.memory_space<semaphore_mem>>
      %dma_start3A_94 = arith.constant 0 : i32
      %dma_start3A_95 = tpu.memref_slice %arg12[%run_scoped3A_42, %dma_start3A_94] : memref<2x80xi32, #tpu.memory_space<vmem>> -> memref<1x80xi32, #tpu.memory_space<vmem>>
      %dma_start3A_96 = tpu.memref_squeeze %dma_start3A_95 : memref<1x80xi32, #tpu.memory_space<vmem>> -> memref<80xi32, #tpu.memory_space<vmem>>
      %dma_start3A_97 = tpu.memref_slice %arg5[%run_scoped3A_41, %mul3A_39] : memref<2x320000xi32, #tpu.memory_space<hbm>> -> memref<1x80xi32, #tpu.memory_space<hbm>>
      %dma_start3A_98 = tpu.memref_squeeze %dma_start3A_97 : memref<1x80xi32, #tpu.memory_space<hbm>> -> memref<80xi32, #tpu.memory_space<hbm>>
      %dma_start3A_99 = arith.constant 0 : i32
      %dma_start3A_100 = tpu.memref_slice %arg12[%run_scoped3A_42, %dma_start3A_99] : memref<2x80xi32, #tpu.memory_space<vmem>> -> memref<1x80xi32, #tpu.memory_space<vmem>>
      %dma_start3A_101 = tpu.memref_squeeze %dma_start3A_100 : memref<1x80xi32, #tpu.memory_space<vmem>> -> memref<80xi32, #tpu.memory_space<vmem>>
      %dma_start3A_102 = tpu.memref_slice %arg5[%run_scoped3A_41, %mul3A_39] : memref<2x320000xi32, #tpu.memory_space<hbm>> -> memref<1x80xi32, #tpu.memory_space<hbm>>
      %dma_start3A_103 = tpu.memref_squeeze %dma_start3A_102 : memref<1x80xi32, #tpu.memory_space<hbm>> -> memref<80xi32, #tpu.memory_space<hbm>>
      tpu.enqueue_dma source(%dma_start3A_103 : memref<80xi32, #tpu.memory_space<hbm>>) target(%dma_start3A_101 : memref<80xi32, #tpu.memory_space<vmem>>) target_semaphore(%run_scoped3A_93 : memref<!tpu.dma_semaphore, #tpu.memory_space<semaphore_mem>>)
      %dma_wait3A_104 = arith.constant 0 : i32
      %dma_wait3A_105 = tpu.memref_slice %arg12[%run_scoped3A_42, %dma_wait3A_104] : memref<2x80xi32, #tpu.memory_space<vmem>> -> memref<1x80xi32, #tpu.memory_space<vmem>>
      %dma_wait3A_106 = tpu.memref_squeeze %dma_wait3A_105 : memref<1x80xi32, #tpu.memory_space<vmem>> -> memref<80xi32, #tpu.memory_space<vmem>>
      %dma_wait3A_107 = tpu.memref_slice %arg5[%run_scoped3A_41, %mul3A_39] : memref<2x320000xi32, #tpu.memory_space<hbm>> -> memref<1x80xi32, #tpu.memory_space<hbm>>
      %dma_wait3A_108 = tpu.memref_squeeze %dma_wait3A_107 : memref<1x80xi32, #tpu.memory_space<hbm>> -> memref<80xi32, #tpu.memory_space<hbm>>
      %dma_wait3A_109 = arith.constant 0 : i32
      %dma_wait3A_110 = tpu.memref_slice %arg12[%run_scoped3A_42, %dma_wait3A_109] : memref<2x80xi32, #tpu.memory_space<vmem>> -> memref<1x80xi32, #tpu.memory_space<vmem>>
      %dma_wait3A_111 = tpu.memref_squeeze %dma_wait3A_110 : memref<1x80xi32, #tpu.memory_space<vmem>> -> memref<80xi32, #tpu.memory_space<vmem>>
      %dma_wait3A_112 = tpu.memref_slice %arg5[%run_scoped3A_41, %mul3A_39] : memref<2x320000xi32, #tpu.memory_space<hbm>> -> memref<1x80xi32, #tpu.memory_space<hbm>>
      %dma_wait3A_113 = tpu.memref_squeeze %dma_wait3A_112 : memref<1x80xi32, #tpu.memory_space<hbm>> -> memref<80xi32, #tpu.memory_space<hbm>>
      tpu.wait_dma2 semaphore(%run_scoped3A_93 : memref<!tpu.dma_semaphore, #tpu.memory_space<semaphore_mem>>) src(%dma_wait3A_113 : memref<80xi32, #tpu.memory_space<hbm>>) dst(%dma_wait3A_111 : memref<80xi32, #tpu.memory_space<vmem>>)
      tpu.yield
    }) : () -> ()
    %jit3A = arith.constant 80 : i32
    %div3A = arith.divsi %mul3A_39, %jit3A : i32
    %sign3A = arith.constant 0 : i32
    %sign3A_43 = arith.cmpi sgt, %mul3A_39, %sign3A : i32
    %sign3A_44 = arith.extui %sign3A_43 : i1 to i32
    %sign3A_45 = arith.constant 0 : i32
    %sign3A_46 = arith.cmpi slt, %mul3A_39, %sign3A_45 : i32
    %sign3A_47 = arith.extui %sign3A_46 : i1 to i32
    %sign3A_48 = arith.subi %sign3A_44, %sign3A_47 : i32
    %sign3A_49 = arith.constant 0 : i32
    %sign3A_50 = arith.cmpi sgt, %jit3A, %sign3A_49 : i32
    %sign3A_51 = arith.extui %sign3A_50 : i1 to i32
    %sign3A_52 = arith.constant 0 : i32
    %sign3A_53 = arith.cmpi slt, %jit3A, %sign3A_52 : i32
    %sign3A_54 = arith.extui %sign3A_53 : i1 to i32
    %sign3A_55 = arith.subi %sign3A_51, %sign3A_54 : i32
    %ne3A = arith.cmpi ne, %sign3A_48, %sign3A_55 : i32
    %rem3A = arith.remsi %mul3A_39, %jit3A : i32
    %ne3A_56 = arith.constant 0 : i32
    %ne3A_57 = arith.cmpi ne, %rem3A, %ne3A_56 : i32
    %and3A = arith.andi %ne3A, %ne3A_57 : i1
    %sub3A = arith.constant 1 : i32
    %sub3A_58 = arith.subi %div3A, %sub3A : i32
    %select_n3A = arith.select %and3A, %sub3A_58, %div3A : i32
    %run_scoped3A_59 = arith.constant 0 : i32
    "tpu.region"() ({
      %run_scoped3A_93 = tpu.sem_alloc : memref<!tpu.dma_semaphore, #tpu.memory_space<semaphore_mem>>
      %dma_start3A_94 = arith.constant 0 : i32
      %dma_start3A_95 = tpu.memref_slice %arg13[%run_scoped3A_59, %dma_start3A_94] : memref<2x648xf32, #tpu.memory_space<vmem>> -> memref<1x640xf32, #tpu.memory_space<vmem>>
      %dma_start3A_96 = tpu.memref_squeeze %dma_start3A_95 : memref<1x640xf32, #tpu.memory_space<vmem>> -> memref<640xf32, #tpu.memory_space<vmem>>
      %dma_start3A_97 = arith.constant 0 : i32
      %dma_start3A_98 = tpu.memref_slice %arg6[%select_n3A, %dma_start3A_97] : memref<4000x640xf32, #tpu.memory_space<hbm>> -> memref<1x640xf32, #tpu.memory_space<hbm>>
      %dma_start3A_99 = tpu.memref_squeeze %dma_start3A_98 : memref<1x640xf32, #tpu.memory_space<hbm>> -> memref<640xf32, #tpu.memory_space<hbm>>
      %dma_start3A_100 = arith.constant 0 : i32
      %dma_start3A_101 = tpu.memref_slice %arg13[%run_scoped3A_59, %dma_start3A_100] : memref<2x648xf32, #tpu.memory_space<vmem>> -> memref<1x640xf32, #tpu.memory_space<vmem>>
      %dma_start3A_102 = tpu.memref_squeeze %dma_start3A_101 : memref<1x640xf32, #tpu.memory_space<vmem>> -> memref<640xf32, #tpu.memory_space<vmem>>
      %dma_start3A_103 = arith.constant 0 : i32
      %dma_start3A_104 = tpu.memref_slice %arg6[%select_n3A, %dma_start3A_103] : memref<4000x640xf32, #tpu.memory_space<hbm>> -> memref<1x640xf32, #tpu.memory_space<hbm>>
      %dma_start3A_105 = tpu.memref_squeeze %dma_start3A_104 : memref<1x640xf32, #tpu.memory_space<hbm>> -> memref<640xf32, #tpu.memory_space<hbm>>
      tpu.enqueue_dma source(%dma_start3A_105 : memref<640xf32, #tpu.memory_space<hbm>>) target(%dma_start3A_102 : memref<640xf32, #tpu.memory_space<vmem>>) target_semaphore(%run_scoped3A_93 : memref<!tpu.dma_semaphore, #tpu.memory_space<semaphore_mem>>)
      %dma_wait3A_106 = arith.constant 0 : i32
      %dma_wait3A_107 = tpu.memref_slice %arg13[%run_scoped3A_59, %dma_wait3A_106] : memref<2x648xf32, #tpu.memory_space<vmem>> -> memref<1x640xf32, #tpu.memory_space<vmem>>
      %dma_wait3A_108 = tpu.memref_squeeze %dma_wait3A_107 : memref<1x640xf32, #tpu.memory_space<vmem>> -> memref<640xf32, #tpu.memory_space<vmem>>
      %dma_wait3A_109 = arith.constant 0 : i32
      %dma_wait3A_110 = tpu.memref_slice %arg6[%select_n3A, %dma_wait3A_109] : memref<4000x640xf32, #tpu.memory_space<hbm>> -> memref<1x640xf32, #tpu.memory_space<hbm>>
      %dma_wait3A_111 = tpu.memref_squeeze %dma_wait3A_110 : memref<1x640xf32, #tpu.memory_space<hbm>> -> memref<640xf32, #tpu.memory_space<hbm>>
      %dma_wait3A_112 = arith.constant 0 : i32
      %dma_wait3A_113 = tpu.memref_slice %arg13[%run_scoped3A_59, %dma_wait3A_112] : memref<2x648xf32, #tpu.memory_space<vmem>> -> memref<1x640xf32, #tpu.memory_space<vmem>>
      %dma_wait3A_114 = tpu.memref_squeeze %dma_wait3A_113 : memref<1x640xf32, #tpu.memory_space<vmem>> -> memref<640xf32, #tpu.memory_space<vmem>>
      %dma_wait3A_115 = arith.constant 0 : i32
      %dma_wait3A_116 = tpu.memref_slice %arg6[%select_n3A, %dma_wait3A_115] : memref<4000x640xf32, #tpu.memory_space<hbm>> -> memref<1x640xf32, #tpu.memory_space<hbm>>
      %dma_wait3A_117 = tpu.memref_squeeze %dma_wait3A_116 : memref<1x640xf32, #tpu.memory_space<hbm>> -> memref<640xf32, #tpu.memory_space<hbm>>
      tpu.wait_dma2 semaphore(%run_scoped3A_93 : memref<!tpu.dma_semaphore, #tpu.memory_space<semaphore_mem>>) src(%dma_wait3A_117 : memref<640xf32, #tpu.memory_space<hbm>>) dst(%dma_wait3A_114 : memref<640xf32, #tpu.memory_space<vmem>>)
      tpu.yield
    }) : () -> ()
    %dma_start3A = arith.constant 0 : i32
    %dma_start3A_60 = arith.constant 0 : i32
    %dma_start3A_61 = tpu.memref_slice %arg11[%dma_start3A, %dma_start3A_60] : memref<2x80xi32, #tpu.memory_space<vmem>> -> memref<1x80xi32, #tpu.memory_space<vmem>>
    %dma_start3A_62 = tpu.memref_squeeze %dma_start3A_61 : memref<1x80xi32, #tpu.memory_space<vmem>> -> memref<80xi32, #tpu.memory_space<vmem>>
    %dma_start3A_63 = arith.constant 0 : i32
    %dma_start3A_64 = arith.constant 0 : i32
    %dma_start3A_65 = tpu.memref_slice %arg2[%dma_start3A_63, %dma_start3A_64] : memref<10000x128xf32, #tpu.memory_space<hbm>> -> memref<10000x128xf32, #tpu.memory_space<hbm>>
    tpu.enqueue_indirect_dma source(%dma_start3A_65 : memref<10000x128xf32, #tpu.memory_space<hbm>>) target(%arg14 : memref<80x128xf32, #tpu.memory_space<vmem>>) offsets(%dma_start3A_62 : memref<80xi32, #tpu.memory_space<vmem>>) semaphore(%arg19 : memref<!tpu.dma_semaphore, #tpu.memory_space<semaphore_mem>>)
    %dma_start3A_66 = arith.constant 0 : i32
    %dma_start3A_67 = arith.constant 0 : i32
    %dma_start3A_68 = tpu.memref_slice %arg12[%dma_start3A_66, %dma_start3A_67] : memref<2x80xi32, #tpu.memory_space<vmem>> -> memref<1x80xi32, #tpu.memory_space<vmem>>
    %dma_start3A_69 = tpu.memref_squeeze %dma_start3A_68 : memref<1x80xi32, #tpu.memory_space<vmem>> -> memref<80xi32, #tpu.memory_space<vmem>>
    %dma_start3A_70 = arith.constant 0 : i32
    %dma_start3A_71 = arith.constant 0 : i32
    %dma_start3A_72 = tpu.memref_slice %arg3[%dma_start3A_70, %dma_start3A_71] : memref<10000x128xf32, #tpu.memory_space<hbm>> -> memref<10000x128xf32, #tpu.memory_space<hbm>>
    tpu.enqueue_indirect_dma source(%dma_start3A_72 : memref<10000x128xf32, #tpu.memory_space<hbm>>) target(%arg15 : memref<80x128xf32, #tpu.memory_space<vmem>>) offsets(%dma_start3A_69 : memref<80xi32, #tpu.memory_space<vmem>>) semaphore(%arg19 : memref<!tpu.dma_semaphore, #tpu.memory_space<semaphore_mem>>)
    %scan3A_73 = arith.constant 0 : i32
    %scan3A_74 = arith.constant 125 : i32
    %scan3A_75 = arith.addi %scan3A_73, %scan3A_74 : i32
    %scan3A_76 = arith.constant 1 : i32
    scf.for %scan3A_93 = %scan3A_73 to %scan3A_75 step %scan3A_76  : i32 {
      %mul3A_94 = arith.constant 1 : i32
      %mul3A_95 = arith.muli %scan3A_93, %mul3A_94 : i32
      %add3A_96 = arith.constant 0 : i32
      %add3A_97 = arith.addi %add3A_96, %mul3A_95 : i32
      %rem3A_98 = arith.constant 2 : i32
      %rem3A_99 = arith.remsi %add3A_97, %rem3A_98 : i32
      %sub3A_100 = arith.constant 1 : i32
      %sub3A_101 = arith.subi %sub3A_100, %rem3A_99 : i32
      %gt3A = arith.constant 0 : i32
      %gt3A_102 = arith.cmpi sgt, %add3A_97, %gt3A : i32
      %convert_element_type3A = arith.extui %gt3A_102 : i1 to i32
      %cond3A = arith.constant 0 : i32
      %cond3A_103 = arith.cmpi ne, %convert_element_type3A, %cond3A : i32
      scf.if %cond3A_103 {
        %dma_wait3A_154 = arith.constant 0 : i32
        %dma_wait3A_155 = tpu.memref_slice %arg12[%sub3A_101, %dma_wait3A_154] : memref<2x80xi32, #tpu.memory_space<vmem>> -> memref<1x80xi32, #tpu.memory_space<vmem>>
        %dma_wait3A_156 = tpu.memref_squeeze %dma_wait3A_155 : memref<1x80xi32, #tpu.memory_space<vmem>> -> memref<80xi32, #tpu.memory_space<vmem>>
        %dma_wait3A_157 = arith.constant 0 : i32
        %dma_wait3A_158 = arith.constant 0 : i32
        %dma_wait3A_159 = tpu.memref_slice %arg9[%dma_wait3A_157, %dma_wait3A_158] : memref<10112x128xf32, #tpu.memory_space<vmem_shared>> -> memref<10112x128xf32, #tpu.memory_space<vmem_shared>>
        tpu.wait_indirect_dma semaphore(%arg21 : memref<!tpu.dma_semaphore, #tpu.memory_space<semaphore_mem>>) src(%arg16 : memref<80x128xf32, #tpu.memory_space<vmem>>) dst(%dma_wait3A_159 : memref<10112x128xf32, #tpu.memory_space<vmem_shared>>)
        %dma_wait3A_160 = arith.constant 0 : i32
        %dma_wait3A_161 = tpu.memref_slice %arg12[%sub3A_101, %dma_wait3A_160] : memref<2x80xi32, #tpu.memory_space<vmem>> -> memref<1x80xi32, #tpu.memory_space<vmem>>
        %dma_wait3A_162 = tpu.memref_squeeze %dma_wait3A_161 : memref<1x80xi32, #tpu.memory_space<vmem>> -> memref<80xi32, #tpu.memory_space<vmem>>
        %dma_wait3A_163 = arith.constant 0 : i32
        %dma_wait3A_164 = arith.constant 0 : i32
        %dma_wait3A_165 = tpu.memref_slice %arg10[%dma_wait3A_163, %dma_wait3A_164] : memref<10112x16xf32, #tpu.memory_space<vmem_shared>> -> memref<10112x16xf32, #tpu.memory_space<vmem_shared>>
        tpu.wait_indirect_dma semaphore(%arg21 : memref<!tpu.dma_semaphore, #tpu.memory_space<semaphore_mem>>) src(%arg17 : memref<80x16xf32, #tpu.memory_space<vmem>>) dst(%dma_wait3A_165 : memref<10112x16xf32, #tpu.memory_space<vmem_shared>>)
      } else {
      }
      %dma_start3A_104 = arith.constant 0 : i32
      %dma_start3A_105 = tpu.memref_slice %arg11[%rem3A_99, %dma_start3A_104] : memref<2x80xi32, #tpu.memory_space<vmem>> -> memref<1x80xi32, #tpu.memory_space<vmem>>
      %dma_start3A_106 = tpu.memref_squeeze %dma_start3A_105 : memref<1x80xi32, #tpu.memory_space<vmem>> -> memref<80xi32, #tpu.memory_space<vmem>>
      %dma_start3A_107 = arith.constant 0 : i32
      %dma_start3A_108 = arith.constant 0 : i32
      %dma_start3A_109 = tpu.memref_slice %arg4[%dma_start3A_107, %dma_start3A_108] : memref<10000x128xf32, #tpu.memory_space<hbm>> -> memref<10000x128xf32, #tpu.memory_space<hbm>>
      tpu.enqueue_indirect_dma source(%dma_start3A_109 : memref<10000x128xf32, #tpu.memory_space<hbm>>) target(%arg16 : memref<80x128xf32, #tpu.memory_space<vmem>>) offsets(%dma_start3A_106 : memref<80xi32, #tpu.memory_space<vmem>>) semaphore(%arg20 : memref<!tpu.dma_semaphore, #tpu.memory_space<semaphore_mem>>)
      %lt3A = arith.constant 124 : i32
      %lt3A_110 = arith.cmpi slt, %add3A_97, %lt3A : i32
      %convert_element_type3A_111 = arith.extui %lt3A_110 : i1 to i32
      %cond3A_112 = arith.constant 0 : i32
      %cond3A_113 = arith.cmpi ne, %convert_element_type3A_111, %cond3A_112 : i32
      scf.if %cond3A_113 {
        %mul3A_154 = arith.constant 80 : i32
        %mul3A_155 = arith.muli %add3A_97, %mul3A_154 : i32
        %add3A_156 = arith.addi %mul3A_39, %mul3A_155 : i32
        %add3A_157 = arith.constant 80 : i32
        %add3A_158 = arith.addi %add3A_156, %add3A_157 : i32
        %add3A_159 = arith.constant 10000 : i32
        %add3A_160 = arith.addi %mul3A_39, %add3A_159 : i32
        %sub3A_161 = arith.constant 80 : i32
        %sub3A_162 = arith.subi %add3A_160, %sub3A_161 : i32
        %min3A = arith.minsi %add3A_158, %sub3A_162 : i32
        %dma_start3A_163 = arith.constant 0 : i32
        %dma_start3A_164 = arith.constant 0 : i32
        %dma_start3A_165 = tpu.memref_slice %arg11[%sub3A_101, %dma_start3A_164] : memref<2x80xi32, #tpu.memory_space<vmem>> -> memref<1x80xi32, #tpu.memory_space<vmem>>
        %dma_start3A_166 = tpu.memref_squeeze %dma_start3A_165 : memref<1x80xi32, #tpu.memory_space<vmem>> -> memref<80xi32, #tpu.memory_space<vmem>>
        %dma_start3A_167 = tpu.memref_slice %arg5[%dma_start3A_163, %min3A] : memref<2x320000xi32, #tpu.memory_space<hbm>> -> memref<1x80xi32, #tpu.memory_space<hbm>>
        %dma_start3A_168 = tpu.memref_squeeze %dma_start3A_167 : memref<1x80xi32, #tpu.memory_space<hbm>> -> memref<80xi32, #tpu.memory_space<hbm>>
        %dma_start3A_169 = arith.constant 0 : i32
        %dma_start3A_170 = tpu.memref_slice %arg11[%sub3A_101, %dma_start3A_169] : memref<2x80xi32, #tpu.memory_space<vmem>> -> memref<1x80xi32, #tpu.memory_space<vmem>>
        %dma_start3A_171 = tpu.memref_squeeze %dma_start3A_170 : memref<1x80xi32, #tpu.memory_space<vmem>> -> memref<80xi32, #tpu.memory_space<vmem>>
        %dma_start3A_172 = tpu.memref_slice %arg5[%dma_start3A_163, %min3A] : memref<2x320000xi32, #tpu.memory_space<hbm>> -> memref<1x80xi32, #tpu.memory_space<hbm>>
        %dma_start3A_173 = tpu.memref_squeeze %dma_start3A_172 : memref<1x80xi32, #tpu.memory_space<hbm>> -> memref<80xi32, #tpu.memory_space<hbm>>
        tpu.enqueue_dma source(%dma_start3A_173 : memref<80xi32, #tpu.memory_space<hbm>>) target(%dma_start3A_171 : memref<80xi32, #tpu.memory_space<vmem>>) target_semaphore(%arg18 : memref<!tpu.dma_semaphore, #tpu.memory_space<semaphore_mem>>)
        %dma_start3A_174 = arith.constant 1 : i32
        %dma_start3A_175 = arith.constant 0 : i32
        %dma_start3A_176 = tpu.memref_slice %arg12[%sub3A_101, %dma_start3A_175] : memref<2x80xi32, #tpu.memory_space<vmem>> -> memref<1x80xi32, #tpu.memory_space<vmem>>
        %dma_start3A_177 = tpu.memref_squeeze %dma_start3A_176 : memref<1x80xi32, #tpu.memory_space<vmem>> -> memref<80xi32, #tpu.memory_space<vmem>>
        %dma_start3A_178 = tpu.memref_slice %arg5[%dma_start3A_174, %min3A] : memref<2x320000xi32, #tpu.memory_space<hbm>> -> memref<1x80xi32, #tpu.memory_space<hbm>>
        %dma_start3A_179 = tpu.memref_squeeze %dma_start3A_178 : memref<1x80xi32, #tpu.memory_space<hbm>> -> memref<80xi32, #tpu.memory_space<hbm>>
        %dma_start3A_180 = arith.constant 0 : i32
        %dma_start3A_181 = tpu.memref_slice %arg12[%sub3A_101, %dma_start3A_180] : memref<2x80xi32, #tpu.memory_space<vmem>> -> memref<1x80xi32, #tpu.memory_space<vmem>>
        %dma_start3A_182 = tpu.memref_squeeze %dma_start3A_181 : memref<1x80xi32, #tpu.memory_space<vmem>> -> memref<80xi32, #tpu.memory_space<vmem>>
        %dma_start3A_183 = tpu.memref_slice %arg5[%dma_start3A_174, %min3A] : memref<2x320000xi32, #tpu.memory_space<hbm>> -> memref<1x80xi32, #tpu.memory_space<hbm>>
        %dma_start3A_184 = tpu.memref_squeeze %dma_start3A_183 : memref<1x80xi32, #tpu.memory_space<hbm>> -> memref<80xi32, #tpu.memory_space<hbm>>
        tpu.enqueue_dma source(%dma_start3A_184 : memref<80xi32, #tpu.memory_space<hbm>>) target(%dma_start3A_182 : memref<80xi32, #tpu.memory_space<vmem>>) target_semaphore(%arg18 : memref<!tpu.dma_semaphore, #tpu.memory_space<semaphore_mem>>)
        %jit3A_185 = arith.constant 80 : i32
        %div3A_186 = arith.divsi %min3A, %jit3A_185 : i32
        %sign3A_187 = arith.constant 0 : i32
        %sign3A_188 = arith.cmpi sgt, %min3A, %sign3A_187 : i32
        %sign3A_189 = arith.extui %sign3A_188 : i1 to i32
        %sign3A_190 = arith.constant 0 : i32
        %sign3A_191 = arith.cmpi slt, %min3A, %sign3A_190 : i32
        %sign3A_192 = arith.extui %sign3A_191 : i1 to i32
        %sign3A_193 = arith.subi %sign3A_189, %sign3A_192 : i32
        %sign3A_194 = arith.constant 0 : i32
        %sign3A_195 = arith.cmpi sgt, %jit3A_185, %sign3A_194 : i32
        %sign3A_196 = arith.extui %sign3A_195 : i1 to i32
        %sign3A_197 = arith.constant 0 : i32
        %sign3A_198 = arith.cmpi slt, %jit3A_185, %sign3A_197 : i32
        %sign3A_199 = arith.extui %sign3A_198 : i1 to i32
        %sign3A_200 = arith.subi %sign3A_196, %sign3A_199 : i32
        %ne3A_201 = arith.cmpi ne, %sign3A_193, %sign3A_200 : i32
        %rem3A_202 = arith.remsi %min3A, %jit3A_185 : i32
        %ne3A_203 = arith.constant 0 : i32
        %ne3A_204 = arith.cmpi ne, %rem3A_202, %ne3A_203 : i32
        %and3A_205 = arith.andi %ne3A_201, %ne3A_204 : i1
        %sub3A_206 = arith.constant 1 : i32
        %sub3A_207 = arith.subi %div3A_186, %sub3A_206 : i32
        %select_n3A_208 = arith.select %and3A_205, %sub3A_207, %div3A_186 : i32
        %dma_start3A_209 = arith.constant 0 : i32
        %dma_start3A_210 = tpu.memref_slice %arg13[%sub3A_101, %dma_start3A_209] : memref<2x648xf32, #tpu.memory_space<vmem>> -> memref<1x640xf32, #tpu.memory_space<vmem>>
        %dma_start3A_211 = tpu.memref_squeeze %dma_start3A_210 : memref<1x640xf32, #tpu.memory_space<vmem>> -> memref<640xf32, #tpu.memory_space<vmem>>
        %dma_start3A_212 = arith.constant 0 : i32
        %dma_start3A_213 = tpu.memref_slice %arg6[%select_n3A_208, %dma_start3A_212] : memref<4000x640xf32, #tpu.memory_space<hbm>> -> memref<1x640xf32, #tpu.memory_space<hbm>>
        %dma_start3A_214 = tpu.memref_squeeze %dma_start3A_213 : memref<1x640xf32, #tpu.memory_space<hbm>> -> memref<640xf32, #tpu.memory_space<hbm>>
        %dma_start3A_215 = arith.constant 0 : i32
        %dma_start3A_216 = tpu.memref_slice %arg13[%sub3A_101, %dma_start3A_215] : memref<2x648xf32, #tpu.memory_space<vmem>> -> memref<1x640xf32, #tpu.memory_space<vmem>>
        %dma_start3A_217 = tpu.memref_squeeze %dma_start3A_216 : memref<1x640xf32, #tpu.memory_space<vmem>> -> memref<640xf32, #tpu.memory_space<vmem>>
        %dma_start3A_218 = arith.constant 0 : i32
        %dma_start3A_219 = tpu.memref_slice %arg6[%select_n3A_208, %dma_start3A_218] : memref<4000x640xf32, #tpu.memory_space<hbm>> -> memref<1x640xf32, #tpu.memory_space<hbm>>
        %dma_start3A_220 = tpu.memref_squeeze %dma_start3A_219 : memref<1x640xf32, #tpu.memory_space<hbm>> -> memref<640xf32, #tpu.memory_space<hbm>>
        tpu.enqueue_dma source(%dma_start3A_220 : memref<640xf32, #tpu.memory_space<hbm>>) target(%dma_start3A_217 : memref<640xf32, #tpu.memory_space<vmem>>) target_semaphore(%arg18 : memref<!tpu.dma_semaphore, #tpu.memory_space<semaphore_mem>>)
      } else {
      }
      %dma_wait3A_114 = arith.constant 0 : i32
      %dma_wait3A_115 = tpu.memref_slice %arg11[%rem3A_99, %dma_wait3A_114] : memref<2x80xi32, #tpu.memory_space<vmem>> -> memref<1x80xi32, #tpu.memory_space<vmem>>
      %dma_wait3A_116 = tpu.memref_squeeze %dma_wait3A_115 : memref<1x80xi32, #tpu.memory_space<vmem>> -> memref<80xi32, #tpu.memory_space<vmem>>
      %dma_wait3A_117 = arith.constant 0 : i32
      %dma_wait3A_118 = arith.constant 0 : i32
      %dma_wait3A_119 = tpu.memref_slice %arg2[%dma_wait3A_117, %dma_wait3A_118] : memref<10000x128xf32, #tpu.memory_space<hbm>> -> memref<10000x128xf32, #tpu.memory_space<hbm>>
      tpu.wait_indirect_dma semaphore(%arg19 : memref<!tpu.dma_semaphore, #tpu.memory_space<semaphore_mem>>) src(%dma_wait3A_119 : memref<10000x128xf32, #tpu.memory_space<hbm>>) dst(%arg14 : memref<80x128xf32, #tpu.memory_space<vmem>>)
      %dma_wait3A_120 = arith.constant 0 : i32
      %dma_wait3A_121 = tpu.memref_slice %arg12[%rem3A_99, %dma_wait3A_120] : memref<2x80xi32, #tpu.memory_space<vmem>> -> memref<1x80xi32, #tpu.memory_space<vmem>>
      %dma_wait3A_122 = tpu.memref_squeeze %dma_wait3A_121 : memref<1x80xi32, #tpu.memory_space<vmem>> -> memref<80xi32, #tpu.memory_space<vmem>>
      %dma_wait3A_123 = arith.constant 0 : i32
      %dma_wait3A_124 = arith.constant 0 : i32
      %dma_wait3A_125 = tpu.memref_slice %arg3[%dma_wait3A_123, %dma_wait3A_124] : memref<10000x128xf32, #tpu.memory_space<hbm>> -> memref<10000x128xf32, #tpu.memory_space<hbm>>
      tpu.wait_indirect_dma semaphore(%arg19 : memref<!tpu.dma_semaphore, #tpu.memory_space<semaphore_mem>>) src(%dma_wait3A_125 : memref<10000x128xf32, #tpu.memory_space<hbm>>) dst(%arg15 : memref<80x128xf32, #tpu.memory_space<vmem>>)
      %parallel_loop3A = arith.constant 0 : i32
      %parallel_loop3A_126 = arith.constant 80 : i32
      %parallel_loop3A_127 = arith.constant 1 : i32
      scf.for %parallel_loop3A_154 = %parallel_loop3A to %parallel_loop3A_126 step %parallel_loop3A_127  : i32 {
        %parallel_loop3A_155 = arith.constant 8 : i32
        %parallel_loop3A_156 = arith.muli %parallel_loop3A_154, %parallel_loop3A_155 : i32
        %parallel_loop3A_157 = arith.index_cast %rem3A_99 : i32 to index
        %parallel_loop3A_158 = arith.index_cast %parallel_loop3A_156 : i32 to index
        %parallel_loop3A_159 = tpu.vector_load %arg13[%parallel_loop3A_157, %parallel_loop3A_158] {strides = array<i32>} : memref<2x648xf32, #tpu.memory_space<vmem>>, vector<16xf32>,
        %parallel_loop3A_160 = arith.constant 0.000000e+00 : f32
        %parallel_loop3A_161 = vector.broadcast %parallel_loop3A_160 : f32 to vector<16xf32>
        %parallel_loop3A_162 = arith.index_cast %parallel_loop3A_154 : i32 to index
        %parallel_loop3A_163 = arith.constant 0 : index
        %parallel_loop3A_164 = tpu.vector_load %arg14[%parallel_loop3A_162, %parallel_loop3A_163] {strides = array<i32>} : memref<80x128xf32, #tpu.memory_space<vmem>>, vector<16xf32>,
        %parallel_loop3A_165 = arith.index_cast %parallel_loop3A_154 : i32 to index
        %parallel_loop3A_166 = arith.constant 0 : index
        %parallel_loop3A_167 = tpu.vector_load %arg15[%parallel_loop3A_165, %parallel_loop3A_166] {strides = array<i32>} : memref<80x128xf32, #tpu.memory_space<vmem>>, vector<16xf32>,
        %parallel_loop3A_168 = arith.mulf %parallel_loop3A_164, %parallel_loop3A_167 : vector<16xf32>
        %parallel_loop3A_169 = arith.constant true
        %parallel_loop3A_170 = vector.broadcast %parallel_loop3A_169 : i1 to vector<16xi1>
        %parallel_loop3A_171 = tpu.scan <sum>, %parallel_loop3A_168 masked %parallel_loop3A_170 : vector<16xf32>, vector<16xi1> -> vector<16xf32>
        %parallel_loop3A_172 = vector.extract %parallel_loop3A_171[15] : f32 from vector<16xf32>
        %parallel_loop3A_173 = vector.extract_strided_slice %parallel_loop3A_159 {offsets = [0], sizes = [1], strides = [1]} : vector<16xf32> to vector<1xf32>
        %parallel_loop3A_174 = vector.extract %parallel_loop3A_173[0] : f32 from vector<1xf32>
        %parallel_loop3A_175 = arith.addf %parallel_loop3A_172, %parallel_loop3A_174 : f32
        %parallel_loop3A_176 = arith.constant 0 : i32
        %parallel_loop3A_177 = vector.broadcast %parallel_loop3A_176 : i32 to vector<16xi32>
        %parallel_loop3A_178 = arith.cmpi eq, %iota3A, %parallel_loop3A_177 : vector<16xi32>
        %parallel_loop3A_179 = vector.broadcast %parallel_loop3A_175 : f32 to vector<16xf32>
        %parallel_loop3A_180 = arith.select %parallel_loop3A_178, %parallel_loop3A_179, %parallel_loop3A_161 : vector<16xi1>, vector<16xf32>
        %parallel_loop3A_181 = arith.index_cast %parallel_loop3A_154 : i32 to index
        %parallel_loop3A_182 = arith.constant 16 : index
        %parallel_loop3A_183 = tpu.vector_load %arg14[%parallel_loop3A_181, %parallel_loop3A_182] {strides = array<i32>} : memref<80x128xf32, #tpu.memory_space<vmem>>, vector<16xf32>,
        %parallel_loop3A_184 = arith.index_cast %parallel_loop3A_154 : i32 to index
        %parallel_loop3A_185 = arith.constant 16 : index
        %parallel_loop3A_186 = tpu.vector_load %arg15[%parallel_loop3A_184, %parallel_loop3A_185] {strides = array<i32>} : memref<80x128xf32, #tpu.memory_space<vmem>>, vector<16xf32>,
        %parallel_loop3A_187 = arith.mulf %parallel_loop3A_183, %parallel_loop3A_186 : vector<16xf32>
        %parallel_loop3A_188 = arith.constant true
        %parallel_loop3A_189 = vector.broadcast %parallel_loop3A_188 : i1 to vector<16xi1>
        %parallel_loop3A_190 = tpu.scan <sum>, %parallel_loop3A_187 masked %parallel_loop3A_189 : vector<16xf32>, vector<16xi1> -> vector<16xf32>
        %parallel_loop3A_191 = vector.extract %parallel_loop3A_190[15] : f32 from vector<16xf32>
        %parallel_loop3A_192 = vector.extract_strided_slice %parallel_loop3A_159 {offsets = [1], sizes = [1], strides = [1]} : vector<16xf32> to vector<1xf32>
        %parallel_loop3A_193 = vector.extract %parallel_loop3A_192[0] : f32 from vector<1xf32>
        %parallel_loop3A_194 = arith.addf %parallel_loop3A_191, %parallel_loop3A_193 : f32
        %parallel_loop3A_195 = arith.constant 1 : i32
        %parallel_loop3A_196 = vector.broadcast %parallel_loop3A_195 : i32 to vector<16xi32>
        %parallel_loop3A_197 = arith.cmpi eq, %iota3A, %parallel_loop3A_196 : vector<16xi32>
        %parallel_loop3A_198 = vector.broadcast %parallel_loop3A_194 : f32 to vector<16xf32>
        %parallel_loop3A_199 = arith.select %parallel_loop3A_197, %parallel_loop3A_198, %parallel_loop3A_180 : vector<16xi1>, vector<16xf32>
        %parallel_loop3A_200 = arith.index_cast %parallel_loop3A_154 : i32 to index
        %parallel_loop3A_201 = arith.constant 32 : index
        %parallel_loop3A_202 = tpu.vector_load %arg14[%parallel_loop3A_200, %parallel_loop3A_201] {strides = array<i32>} : memref<80x128xf32, #tpu.memory_space<vmem>>, vector<16xf32>,
        %parallel_loop3A_203 = arith.index_cast %parallel_loop3A_154 : i32 to index
        %parallel_loop3A_204 = arith.constant 32 : index
        %parallel_loop3A_205 = tpu.vector_load %arg15[%parallel_loop3A_203, %parallel_loop3A_204] {strides = array<i32>} : memref<80x128xf32, #tpu.memory_space<vmem>>, vector<16xf32>,
        %parallel_loop3A_206 = arith.mulf %parallel_loop3A_202, %parallel_loop3A_205 : vector<16xf32>
        %parallel_loop3A_207 = arith.constant true
        %parallel_loop3A_208 = vector.broadcast %parallel_loop3A_207 : i1 to vector<16xi1>
        %parallel_loop3A_209 = tpu.scan <sum>, %parallel_loop3A_206 masked %parallel_loop3A_208 : vector<16xf32>, vector<16xi1> -> vector<16xf32>
        %parallel_loop3A_210 = vector.extract %parallel_loop3A_209[15] : f32 from vector<16xf32>
        %parallel_loop3A_211 = vector.extract_strided_slice %parallel_loop3A_159 {offsets = [2], sizes = [1], strides = [1]} : vector<16xf32> to vector<1xf32>
        %parallel_loop3A_212 = vector.extract %parallel_loop3A_211[0] : f32 from vector<1xf32>
        %parallel_loop3A_213 = arith.addf %parallel_loop3A_210, %parallel_loop3A_212 : f32
        %parallel_loop3A_214 = arith.constant 2 : i32
        %parallel_loop3A_215 = vector.broadcast %parallel_loop3A_214 : i32 to vector<16xi32>
        %parallel_loop3A_216 = arith.cmpi eq, %iota3A, %parallel_loop3A_215 : vector<16xi32>
        %parallel_loop3A_217 = vector.broadcast %parallel_loop3A_213 : f32 to vector<16xf32>
        %parallel_loop3A_218 = arith.select %parallel_loop3A_216, %parallel_loop3A_217, %parallel_loop3A_199 : vector<16xi1>, vector<16xf32>
        %parallel_loop3A_219 = arith.index_cast %parallel_loop3A_154 : i32 to index
        %parallel_loop3A_220 = arith.constant 48 : index
        %parallel_loop3A_221 = tpu.vector_load %arg14[%parallel_loop3A_219, %parallel_loop3A_220] {strides = array<i32>} : memref<80x128xf32, #tpu.memory_space<vmem>>, vector<16xf32>,
        %parallel_loop3A_222 = arith.index_cast %parallel_loop3A_154 : i32 to index
        %parallel_loop3A_223 = arith.constant 48 : index
        %parallel_loop3A_224 = tpu.vector_load %arg15[%parallel_loop3A_222, %parallel_loop3A_223] {strides = array<i32>} : memref<80x128xf32, #tpu.memory_space<vmem>>, vector<16xf32>,
        %parallel_loop3A_225 = arith.mulf %parallel_loop3A_221, %parallel_loop3A_224 : vector<16xf32>
        %parallel_loop3A_226 = arith.constant true
        %parallel_loop3A_227 = vector.broadcast %parallel_loop3A_226 : i1 to vector<16xi1>
        %parallel_loop3A_228 = tpu.scan <sum>, %parallel_loop3A_225 masked %parallel_loop3A_227 : vector<16xf32>, vector<16xi1> -> vector<16xf32>
        %parallel_loop3A_229 = vector.extract %parallel_loop3A_228[15] : f32 from vector<16xf32>
        %parallel_loop3A_230 = vector.extract_strided_slice %parallel_loop3A_159 {offsets = [3], sizes = [1], strides = [1]} : vector<16xf32> to vector<1xf32>
        %parallel_loop3A_231 = vector.extract %parallel_loop3A_230[0] : f32 from vector<1xf32>
        %parallel_loop3A_232 = arith.addf %parallel_loop3A_229, %parallel_loop3A_231 : f32
        %parallel_loop3A_233 = arith.constant 3 : i32
        %parallel_loop3A_234 = vector.broadcast %parallel_loop3A_233 : i32 to vector<16xi32>
        %parallel_loop3A_235 = arith.cmpi eq, %iota3A, %parallel_loop3A_234 : vector<16xi32>
        %parallel_loop3A_236 = vector.broadcast %parallel_loop3A_232 : f32 to vector<16xf32>
        %parallel_loop3A_237 = arith.select %parallel_loop3A_235, %parallel_loop3A_236, %parallel_loop3A_218 : vector<16xi1>, vector<16xf32>
        %parallel_loop3A_238 = arith.index_cast %parallel_loop3A_154 : i32 to index
        %parallel_loop3A_239 = arith.constant 64 : index
        %parallel_loop3A_240 = tpu.vector_load %arg14[%parallel_loop3A_238, %parallel_loop3A_239] {strides = array<i32>} : memref<80x128xf32, #tpu.memory_space<vmem>>, vector<16xf32>,
        %parallel_loop3A_241 = arith.index_cast %parallel_loop3A_154 : i32 to index
        %parallel_loop3A_242 = arith.constant 64 : index
        %parallel_loop3A_243 = tpu.vector_load %arg15[%parallel_loop3A_241, %parallel_loop3A_242] {strides = array<i32>} : memref<80x128xf32, #tpu.memory_space<vmem>>, vector<16xf32>,
        %parallel_loop3A_244 = arith.mulf %parallel_loop3A_240, %parallel_loop3A_243 : vector<16xf32>
        %parallel_loop3A_245 = arith.constant true
        %parallel_loop3A_246 = vector.broadcast %parallel_loop3A_245 : i1 to vector<16xi1>
        %parallel_loop3A_247 = tpu.scan <sum>, %parallel_loop3A_244 masked %parallel_loop3A_246 : vector<16xf32>, vector<16xi1> -> vector<16xf32>
        %parallel_loop3A_248 = vector.extract %parallel_loop3A_247[15] : f32 from vector<16xf32>
        %parallel_loop3A_249 = vector.extract_strided_slice %parallel_loop3A_159 {offsets = [4], sizes = [1], strides = [1]} : vector<16xf32> to vector<1xf32>
        %parallel_loop3A_250 = vector.extract %parallel_loop3A_249[0] : f32 from vector<1xf32>
        %parallel_loop3A_251 = arith.addf %parallel_loop3A_248, %parallel_loop3A_250 : f32
        %parallel_loop3A_252 = arith.constant 4 : i32
        %parallel_loop3A_253 = vector.broadcast %parallel_loop3A_252 : i32 to vector<16xi32>
        %parallel_loop3A_254 = arith.cmpi eq, %iota3A, %parallel_loop3A_253 : vector<16xi32>
        %parallel_loop3A_255 = vector.broadcast %parallel_loop3A_251 : f32 to vector<16xf32>
        %parallel_loop3A_256 = arith.select %parallel_loop3A_254, %parallel_loop3A_255, %parallel_loop3A_237 : vector<16xi1>, vector<16xf32>
        %parallel_loop3A_257 = arith.index_cast %parallel_loop3A_154 : i32 to index
        %parallel_loop3A_258 = arith.constant 80 : index
        %parallel_loop3A_259 = tpu.vector_load %arg14[%parallel_loop3A_257, %parallel_loop3A_258] {strides = array<i32>} : memref<80x128xf32, #tpu.memory_space<vmem>>, vector<16xf32>,
        %parallel_loop3A_260 = arith.index_cast %parallel_loop3A_154 : i32 to index
        %parallel_loop3A_261 = arith.constant 80 : index
        %parallel_loop3A_262 = tpu.vector_load %arg15[%parallel_loop3A_260, %parallel_loop3A_261] {strides = array<i32>} : memref<80x128xf32, #tpu.memory_space<vmem>>, vector<16xf32>,
        %parallel_loop3A_263 = arith.mulf %parallel_loop3A_259, %parallel_loop3A_262 : vector<16xf32>
        %parallel_loop3A_264 = arith.constant true
        %parallel_loop3A_265 = vector.broadcast %parallel_loop3A_264 : i1 to vector<16xi1>
        %parallel_loop3A_266 = tpu.scan <sum>, %parallel_loop3A_263 masked %parallel_loop3A_265 : vector<16xf32>, vector<16xi1> -> vector<16xf32>
        %parallel_loop3A_267 = vector.extract %parallel_loop3A_266[15] : f32 from vector<16xf32>
        %parallel_loop3A_268 = vector.extract_strided_slice %parallel_loop3A_159 {offsets = [5], sizes = [1], strides = [1]} : vector<16xf32> to vector<1xf32>
        %parallel_loop3A_269 = vector.extract %parallel_loop3A_268[0] : f32 from vector<1xf32>
        %parallel_loop3A_270 = arith.addf %parallel_loop3A_267, %parallel_loop3A_269 : f32
        %parallel_loop3A_271 = arith.constant 5 : i32
        %parallel_loop3A_272 = vector.broadcast %parallel_loop3A_271 : i32 to vector<16xi32>
        %parallel_loop3A_273 = arith.cmpi eq, %iota3A, %parallel_loop3A_272 : vector<16xi32>
        %parallel_loop3A_274 = vector.broadcast %parallel_loop3A_270 : f32 to vector<16xf32>
        %parallel_loop3A_275 = arith.select %parallel_loop3A_273, %parallel_loop3A_274, %parallel_loop3A_256 : vector<16xi1>, vector<16xf32>
        %parallel_loop3A_276 = arith.index_cast %parallel_loop3A_154 : i32 to index
        %parallel_loop3A_277 = arith.constant 96 : index
        %parallel_loop3A_278 = tpu.vector_load %arg14[%parallel_loop3A_276, %parallel_loop3A_277] {strides = array<i32>} : memref<80x128xf32, #tpu.memory_space<vmem>>, vector<16xf32>,
        %parallel_loop3A_279 = arith.index_cast %parallel_loop3A_154 : i32 to index
        %parallel_loop3A_280 = arith.constant 96 : index
        %parallel_loop3A_281 = tpu.vector_load %arg15[%parallel_loop3A_279, %parallel_loop3A_280] {strides = array<i32>} : memref<80x128xf32, #tpu.memory_space<vmem>>, vector<16xf32>,
        %parallel_loop3A_282 = arith.mulf %parallel_loop3A_278, %parallel_loop3A_281 : vector<16xf32>
        %parallel_loop3A_283 = arith.constant true
        %parallel_loop3A_284 = vector.broadcast %parallel_loop3A_283 : i1 to vector<16xi1>
        %parallel_loop3A_285 = tpu.scan <sum>, %parallel_loop3A_282 masked %parallel_loop3A_284 : vector<16xf32>, vector<16xi1> -> vector<16xf32>
        %parallel_loop3A_286 = vector.extract %parallel_loop3A_285[15] : f32 from vector<16xf32>
        %parallel_loop3A_287 = vector.extract_strided_slice %parallel_loop3A_159 {offsets = [6], sizes = [1], strides = [1]} : vector<16xf32> to vector<1xf32>
        %parallel_loop3A_288 = vector.extract %parallel_loop3A_287[0] : f32 from vector<1xf32>
        %parallel_loop3A_289 = arith.addf %parallel_loop3A_286, %parallel_loop3A_288 : f32
        %parallel_loop3A_290 = arith.constant 6 : i32
        %parallel_loop3A_291 = vector.broadcast %parallel_loop3A_290 : i32 to vector<16xi32>
        %parallel_loop3A_292 = arith.cmpi eq, %iota3A, %parallel_loop3A_291 : vector<16xi32>
        %parallel_loop3A_293 = vector.broadcast %parallel_loop3A_289 : f32 to vector<16xf32>
        %parallel_loop3A_294 = arith.select %parallel_loop3A_292, %parallel_loop3A_293, %parallel_loop3A_275 : vector<16xi1>, vector<16xf32>
        %parallel_loop3A_295 = arith.index_cast %parallel_loop3A_154 : i32 to index
        %parallel_loop3A_296 = arith.constant 112 : index
        %parallel_loop3A_297 = tpu.vector_load %arg14[%parallel_loop3A_295, %parallel_loop3A_296] {strides = array<i32>} : memref<80x128xf32, #tpu.memory_space<vmem>>, vector<16xf32>,
        %parallel_loop3A_298 = arith.index_cast %parallel_loop3A_154 : i32 to index
        %parallel_loop3A_299 = arith.constant 112 : index
        %parallel_loop3A_300 = tpu.vector_load %arg15[%parallel_loop3A_298, %parallel_loop3A_299] {strides = array<i32>} : memref<80x128xf32, #tpu.memory_space<vmem>>, vector<16xf32>,
        %parallel_loop3A_301 = arith.mulf %parallel_loop3A_297, %parallel_loop3A_300 : vector<16xf32>
        %parallel_loop3A_302 = arith.constant true
        %parallel_loop3A_303 = vector.broadcast %parallel_loop3A_302 : i1 to vector<16xi1>
        %parallel_loop3A_304 = tpu.scan <sum>, %parallel_loop3A_301 masked %parallel_loop3A_303 : vector<16xf32>, vector<16xi1> -> vector<16xf32>
        %parallel_loop3A_305 = vector.extract %parallel_loop3A_304[15] : f32 from vector<16xf32>
        %parallel_loop3A_306 = vector.extract_strided_slice %parallel_loop3A_159 {offsets = [7], sizes = [1], strides = [1]} : vector<16xf32> to vector<1xf32>
        %parallel_loop3A_307 = vector.extract %parallel_loop3A_306[0] : f32 from vector<1xf32>
        %parallel_loop3A_308 = arith.addf %parallel_loop3A_305, %parallel_loop3A_307 : f32
        %parallel_loop3A_309 = arith.constant 7 : i32
        %parallel_loop3A_310 = vector.broadcast %parallel_loop3A_309 : i32 to vector<16xi32>
        %parallel_loop3A_311 = arith.cmpi eq, %iota3A, %parallel_loop3A_310 : vector<16xi32>
        %parallel_loop3A_312 = vector.broadcast %parallel_loop3A_308 : f32 to vector<16xf32>
        %parallel_loop3A_313 = arith.select %parallel_loop3A_311, %parallel_loop3A_312, %parallel_loop3A_294 : vector<16xi1>, vector<16xf32>
        %parallel_loop3A_314 = math.exp %parallel_loop3A_313 : vector<16xf32>
        %parallel_loop3A_315 = arith.index_cast %parallel_loop3A_154 : i32 to index
        %parallel_loop3A_316 = arith.constant 0 : index
        %parallel_loop3A_317 = tpu.vector_load %arg17[%parallel_loop3A_315, %parallel_loop3A_316] {strides = array<i32>} : memref<80x16xf32, #tpu.memory_space<vmem>>, vector<16xf32>,
        tpu.vector_store %arg17[%parallel_loop3A_315, %parallel_loop3A_316], %parallel_loop3A_314 {strides = array<i32>} : memref<80x16xf32, #tpu.memory_space<vmem>>, vector<16xf32>,
      } {sc.loop_unroll_factor = 4 : i64, sc.parallel_access}
      %dma_wait3A_128 = arith.constant 0 : i32
      %dma_wait3A_129 = tpu.memref_slice %arg11[%rem3A_99, %dma_wait3A_128] : memref<2x80xi32, #tpu.memory_space<vmem>> -> memref<1x80xi32, #tpu.memory_space<vmem>>
      %dma_wait3A_130 = tpu.memref_squeeze %dma_wait3A_129 : memref<1x80xi32, #tpu.memory_space<vmem>> -> memref<80xi32, #tpu.memory_space<vmem>>
      %dma_wait3A_131 = arith.constant 0 : i32
      %dma_wait3A_132 = arith.constant 0 : i32
      %dma_wait3A_133 = tpu.memref_slice %arg4[%dma_wait3A_131, %dma_wait3A_132] : memref<10000x128xf32, #tpu.memory_space<hbm>> -> memref<10000x128xf32, #tpu.memory_space<hbm>>
      tpu.wait_indirect_dma semaphore(%arg20 : memref<!tpu.dma_semaphore, #tpu.memory_space<semaphore_mem>>) src(%dma_wait3A_133 : memref<10000x128xf32, #tpu.memory_space<hbm>>) dst(%arg16 : memref<80x128xf32, #tpu.memory_space<vmem>>)
      %lt3A_134 = arith.constant 124 : i32
      %lt3A_135 = arith.cmpi slt, %add3A_97, %lt3A_134 : i32
      %convert_element_type3A_136 = arith.extui %lt3A_135 : i1 to i32
      %cond3A_137 = arith.constant 0 : i32
      %cond3A_138 = arith.cmpi ne, %convert_element_type3A_136, %cond3A_137 : i32
      scf.if %cond3A_138 {
        %dma_wait3A_154 = arith.constant 0 : i32
        %dma_wait3A_155 = arith.constant 0 : i32
        %dma_wait3A_156 = tpu.memref_slice %arg11[%sub3A_101, %dma_wait3A_155] : memref<2x80xi32, #tpu.memory_space<vmem>> -> memref<1x80xi32, #tpu.memory_space<vmem>>
        %dma_wait3A_157 = tpu.memref_squeeze %dma_wait3A_156 : memref<1x80xi32, #tpu.memory_space<vmem>> -> memref<80xi32, #tpu.memory_space<vmem>>
        %dma_wait3A_158 = tpu.memref_slice %arg5[%dma_wait3A_154, %mul3A_39] : memref<2x320000xi32, #tpu.memory_space<hbm>> -> memref<1x80xi32, #tpu.memory_space<hbm>>
        %dma_wait3A_159 = tpu.memref_squeeze %dma_wait3A_158 : memref<1x80xi32, #tpu.memory_space<hbm>> -> memref<80xi32, #tpu.memory_space<hbm>>
        %dma_wait3A_160 = arith.constant 0 : i32
        %dma_wait3A_161 = tpu.memref_slice %arg11[%sub3A_101, %dma_wait3A_160] : memref<2x80xi32, #tpu.memory_space<vmem>> -> memref<1x80xi32, #tpu.memory_space<vmem>>
        %dma_wait3A_162 = tpu.memref_squeeze %dma_wait3A_161 : memref<1x80xi32, #tpu.memory_space<vmem>> -> memref<80xi32, #tpu.memory_space<vmem>>
        %dma_wait3A_163 = tpu.memref_slice %arg5[%dma_wait3A_154, %mul3A_39] : memref<2x320000xi32, #tpu.memory_space<hbm>> -> memref<1x80xi32, #tpu.memory_space<hbm>>
        %dma_wait3A_164 = tpu.memref_squeeze %dma_wait3A_163 : memref<1x80xi32, #tpu.memory_space<hbm>> -> memref<80xi32, #tpu.memory_space<hbm>>
        tpu.wait_dma2 semaphore(%arg18 : memref<!tpu.dma_semaphore, #tpu.memory_space<semaphore_mem>>) src(%dma_wait3A_164 : memref<80xi32, #tpu.memory_space<hbm>>) dst(%dma_wait3A_162 : memref<80xi32, #tpu.memory_space<vmem>>)
        %dma_wait3A_165 = arith.constant 1 : i32
        %dma_wait3A_166 = arith.constant 0 : i32
        %dma_wait3A_167 = tpu.memref_slice %arg12[%sub3A_101, %dma_wait3A_166] : memref<2x80xi32, #tpu.memory_space<vmem>> -> memref<1x80xi32, #tpu.memory_space<vmem>>
        %dma_wait3A_168 = tpu.memref_squeeze %dma_wait3A_167 : memref<1x80xi32, #tpu.memory_space<vmem>> -> memref<80xi32, #tpu.memory_space<vmem>>
        %dma_wait3A_169 = tpu.memref_slice %arg5[%dma_wait3A_165, %mul3A_39] : memref<2x320000xi32, #tpu.memory_space<hbm>> -> memref<1x80xi32, #tpu.memory_space<hbm>>
        %dma_wait3A_170 = tpu.memref_squeeze %dma_wait3A_169 : memref<1x80xi32, #tpu.memory_space<hbm>> -> memref<80xi32, #tpu.memory_space<hbm>>
        %dma_wait3A_171 = arith.constant 0 : i32
        %dma_wait3A_172 = tpu.memref_slice %arg12[%sub3A_101, %dma_wait3A_171] : memref<2x80xi32, #tpu.memory_space<vmem>> -> memref<1x80xi32, #tpu.memory_space<vmem>>
        %dma_wait3A_173 = tpu.memref_squeeze %dma_wait3A_172 : memref<1x80xi32, #tpu.memory_space<vmem>> -> memref<80xi32, #tpu.memory_space<vmem>>
        %dma_wait3A_174 = tpu.memref_slice %arg5[%dma_wait3A_165, %mul3A_39] : memref<2x320000xi32, #tpu.memory_space<hbm>> -> memref<1x80xi32, #tpu.memory_space<hbm>>
        %dma_wait3A_175 = tpu.memref_squeeze %dma_wait3A_174 : memref<1x80xi32, #tpu.memory_space<hbm>> -> memref<80xi32, #tpu.memory_space<hbm>>
        tpu.wait_dma2 semaphore(%arg18 : memref<!tpu.dma_semaphore, #tpu.memory_space<semaphore_mem>>) src(%dma_wait3A_175 : memref<80xi32, #tpu.memory_space<hbm>>) dst(%dma_wait3A_173 : memref<80xi32, #tpu.memory_space<vmem>>)
        %jit3A_176 = arith.constant 80 : i32
        %div3A_177 = arith.divsi %mul3A_39, %jit3A_176 : i32
        %sign3A_178 = arith.constant 0 : i32
        %sign3A_179 = arith.cmpi sgt, %mul3A_39, %sign3A_178 : i32
        %sign3A_180 = arith.extui %sign3A_179 : i1 to i32
        %sign3A_181 = arith.constant 0 : i32
        %sign3A_182 = arith.cmpi slt, %mul3A_39, %sign3A_181 : i32
        %sign3A_183 = arith.extui %sign3A_182 : i1 to i32
        %sign3A_184 = arith.subi %sign3A_180, %sign3A_183 : i32
        %sign3A_185 = arith.constant 0 : i32
        %sign3A_186 = arith.cmpi sgt, %jit3A_176, %sign3A_185 : i32
        %sign3A_187 = arith.extui %sign3A_186 : i1 to i32
        %sign3A_188 = arith.constant 0 : i32
        %sign3A_189 = arith.cmpi slt, %jit3A_176, %sign3A_188 : i32
        %sign3A_190 = arith.extui %sign3A_189 : i1 to i32
        %sign3A_191 = arith.subi %sign3A_187, %sign3A_190 : i32
        %ne3A_192 = arith.cmpi ne, %sign3A_184, %sign3A_191 : i32
        %rem3A_193 = arith.remsi %mul3A_39, %jit3A_176 : i32
        %ne3A_194 = arith.constant 0 : i32
        %ne3A_195 = arith.cmpi ne, %rem3A_193, %ne3A_194 : i32
        %and3A_196 = arith.andi %ne3A_192, %ne3A_195 : i1
        %sub3A_197 = arith.constant 1 : i32
        %sub3A_198 = arith.subi %div3A_177, %sub3A_197 : i32
        %select_n3A_199 = arith.select %and3A_196, %sub3A_198, %div3A_177 : i32
        %dma_wait3A_200 = arith.constant 0 : i32
        %dma_wait3A_201 = tpu.memref_slice %arg13[%sub3A_101, %dma_wait3A_200] : memref<2x648xf32, #tpu.memory_space<vmem>> -> memref<1x640xf32, #tpu.memory_space<vmem>>
        %dma_wait3A_202 = tpu.memref_squeeze %dma_wait3A_201 : memref<1x640xf32, #tpu.memory_space<vmem>> -> memref<640xf32, #tpu.memory_space<vmem>>
        %dma_wait3A_203 = arith.constant 0 : i32
        %dma_wait3A_204 = tpu.memref_slice %arg6[%select_n3A_199, %dma_wait3A_203] : memref<4000x640xf32, #tpu.memory_space<hbm>> -> memref<1x640xf32, #tpu.memory_space<hbm>>
        %dma_wait3A_205 = tpu.memref_squeeze %dma_wait3A_204 : memref<1x640xf32, #tpu.memory_space<hbm>> -> memref<640xf32, #tpu.memory_space<hbm>>
        %dma_wait3A_206 = arith.constant 0 : i32
        %dma_wait3A_207 = tpu.memref_slice %arg13[%sub3A_101, %dma_wait3A_206] : memref<2x648xf32, #tpu.memory_space<vmem>> -> memref<1x640xf32, #tpu.memory_space<vmem>>
        %dma_wait3A_208 = tpu.memref_squeeze %dma_wait3A_207 : memref<1x640xf32, #tpu.memory_space<vmem>> -> memref<640xf32, #tpu.memory_space<vmem>>
        %dma_wait3A_209 = arith.constant 0 : i32
        %dma_wait3A_210 = tpu.memref_slice %arg6[%select_n3A_199, %dma_wait3A_209] : memref<4000x640xf32, #tpu.memory_space<hbm>> -> memref<1x640xf32, #tpu.memory_space<hbm>>
        %dma_wait3A_211 = tpu.memref_squeeze %dma_wait3A_210 : memref<1x640xf32, #tpu.memory_space<hbm>> -> memref<640xf32, #tpu.memory_space<hbm>>
        tpu.wait_dma2 semaphore(%arg18 : memref<!tpu.dma_semaphore, #tpu.memory_space<semaphore_mem>>) src(%dma_wait3A_211 : memref<640xf32, #tpu.memory_space<hbm>>) dst(%dma_wait3A_208 : memref<640xf32, #tpu.memory_space<vmem>>)
        %dma_start3A_212 = arith.constant 0 : i32
        %dma_start3A_213 = tpu.memref_slice %arg11[%sub3A_101, %dma_start3A_212] : memref<2x80xi32, #tpu.memory_space<vmem>> -> memref<1x80xi32, #tpu.memory_space<vmem>>
        %dma_start3A_214 = tpu.memref_squeeze %dma_start3A_213 : memref<1x80xi32, #tpu.memory_space<vmem>> -> memref<80xi32, #tpu.memory_space<vmem>>
        %dma_start3A_215 = arith.constant 0 : i32
        %dma_start3A_216 = arith.constant 0 : i32
        %dma_start3A_217 = tpu.memref_slice %arg2[%dma_start3A_215, %dma_start3A_216] : memref<10000x128xf32, #tpu.memory_space<hbm>> -> memref<10000x128xf32, #tpu.memory_space<hbm>>
        tpu.enqueue_indirect_dma source(%dma_start3A_217 : memref<10000x128xf32, #tpu.memory_space<hbm>>) target(%arg14 : memref<80x128xf32, #tpu.memory_space<vmem>>) offsets(%dma_start3A_214 : memref<80xi32, #tpu.memory_space<vmem>>) semaphore(%arg19 : memref<!tpu.dma_semaphore, #tpu.memory_space<semaphore_mem>>)
        %dma_start3A_218 = arith.constant 0 : i32
        %dma_start3A_219 = tpu.memref_slice %arg12[%sub3A_101, %dma_start3A_218] : memref<2x80xi32, #tpu.memory_space<vmem>> -> memref<1x80xi32, #tpu.memory_space<vmem>>
        %dma_start3A_220 = tpu.memref_squeeze %dma_start3A_219 : memref<1x80xi32, #tpu.memory_space<vmem>> -> memref<80xi32, #tpu.memory_space<vmem>>
        %dma_start3A_221 = arith.constant 0 : i32
        %dma_start3A_222 = arith.constant 0 : i32
        %dma_start3A_223 = tpu.memref_slice %arg3[%dma_start3A_221, %dma_start3A_222] : memref<10000x128xf32, #tpu.memory_space<hbm>> -> memref<10000x128xf32, #tpu.memory_space<hbm>>
        tpu.enqueue_indirect_dma source(%dma_start3A_223 : memref<10000x128xf32, #tpu.memory_space<hbm>>) target(%arg15 : memref<80x128xf32, #tpu.memory_space<vmem>>) offsets(%dma_start3A_220 : memref<80xi32, #tpu.memory_space<vmem>>) semaphore(%arg19 : memref<!tpu.dma_semaphore, #tpu.memory_space<semaphore_mem>>)
      } else {
      }
      %parallel_loop3A_139 = arith.constant 0 : i32
      %parallel_loop3A_140 = arith.constant 80 : i32
      %parallel_loop3A_141 = arith.constant 1 : i32
      scf.for %parallel_loop3A_154 = %parallel_loop3A_139 to %parallel_loop3A_140 step %parallel_loop3A_141  : i32 {
        %parallel_loop3A_155 = arith.index_cast %parallel_loop3A_154 : i32 to index
        %parallel_loop3A_156 = arith.constant 0 : index
        %parallel_loop3A_157 = tpu.vector_load %arg17[%parallel_loop3A_155, %parallel_loop3A_156] {strides = array<i32>} : memref<80x16xf32, #tpu.memory_space<vmem>>, vector<16xf32>,
        %parallel_loop3A_158 = arith.index_cast %parallel_loop3A_154 : i32 to index
        %parallel_loop3A_159 = arith.constant 0 : index
        %parallel_loop3A_160 = tpu.vector_load %arg16[%parallel_loop3A_158, %parallel_loop3A_159] {strides = array<i32>} : memref<80x128xf32, #tpu.memory_space<vmem>>, vector<16xf32>,
        %parallel_loop3A_161 = vector.extract_strided_slice %parallel_loop3A_157 {offsets = [0], sizes = [1], strides = [1]} : vector<16xf32> to vector<1xf32>
        %parallel_loop3A_162 = vector.extract %parallel_loop3A_161[0] : f32 from vector<1xf32>
        %parallel_loop3A_163 = vector.broadcast %parallel_loop3A_162 : f32 to vector<16xf32>
        %parallel_loop3A_164 = arith.mulf %parallel_loop3A_160, %parallel_loop3A_163 : vector<16xf32>
        %parallel_loop3A_165 = arith.index_cast %parallel_loop3A_154 : i32 to index
        %parallel_loop3A_166 = arith.constant 0 : index
        %parallel_loop3A_167 = tpu.vector_load %arg16[%parallel_loop3A_165, %parallel_loop3A_166] {strides = array<i32>} : memref<80x128xf32, #tpu.memory_space<vmem>>, vector<16xf32>,
        tpu.vector_store %arg16[%parallel_loop3A_165, %parallel_loop3A_166], %parallel_loop3A_164 {strides = array<i32>} : memref<80x128xf32, #tpu.memory_space<vmem>>, vector<16xf32>,
        %parallel_loop3A_168 = arith.index_cast %parallel_loop3A_154 : i32 to index
        %parallel_loop3A_169 = arith.constant 16 : index
        %parallel_loop3A_170 = tpu.vector_load %arg16[%parallel_loop3A_168, %parallel_loop3A_169] {strides = array<i32>} : memref<80x128xf32, #tpu.memory_space<vmem>>, vector<16xf32>,
        %parallel_loop3A_171 = vector.extract_strided_slice %parallel_loop3A_157 {offsets = [1], sizes = [1], strides = [1]} : vector<16xf32> to vector<1xf32>
        %parallel_loop3A_172 = vector.extract %parallel_loop3A_171[0] : f32 from vector<1xf32>
        %parallel_loop3A_173 = vector.broadcast %parallel_loop3A_172 : f32 to vector<16xf32>
        %parallel_loop3A_174 = arith.mulf %parallel_loop3A_170, %parallel_loop3A_173 : vector<16xf32>
        %parallel_loop3A_175 = arith.index_cast %parallel_loop3A_154 : i32 to index
        %parallel_loop3A_176 = arith.constant 16 : index
        %parallel_loop3A_177 = tpu.vector_load %arg16[%parallel_loop3A_175, %parallel_loop3A_176] {strides = array<i32>} : memref<80x128xf32, #tpu.memory_space<vmem>>, vector<16xf32>,
        tpu.vector_store %arg16[%parallel_loop3A_175, %parallel_loop3A_176], %parallel_loop3A_174 {strides = array<i32>} : memref<80x128xf32, #tpu.memory_space<vmem>>, vector<16xf32>,
        %parallel_loop3A_178 = arith.index_cast %parallel_loop3A_154 : i32 to index
        %parallel_loop3A_179 = arith.constant 32 : index
        %parallel_loop3A_180 = tpu.vector_load %arg16[%parallel_loop3A_178, %parallel_loop3A_179] {strides = array<i32>} : memref<80x128xf32, #tpu.memory_space<vmem>>, vector<16xf32>,
        %parallel_loop3A_181 = vector.extract_strided_slice %parallel_loop3A_157 {offsets = [2], sizes = [1], strides = [1]} : vector<16xf32> to vector<1xf32>
        %parallel_loop3A_182 = vector.extract %parallel_loop3A_181[0] : f32 from vector<1xf32>
        %parallel_loop3A_183 = vector.broadcast %parallel_loop3A_182 : f32 to vector<16xf32>
        %parallel_loop3A_184 = arith.mulf %parallel_loop3A_180, %parallel_loop3A_183 : vector<16xf32>
        %parallel_loop3A_185 = arith.index_cast %parallel_loop3A_154 : i32 to index
        %parallel_loop3A_186 = arith.constant 32 : index
        %parallel_loop3A_187 = tpu.vector_load %arg16[%parallel_loop3A_185, %parallel_loop3A_186] {strides = array<i32>} : memref<80x128xf32, #tpu.memory_space<vmem>>, vector<16xf32>,
        tpu.vector_store %arg16[%parallel_loop3A_185, %parallel_loop3A_186], %parallel_loop3A_184 {strides = array<i32>} : memref<80x128xf32, #tpu.memory_space<vmem>>, vector<16xf32>,
        %parallel_loop3A_188 = arith.index_cast %parallel_loop3A_154 : i32 to index
        %parallel_loop3A_189 = arith.constant 48 : index
        %parallel_loop3A_190 = tpu.vector_load %arg16[%parallel_loop3A_188, %parallel_loop3A_189] {strides = array<i32>} : memref<80x128xf32, #tpu.memory_space<vmem>>, vector<16xf32>,
        %parallel_loop3A_191 = vector.extract_strided_slice %parallel_loop3A_157 {offsets = [3], sizes = [1], strides = [1]} : vector<16xf32> to vector<1xf32>
        %parallel_loop3A_192 = vector.extract %parallel_loop3A_191[0] : f32 from vector<1xf32>
        %parallel_loop3A_193 = vector.broadcast %parallel_loop3A_192 : f32 to vector<16xf32>
        %parallel_loop3A_194 = arith.mulf %parallel_loop3A_190, %parallel_loop3A_193 : vector<16xf32>
        %parallel_loop3A_195 = arith.index_cast %parallel_loop3A_154 : i32 to index
        %parallel_loop3A_196 = arith.constant 48 : index
        %parallel_loop3A_197 = tpu.vector_load %arg16[%parallel_loop3A_195, %parallel_loop3A_196] {strides = array<i32>} : memref<80x128xf32, #tpu.memory_space<vmem>>, vector<16xf32>,
        tpu.vector_store %arg16[%parallel_loop3A_195, %parallel_loop3A_196], %parallel_loop3A_194 {strides = array<i32>} : memref<80x128xf32, #tpu.memory_space<vmem>>, vector<16xf32>,
        %parallel_loop3A_198 = arith.index_cast %parallel_loop3A_154 : i32 to index
        %parallel_loop3A_199 = arith.constant 64 : index
        %parallel_loop3A_200 = tpu.vector_load %arg16[%parallel_loop3A_198, %parallel_loop3A_199] {strides = array<i32>} : memref<80x128xf32, #tpu.memory_space<vmem>>, vector<16xf32>,
        %parallel_loop3A_201 = vector.extract_strided_slice %parallel_loop3A_157 {offsets = [4], sizes = [1], strides = [1]} : vector<16xf32> to vector<1xf32>
        %parallel_loop3A_202 = vector.extract %parallel_loop3A_201[0] : f32 from vector<1xf32>
        %parallel_loop3A_203 = vector.broadcast %parallel_loop3A_202 : f32 to vector<16xf32>
        %parallel_loop3A_204 = arith.mulf %parallel_loop3A_200, %parallel_loop3A_203 : vector<16xf32>
        %parallel_loop3A_205 = arith.index_cast %parallel_loop3A_154 : i32 to index
        %parallel_loop3A_206 = arith.constant 64 : index
        %parallel_loop3A_207 = tpu.vector_load %arg16[%parallel_loop3A_205, %parallel_loop3A_206] {strides = array<i32>} : memref<80x128xf32, #tpu.memory_space<vmem>>, vector<16xf32>,
        tpu.vector_store %arg16[%parallel_loop3A_205, %parallel_loop3A_206], %parallel_loop3A_204 {strides = array<i32>} : memref<80x128xf32, #tpu.memory_space<vmem>>, vector<16xf32>,
        %parallel_loop3A_208 = arith.index_cast %parallel_loop3A_154 : i32 to index
        %parallel_loop3A_209 = arith.constant 80 : index
        %parallel_loop3A_210 = tpu.vector_load %arg16[%parallel_loop3A_208, %parallel_loop3A_209] {strides = array<i32>} : memref<80x128xf32, #tpu.memory_space<vmem>>, vector<16xf32>,
        %parallel_loop3A_211 = vector.extract_strided_slice %parallel_loop3A_157 {offsets = [5], sizes = [1], strides = [1]} : vector<16xf32> to vector<1xf32>
        %parallel_loop3A_212 = vector.extract %parallel_loop3A_211[0] : f32 from vector<1xf32>
        %parallel_loop3A_213 = vector.broadcast %parallel_loop3A_212 : f32 to vector<16xf32>
        %parallel_loop3A_214 = arith.mulf %parallel_loop3A_210, %parallel_loop3A_213 : vector<16xf32>
        %parallel_loop3A_215 = arith.index_cast %parallel_loop3A_154 : i32 to index
        %parallel_loop3A_216 = arith.constant 80 : index
        %parallel_loop3A_217 = tpu.vector_load %arg16[%parallel_loop3A_215, %parallel_loop3A_216] {strides = array<i32>} : memref<80x128xf32, #tpu.memory_space<vmem>>, vector<16xf32>,
        tpu.vector_store %arg16[%parallel_loop3A_215, %parallel_loop3A_216], %parallel_loop3A_214 {strides = array<i32>} : memref<80x128xf32, #tpu.memory_space<vmem>>, vector<16xf32>,
        %parallel_loop3A_218 = arith.index_cast %parallel_loop3A_154 : i32 to index
        %parallel_loop3A_219 = arith.constant 96 : index
        %parallel_loop3A_220 = tpu.vector_load %arg16[%parallel_loop3A_218, %parallel_loop3A_219] {strides = array<i32>} : memref<80x128xf32, #tpu.memory_space<vmem>>, vector<16xf32>,
        %parallel_loop3A_221 = vector.extract_strided_slice %parallel_loop3A_157 {offsets = [6], sizes = [1], strides = [1]} : vector<16xf32> to vector<1xf32>
        %parallel_loop3A_222 = vector.extract %parallel_loop3A_221[0] : f32 from vector<1xf32>
        %parallel_loop3A_223 = vector.broadcast %parallel_loop3A_222 : f32 to vector<16xf32>
        %parallel_loop3A_224 = arith.mulf %parallel_loop3A_220, %parallel_loop3A_223 : vector<16xf32>
        %parallel_loop3A_225 = arith.index_cast %parallel_loop3A_154 : i32 to index
        %parallel_loop3A_226 = arith.constant 96 : index
        %parallel_loop3A_227 = tpu.vector_load %arg16[%parallel_loop3A_225, %parallel_loop3A_226] {strides = array<i32>} : memref<80x128xf32, #tpu.memory_space<vmem>>, vector<16xf32>,
        tpu.vector_store %arg16[%parallel_loop3A_225, %parallel_loop3A_226], %parallel_loop3A_224 {strides = array<i32>} : memref<80x128xf32, #tpu.memory_space<vmem>>, vector<16xf32>,
        %parallel_loop3A_228 = arith.index_cast %parallel_loop3A_154 : i32 to index
        %parallel_loop3A_229 = arith.constant 112 : index
        %parallel_loop3A_230 = tpu.vector_load %arg16[%parallel_loop3A_228, %parallel_loop3A_229] {strides = array<i32>} : memref<80x128xf32, #tpu.memory_space<vmem>>, vector<16xf32>,
        %parallel_loop3A_231 = vector.extract_strided_slice %parallel_loop3A_157 {offsets = [7], sizes = [1], strides = [1]} : vector<16xf32> to vector<1xf32>
        %parallel_loop3A_232 = vector.extract %parallel_loop3A_231[0] : f32 from vector<1xf32>
        %parallel_loop3A_233 = vector.broadcast %parallel_loop3A_232 : f32 to vector<16xf32>
        %parallel_loop3A_234 = arith.mulf %parallel_loop3A_230, %parallel_loop3A_233 : vector<16xf32>
        %parallel_loop3A_235 = arith.index_cast %parallel_loop3A_154 : i32 to index
        %parallel_loop3A_236 = arith.constant 112 : index
        %parallel_loop3A_237 = tpu.vector_load %arg16[%parallel_loop3A_235, %parallel_loop3A_236] {strides = array<i32>} : memref<80x128xf32, #tpu.memory_space<vmem>>, vector<16xf32>,
        tpu.vector_store %arg16[%parallel_loop3A_235, %parallel_loop3A_236], %parallel_loop3A_234 {strides = array<i32>} : memref<80x128xf32, #tpu.memory_space<vmem>>, vector<16xf32>,
      } {sc.loop_unroll_factor = 4 : i64, sc.parallel_access}
      %dma_start3A_142 = arith.constant 0 : i32
      %dma_start3A_143 = tpu.memref_slice %arg12[%rem3A_99, %dma_start3A_142] : memref<2x80xi32, #tpu.memory_space<vmem>> -> memref<1x80xi32, #tpu.memory_space<vmem>>
      %dma_start3A_144 = tpu.memref_squeeze %dma_start3A_143 : memref<1x80xi32, #tpu.memory_space<vmem>> -> memref<80xi32, #tpu.memory_space<vmem>>
      %dma_start3A_145 = arith.constant 0 : i32
      %dma_start3A_146 = arith.constant 0 : i32
      %dma_start3A_147 = tpu.memref_slice %arg9[%dma_start3A_145, %dma_start3A_146] : memref<10112x128xf32, #tpu.memory_space<vmem_shared>> -> memref<10112x128xf32, #tpu.memory_space<vmem_shared>>
      tpu.enqueue_indirect_dma source(%arg16 : memref<80x128xf32, #tpu.memory_space<vmem>>) target(%dma_start3A_147 : memref<10112x128xf32, #tpu.memory_space<vmem_shared>>) offsets(%dma_start3A_144 : memref<80xi32, #tpu.memory_space<vmem>>) semaphore(%arg21 : memref<!tpu.dma_semaphore, #tpu.memory_space<semaphore_mem>>) {add = true}
      %dma_start3A_148 = arith.constant 0 : i32
      %dma_start3A_149 = tpu.memref_slice %arg12[%rem3A_99, %dma_start3A_148] : memref<2x80xi32, #tpu.memory_space<vmem>> -> memref<1x80xi32, #tpu.memory_space<vmem>>
      %dma_start3A_150 = tpu.memref_squeeze %dma_start3A_149 : memref<1x80xi32, #tpu.memory_space<vmem>> -> memref<80xi32, #tpu.memory_space<vmem>>
      %dma_start3A_151 = arith.constant 0 : i32
      %dma_start3A_152 = arith.constant 0 : i32
      %dma_start3A_153 = tpu.memref_slice %arg10[%dma_start3A_151, %dma_start3A_152] : memref<10112x16xf32, #tpu.memory_space<vmem_shared>> -> memref<10112x16xf32, #tpu.memory_space<vmem_shared>>
      tpu.enqueue_indirect_dma source(%arg17 : memref<80x16xf32, #tpu.memory_space<vmem>>) target(%dma_start3A_153 : memref<10112x16xf32, #tpu.memory_space<vmem_shared>>) offsets(%dma_start3A_150 : memref<80xi32, #tpu.memory_space<vmem>>) semaphore(%arg21 : memref<!tpu.dma_semaphore, #tpu.memory_space<semaphore_mem>>) {add = true}
    }
    %scan3A_77 = arith.constant 125 : i32
    %rem3A_78 = arith.constant 124 : i32
    %rem3A_79 = arith.constant 2 : i32
    %rem3A_80 = arith.remsi %rem3A_78, %rem3A_79 : i32
    %dma_wait3A = arith.constant 0 : i32
    %dma_wait3A_81 = tpu.memref_slice %arg12[%rem3A_80, %dma_wait3A] : memref<2x80xi32, #tpu.memory_space<vmem>> -> memref<1x80xi32, #tpu.memory_space<vmem>>
    %dma_wait3A_82 = tpu.memref_squeeze %dma_wait3A_81 : memref<1x80xi32, #tpu.memory_space<vmem>> -> memref<80xi32, #tpu.memory_space<vmem>>
    %dma_wait3A_83 = arith.constant 0 : i32
    %dma_wait3A_84 = arith.constant 0 : i32
    %dma_wait3A_85 = tpu.memref_slice %arg9[%dma_wait3A_83, %dma_wait3A_84] : memref<10112x128xf32, #tpu.memory_space<vmem_shared>> -> memref<10112x128xf32, #tpu.memory_space<vmem_shared>>
    tpu.wait_indirect_dma semaphore(%arg21 : memref<!tpu.dma_semaphore, #tpu.memory_space<semaphore_mem>>) src(%arg16 : memref<80x128xf32, #tpu.memory_space<vmem>>) dst(%dma_wait3A_85 : memref<10112x128xf32, #tpu.memory_space<vmem_shared>>)
    %dma_wait3A_86 = arith.constant 0 : i32
    %dma_wait3A_87 = tpu.memref_slice %arg12[%rem3A_80, %dma_wait3A_86] : memref<2x80xi32, #tpu.memory_space<vmem>> -> memref<1x80xi32, #tpu.memory_space<vmem>>
    %dma_wait3A_88 = tpu.memref_squeeze %dma_wait3A_87 : memref<1x80xi32, #tpu.memory_space<vmem>> -> memref<80xi32, #tpu.memory_space<vmem>>
    %dma_wait3A_89 = arith.constant 0 : i32
    %dma_wait3A_90 = arith.constant 0 : i32
    %dma_wait3A_91 = tpu.memref_slice %arg10[%dma_wait3A_89, %dma_wait3A_90] : memref<10112x16xf32, #tpu.memory_space<vmem_shared>> -> memref<10112x16xf32, #tpu.memory_space<vmem_shared>>
    tpu.wait_indirect_dma semaphore(%arg21 : memref<!tpu.dma_semaphore, #tpu.memory_space<semaphore_mem>>) src(%arg17 : memref<80x16xf32, #tpu.memory_space<vmem>>) dst(%dma_wait3A_91 : memref<10112x16xf32, #tpu.memory_space<vmem_shared>>)
    %barrier3A_92 = arith.constant 0 : index
    tpu.barrier barrier_id(%barrier3A_92)
    "tpu.region"() ({
      %run_scoped3A_93 = tpu.sem_alloc : memref<!tpu.dma_semaphore, #tpu.memory_space<semaphore_mem>>
      %dma_start3A_94 = arith.constant 0 : i32
      %dma_start3A_95 = tpu.memref_slice %arg7[%arg0, %mul3A_5, %dma_start3A_94] : memref<2x10112x128xf32, #tpu.memory_space<hbm>> -> memref<1x632x128xf32, #tpu.memory_space<hbm>>
      %dma_start3A_96 = tpu.memref_squeeze %dma_start3A_95 : memref<1x632x128xf32, #tpu.memory_space<hbm>> -> memref<632x128xf32, #tpu.memory_space<hbm>>
      %dma_start3A_97 = arith.constant 0 : i32
      %dma_start3A_98 = tpu.memref_slice %arg9[%mul3A_5, %dma_start3A_97] : memref<10112x128xf32, #tpu.memory_space<vmem_shared>> -> memref<632x128xf32, #tpu.memory_space<vmem_shared>>
      tpu.enqueue_dma source(%dma_start3A_98 : memref<632x128xf32, #tpu.memory_space<vmem_shared>>) target(%dma_start3A_96 : memref<632x128xf32, #tpu.memory_space<hbm>>) target_semaphore(%run_scoped3A_93 : memref<!tpu.dma_semaphore, #tpu.memory_space<semaphore_mem>>)
      %dma_wait3A_99 = arith.constant 0 : i32
      %dma_wait3A_100 = tpu.memref_slice %arg7[%arg0, %mul3A_5, %dma_wait3A_99] : memref<2x10112x128xf32, #tpu.memory_space<hbm>> -> memref<1x632x128xf32, #tpu.memory_space<hbm>>
      %dma_wait3A_101 = tpu.memref_squeeze %dma_wait3A_100 : memref<1x632x128xf32, #tpu.memory_space<hbm>> -> memref<632x128xf32, #tpu.memory_space<hbm>>
      %dma_wait3A_102 = arith.constant 0 : i32
      %dma_wait3A_103 = tpu.memref_slice %arg9[%mul3A_5, %dma_wait3A_102] : memref<10112x128xf32, #tpu.memory_space<vmem_shared>> -> memref<632x128xf32, #tpu.memory_space<vmem_shared>>
      tpu.wait_dma2 semaphore(%run_scoped3A_93 : memref<!tpu.dma_semaphore, #tpu.memory_space<semaphore_mem>>) src(%dma_wait3A_103 : memref<632x128xf32, #tpu.memory_space<vmem_shared>>) dst(%dma_wait3A_101 : memref<632x128xf32, #tpu.memory_space<hbm>>)
      tpu.yield
    }) : () -> ()
    "tpu.region"() ({
      %run_scoped3A_93 = tpu.sem_alloc : memref<!tpu.dma_semaphore, #tpu.memory_space<semaphore_mem>>
      %dma_start3A_94 = arith.constant 0 : i32
      %dma_start3A_95 = tpu.memref_slice %arg8[%arg0, %mul3A_5, %dma_start3A_94] : memref<2x10112x16xf32, #tpu.memory_space<hbm>> -> memref<1x632x16xf32, #tpu.memory_space<hbm>>
      %dma_start3A_96 = tpu.memref_squeeze %dma_start3A_95 : memref<1x632x16xf32, #tpu.memory_space<hbm>> -> memref<632x16xf32, #tpu.memory_space<hbm>>
      %dma_start3A_97 = arith.constant 0 : i32
      %dma_start3A_98 = tpu.memref_slice %arg10[%mul3A_5, %dma_start3A_97] : memref<10112x16xf32, #tpu.memory_space<vmem_shared>> -> memref<632x16xf32, #tpu.memory_space<vmem_shared>>
      tpu.enqueue_dma source(%dma_start3A_98 : memref<632x16xf32, #tpu.memory_space<vmem_shared>>) target(%dma_start3A_96 : memref<632x16xf32, #tpu.memory_space<hbm>>) target_semaphore(%run_scoped3A_93 : memref<!tpu.dma_semaphore, #tpu.memory_space<semaphore_mem>>)
      %dma_wait3A_99 = arith.constant 0 : i32
      %dma_wait3A_100 = tpu.memref_slice %arg8[%arg0, %mul3A_5, %dma_wait3A_99] : memref<2x10112x16xf32, #tpu.memory_space<hbm>> -> memref<1x632x16xf32, #tpu.memory_space<hbm>>
      %dma_wait3A_101 = tpu.memref_squeeze %dma_wait3A_100 : memref<1x632x16xf32, #tpu.memory_space<hbm>> -> memref<632x16xf32, #tpu.memory_space<hbm>>
      %dma_wait3A_102 = arith.constant 0 : i32
      %dma_wait3A_103 = tpu.memref_slice %arg10[%mul3A_5, %dma_wait3A_102] : memref<10112x16xf32, #tpu.memory_space<vmem_shared>> -> memref<632x16xf32, #tpu.memory_space<vmem_shared>>
      tpu.wait_dma2 semaphore(%run_scoped3A_93 : memref<!tpu.dma_semaphore, #tpu.memory_space<semaphore_mem>>) src(%dma_wait3A_103 : memref<632x16xf32, #tpu.memory_space<vmem_shared>>) dst(%dma_wait3A_101 : memref<632x16xf32, #tpu.memory_space<hbm>>)
      tpu.yield
    }) : () -> ()
    return
  }
}

module attributes {stable_mosaic.version = 14 : i64} {
  func.func @_prologue_body(%arg0: i32, %arg1: memref<1000x128xf32, #tpu.memory_space<vmem>>, %arg2: memref<1x128xf32, #tpu.memory_space<vmem>>, %arg3: memref<1x128xf32, #tpu.memory_space<vmem>>, %arg4: memref<128x384xf32, #tpu.memory_space<vmem>>, %arg5: memref<1x384xf32, #tpu.memory_space<vmem>>, %arg6: memref<400x640xf32, #tpu.memory_space<vmem>>, %arg7: memref<400x640xf32, #tpu.memory_space<vmem>>, %arg8: memref<1000x128xf32, #tpu.memory_space<vmem>>, %arg9: memref<1000x128xf32, #tpu.memory_space<vmem>>, %arg10: memref<1000x128xf32, #tpu.memory_space<vmem>>, %arg11: memref<1000x128xf32, #tpu.memory_space<vmem>>, %arg12: memref<400x640xf32, #tpu.memory_space<vmem>>) attributes {dimension_semantics = [#tpu.dimension_semantics<arbitrary>], iteration_bounds = array<i64: 10>, scalar_prefetch = 0 : i64, scratch_operands = 0 : i64, tpu.core_type = #tpu.core_type<tc>, window_params = [{transform_indices = @transform_0, window_bounds = array<i64: 1000, 128>}, {pipeline_mode = #tpu.pipeline_mode<synchronous>, transform_indices = @transform_1, window_bounds = array<i64: 1, 128>}, {pipeline_mode = #tpu.pipeline_mode<synchronous>, transform_indices = @transform_2, window_bounds = array<i64: 1, 128>}, {pipeline_mode = #tpu.pipeline_mode<synchronous>, transform_indices = @transform_3, window_bounds = array<i64: 128, 384>}, {pipeline_mode = #tpu.pipeline_mode<synchronous>, transform_indices = @transform_4, window_bounds = array<i64: 1, 384>}, {transform_indices = @transform_5, window_bounds = array<i64: 400, 640>}, {transform_indices = @transform_6, window_bounds = array<i64: 400, 640>}, {transform_indices = @transform_7, window_bounds = array<i64: 1000, 128>}, {transform_indices = @transform_8, window_bounds = array<i64: 1000, 128>}, {transform_indices = @transform_9, window_bounds = array<i64: 1000, 128>}, {transform_indices = @transform_10, window_bounds = array<i64: 1000, 128>}, {transform_indices = @transform_11, window_bounds = array<i64: 400, 640>}]} {
    %get3A = arith.constant 0 : index
    %get3A_0 = arith.constant 0 : index
    %get3A_1 = vector.load %arg1[%get3A, %get3A_0] : memref<1000x128xf32, #tpu.memory_space<vmem>>, vector<1000x128xf32>
    %reduce_sum3A = arith.constant dense<0.000000e+00> : vector<1000xf32>
    %reduce_sum3A_2 = vector.multi_reduction <add>, %get3A_1, %reduce_sum3A [1] : vector<1000x128xf32> to vector<1000xf32>
    %broadcast_in_dim3A = vector.shape_cast %reduce_sum3A_2 : vector<1000xf32> to vector<1000x1xf32>
    %div3A = arith.constant 1.280000e+02 : f32
    %div3A_3 = vector.broadcast %div3A : f32 to vector<1000x1xf32>
    %div3A_4 = arith.divf %broadcast_in_dim3A, %div3A_3 : vector<1000x1xf32>
    %sub3A = vector.broadcast %div3A_4 : vector<1000x1xf32> to vector<1000x128xf32>
    %sub3A_5 = arith.subf %get3A_1, %sub3A : vector<1000x128xf32>
    %integer_pow3A = arith.mulf %sub3A_5, %sub3A_5 : vector<1000x128xf32>
    %reduce_sum3A_6 = arith.constant dense<0.000000e+00> : vector<1000xf32>
    %reduce_sum3A_7 = vector.multi_reduction <add>, %integer_pow3A, %reduce_sum3A_6 [1] : vector<1000x128xf32> to vector<1000xf32>
    %broadcast_in_dim3A_8 = vector.shape_cast %reduce_sum3A_7 : vector<1000xf32> to vector<1000x1xf32>
    %div3A_9 = arith.constant 1.280000e+02 : f32
    %div3A_10 = vector.broadcast %div3A_9 : f32 to vector<1000x1xf32>
    %div3A_11 = arith.divf %broadcast_in_dim3A_8, %div3A_10 : vector<1000x1xf32>
    %sub3A_12 = vector.broadcast %div3A_4 : vector<1000x1xf32> to vector<1000x128xf32>
    %sub3A_13 = arith.subf %get3A_1, %sub3A_12 : vector<1000x128xf32>
    %add3A = arith.constant 9.99999974E-6 : f32
    %add3A_14 = vector.broadcast %add3A : f32 to vector<1000x1xf32>
    %add3A_15 = arith.addf %div3A_11, %add3A_14 : vector<1000x1xf32>
    %rsqrt3A = math.rsqrt %add3A_15 : vector<1000x1xf32>
    %mul3A = vector.broadcast %rsqrt3A : vector<1000x1xf32> to vector<1000x128xf32>
    %mul3A_16 = arith.mulf %sub3A_13, %mul3A : vector<1000x128xf32>
    %get3A_17 = arith.constant 0 : index
    %get3A_18 = arith.constant 0 : index
    %get3A_19 = vector.load %arg2[%get3A_17, %get3A_18] : memref<1x128xf32, #tpu.memory_space<vmem>>, vector<1x128xf32>
    %mul3A_20 = vector.broadcast %get3A_19 : vector<1x128xf32> to vector<1000x128xf32>
    %mul3A_21 = arith.mulf %mul3A_16, %mul3A_20 : vector<1000x128xf32>
    %get3A_22 = arith.constant 0 : index
    %get3A_23 = arith.constant 0 : index
    %get3A_24 = vector.load %arg3[%get3A_22, %get3A_23] : memref<1x128xf32, #tpu.memory_space<vmem>>, vector<1x128xf32>
    %add3A_25 = vector.broadcast %get3A_24 : vector<1x128xf32> to vector<1000x128xf32>
    %add3A_26 = arith.addf %mul3A_21, %add3A_25 : vector<1000x128xf32>
    %get3A_27 = arith.constant 0 : index
    %get3A_28 = arith.constant 0 : index
    %get3A_29 = vector.load %arg4[%get3A_27, %get3A_28] : memref<128x384xf32, #tpu.memory_space<vmem>>, vector<128x384xf32>
    %dot_general3A = arith.constant dense<0.000000e+00> : vector<1000x384xf32>
    %dot_general3A_30 = tpu.matmul %add3A_26, %get3A_29, %dot_general3A {dimension_numbers = #tpu.dot_dimension_numbers<[1], [0], [0], [1], [0, 0, 1, 1], [], []>, transpose_lhs_hint = false} : vector<1000x128xf32>, vector<128x384xf32>, vector<1000x384xf32> -> vector<1000x384xf32>
    %get3A_31 = arith.constant 0 : index
    %get3A_32 = arith.constant 0 : index
    %get3A_33 = vector.load %arg5[%get3A_31, %get3A_32] : memref<1x384xf32, #tpu.memory_space<vmem>>, vector<1x384xf32>
    %add3A_34 = vector.broadcast %get3A_33 : vector<1x384xf32> to vector<1000x384xf32>
    %add3A_35 = arith.addf %dot_general3A_30, %add3A_34 : vector<1000x384xf32>
    %swap3A = arith.constant 0 : index
    %swap3A_36 = arith.constant 0 : index
    %swap3A_37 = vector.load %arg11[%swap3A, %swap3A_36] : memref<1000x128xf32, #tpu.memory_space<vmem>>, vector<1000x128xf32>
    tpu.vector_store %arg11[%swap3A, %swap3A_36], %add3A_26 {strides = array<i32>} : memref<1000x128xf32, #tpu.memory_space<vmem>>, vector<1000x128xf32>,
    %slice3A = vector.extract_strided_slice %add3A_35 {offsets = [0, 0], sizes = [1000, 128], strides = [1, 1]} : vector<1000x384xf32> to vector<1000x128xf32>
    %mul3A_38 = arith.constant 0.0883883461 : f32
    %mul3A_39 = vector.broadcast %mul3A_38 : f32 to vector<1000x128xf32>
    %mul3A_40 = arith.mulf %slice3A, %mul3A_39 : vector<1000x128xf32>
    %swap3A_41 = arith.constant 0 : index
    %swap3A_42 = arith.constant 0 : index
    %swap3A_43 = vector.load %arg8[%swap3A_41, %swap3A_42] : memref<1000x128xf32, #tpu.memory_space<vmem>>, vector<1000x128xf32>
    tpu.vector_store %arg8[%swap3A_41, %swap3A_42], %mul3A_40 {strides = array<i32>} : memref<1000x128xf32, #tpu.memory_space<vmem>>, vector<1000x128xf32>,
    %slice3A_44 = vector.extract_strided_slice %add3A_35 {offsets = [0, 128], sizes = [1000, 128], strides = [1, 1]} : vector<1000x384xf32> to vector<1000x128xf32>
    %swap3A_45 = arith.constant 0 : index
    %swap3A_46 = arith.constant 0 : index
    %swap3A_47 = vector.load %arg9[%swap3A_45, %swap3A_46] : memref<1000x128xf32, #tpu.memory_space<vmem>>, vector<1000x128xf32>
    tpu.vector_store %arg9[%swap3A_45, %swap3A_46], %slice3A_44 {strides = array<i32>} : memref<1000x128xf32, #tpu.memory_space<vmem>>, vector<1000x128xf32>,
    %slice3A_48 = vector.extract_strided_slice %add3A_35 {offsets = [0, 256], sizes = [1000, 128], strides = [1, 1]} : vector<1000x384xf32> to vector<1000x128xf32>
    %swap3A_49 = arith.constant 0 : index
    %swap3A_50 = arith.constant 0 : index
    %swap3A_51 = vector.load %arg10[%swap3A_49, %swap3A_50] : memref<1000x128xf32, #tpu.memory_space<vmem>>, vector<1000x128xf32>
    tpu.vector_store %arg10[%swap3A_49, %swap3A_50], %slice3A_48 {strides = array<i32>} : memref<1000x128xf32, #tpu.memory_space<vmem>>, vector<1000x128xf32>,
    %get3A_52 = arith.constant 0 : index
    %get3A_53 = arith.constant 0 : index
    %get3A_54 = vector.load %arg6[%get3A_52, %get3A_53] : memref<400x640xf32, #tpu.memory_space<vmem>>, vector<400x640xf32>
    %get3A_55 = arith.constant 0 : index
    %get3A_56 = arith.constant 0 : index
    %get3A_57 = vector.load %arg7[%get3A_55, %get3A_56] : memref<400x640xf32, #tpu.memory_space<vmem>>, vector<400x640xf32>
    %add3A_58 = arith.addf %get3A_54, %get3A_57 : vector<400x640xf32>
    %swap3A_59 = arith.constant 0 : index
    %swap3A_60 = arith.constant 0 : index
    %swap3A_61 = vector.load %arg12[%swap3A_59, %swap3A_60] : memref<400x640xf32, #tpu.memory_space<vmem>>, vector<400x640xf32>
    tpu.vector_store %arg12[%swap3A_59, %swap3A_60], %add3A_58 {strides = array<i32>} : memref<400x640xf32, #tpu.memory_space<vmem>>, vector<400x640xf32>,
    return
  }
  func.func @transform_0(%arg0: i32) -> (i32, i32) {
    %c0_i32 = arith.constant 0 : i32
    %c0_i32_0 = arith.constant 0 : i32
    return %arg0, %c0_i32 : i32, i32
  }
  func.func @transform_1(%arg0: i32) -> (i32, i32) {
    %c0_i32 = arith.constant 0 : i32
    %c0_i32_0 = arith.constant 0 : i32
    %c0_i32_1 = arith.constant 0 : i32
    return %c0_i32, %c0_i32_0 : i32, i32
  }
  func.func @transform_2(%arg0: i32) -> (i32, i32) {
    %c0_i32 = arith.constant 0 : i32
    %c0_i32_0 = arith.constant 0 : i32
    %c0_i32_1 = arith.constant 0 : i32
    return %c0_i32, %c0_i32_0 : i32, i32
  }
  func.func @transform_3(%arg0: i32) -> (i32, i32) {
    %c0_i32 = arith.constant 0 : i32
    %c0_i32_0 = arith.constant 0 : i32
    %c0_i32_1 = arith.constant 0 : i32
    return %c0_i32, %c0_i32_0 : i32, i32
  }
  func.func @transform_4(%arg0: i32) -> (i32, i32) {
    %c0_i32 = arith.constant 0 : i32
    %c0_i32_0 = arith.constant 0 : i32
    %c0_i32_1 = arith.constant 0 : i32
    return %c0_i32, %c0_i32_0 : i32, i32
  }
  func.func @transform_5(%arg0: i32) -> (i32, i32) {
    %c0_i32 = arith.constant 0 : i32
    %c0_i32_0 = arith.constant 0 : i32
    return %arg0, %c0_i32 : i32, i32
  }
  func.func @transform_6(%arg0: i32) -> (i32, i32) {
    %c0_i32 = arith.constant 0 : i32
    %c0_i32_0 = arith.constant 0 : i32
    return %arg0, %c0_i32 : i32, i32
  }
  func.func @transform_7(%arg0: i32) -> (i32, i32) {
    %c0_i32 = arith.constant 0 : i32
    %c0_i32_0 = arith.constant 0 : i32
    return %arg0, %c0_i32 : i32, i32
  }
  func.func @transform_8(%arg0: i32) -> (i32, i32) {
    %c0_i32 = arith.constant 0 : i32
    %c0_i32_0 = arith.constant 0 : i32
    return %arg0, %c0_i32 : i32, i32
  }
  func.func @transform_9(%arg0: i32) -> (i32, i32) {
    %c0_i32 = arith.constant 0 : i32
    %c0_i32_0 = arith.constant 0 : i32
    return %arg0, %c0_i32 : i32, i32
  }
  func.func @transform_10(%arg0: i32) -> (i32, i32) {
    %c0_i32 = arith.constant 0 : i32
    %c0_i32_0 = arith.constant 0 : i32
    return %arg0, %c0_i32 : i32, i32
  }
  func.func @transform_11(%arg0: i32) -> (i32, i32) {
    %c0_i32 = arith.constant 0 : i32
    %c0_i32_0 = arith.constant 0 : i32
    return %arg0, %c0_i32 : i32, i32
  }
}

module attributes {stable_mosaic.version = 14 : i64} {
  func.func @_epilogue_body(%arg0: i32, %arg1: memref<1000x128xf32, #tpu.memory_space<vmem>>, %arg2: memref<2x1000x128xf32, #tpu.memory_space<vmem>>, %arg3: memref<2x1000x16xf32, #tpu.memory_space<vmem>>, %arg4: memref<128x128xf32, #tpu.memory_space<vmem>>, %arg5: memref<1x128xf32, #tpu.memory_space<vmem>>, %arg6: memref<1x128xf32, #tpu.memory_space<vmem>>, %arg7: memref<1x128xf32, #tpu.memory_space<vmem>>, %arg8: memref<128x512xf32, #tpu.memory_space<vmem>>, %arg9: memref<1x512xf32, #tpu.memory_space<vmem>>, %arg10: memref<512x128xf32, #tpu.memory_space<vmem>>, %arg11: memref<1x128xf32, #tpu.memory_space<vmem>>, %arg12: memref<1000x128xf32, #tpu.memory_space<vmem>>) attributes {dimension_semantics = [#tpu.dimension_semantics<arbitrary>], iteration_bounds = array<i64: 10>, scalar_prefetch = 0 : i64, scratch_operands = 0 : i64, tpu.core_type = #tpu.core_type<tc>, window_params = [{transform_indices = @transform_0, window_bounds = array<i64: 1000, 128>}, {transform_indices = @transform_1, window_bounds = array<i64: 2, 1000, 128>}, {transform_indices = @transform_2, window_bounds = array<i64: 2, 1000, 16>}, {pipeline_mode = #tpu.pipeline_mode<synchronous>, transform_indices = @transform_3, window_bounds = array<i64: 128, 128>}, {pipeline_mode = #tpu.pipeline_mode<synchronous>, transform_indices = @transform_4, window_bounds = array<i64: 1, 128>}, {pipeline_mode = #tpu.pipeline_mode<synchronous>, transform_indices = @transform_5, window_bounds = array<i64: 1, 128>}, {pipeline_mode = #tpu.pipeline_mode<synchronous>, transform_indices = @transform_6, window_bounds = array<i64: 1, 128>}, {pipeline_mode = #tpu.pipeline_mode<synchronous>, transform_indices = @transform_7, window_bounds = array<i64: 128, 512>}, {pipeline_mode = #tpu.pipeline_mode<synchronous>, transform_indices = @transform_8, window_bounds = array<i64: 1, 512>}, {pipeline_mode = #tpu.pipeline_mode<synchronous>, transform_indices = @transform_9, window_bounds = array<i64: 512, 128>}, {pipeline_mode = #tpu.pipeline_mode<synchronous>, transform_indices = @transform_10, window_bounds = array<i64: 1, 128>}, {transform_indices = @transform_11, window_bounds = array<i64: 1000, 128>}]} {
    %get3A = arith.constant 0 : index
    %get3A_0 = arith.constant 0 : index
    %get3A_1 = arith.constant 0 : index
    %get3A_2 = vector.load %arg2[%get3A, %get3A_0, %get3A_1] : memref<2x1000x128xf32, #tpu.memory_space<vmem>>, vector<1x1000x128xf32>
    %get3A_3 = vector.shape_cast %get3A_2 : vector<1x1000x128xf32> to vector<1000x128xf32>
    %get3A_4 = arith.constant 1 : index
    %get3A_5 = arith.constant 0 : index
    %get3A_6 = arith.constant 0 : index
    %get3A_7 = vector.load %arg2[%get3A_4, %get3A_5, %get3A_6] : memref<2x1000x128xf32, #tpu.memory_space<vmem>>, vector<1x1000x128xf32>
    %get3A_8 = vector.shape_cast %get3A_7 : vector<1x1000x128xf32> to vector<1000x128xf32>
    %add3A = arith.addf %get3A_3, %get3A_8 : vector<1000x128xf32>
    %get3A_9 = arith.constant 0 : index
    %get3A_10 = arith.constant 0 : index
    %get3A_11 = arith.constant 0 : index
    %get3A_12 = vector.load %arg3[%get3A_9, %get3A_10, %get3A_11] : memref<2x1000x16xf32, #tpu.memory_space<vmem>>, vector<1x1000x16xf32>
    %get3A_13 = vector.shape_cast %get3A_12 : vector<1x1000x16xf32> to vector<1000x16xf32>
    %get3A_14 = arith.constant 1 : index
    %get3A_15 = arith.constant 0 : index
    %get3A_16 = arith.constant 0 : index
    %get3A_17 = vector.load %arg3[%get3A_14, %get3A_15, %get3A_16] : memref<2x1000x16xf32, #tpu.memory_space<vmem>>, vector<1x1000x16xf32>
    %get3A_18 = vector.shape_cast %get3A_17 : vector<1x1000x16xf32> to vector<1000x16xf32>
    %add3A_19 = arith.addf %get3A_13, %get3A_18 : vector<1000x16xf32>
    %slice3A = vector.extract_strided_slice %add3A_19 {offsets = [0, 0], sizes = [1000, 8], strides = [1, 1]} : vector<1000x16xf32> to vector<1000x8xf32>
    %gt3A = arith.constant 0.000000e+00 : f32
    %gt3A_20 = vector.broadcast %gt3A : f32 to vector<1000x8xf32>
    %gt3A_21 = arith.cmpf ogt, %slice3A, %gt3A_20 : vector<1000x8xf32>
    %div3A = arith.constant 1.000000e+00 : f32
    %div3A_22 = vector.broadcast %div3A : f32 to vector<1000x8xf32>
    %div3A_23 = arith.divf %div3A_22, %slice3A : vector<1000x8xf32>
    %jit3A = arith.constant 0.000000e+00 : f32
    %broadcast_in_dim3A = vector.broadcast %jit3A : f32 to vector<1000x8xf32>
    %select_n3A = arith.select %gt3A_21, %div3A_23, %broadcast_in_dim3A : vector<1000x8xi1>, vector<1000x8xf32>
    %iota3A = tpu.iota {dimensions = array<i32: 0>} : vector<8x128xi32>
    %iota3A_24 = tpu.iota {dimensions = array<i32: 1>} : vector<8x128xi32>
    %jit3A_25 = arith.constant 16 : i32
    %div3A_26 = vector.broadcast %jit3A_25 : i32 to vector<8x128xi32>
    %div3A_27 = arith.divsi %iota3A_24, %div3A_26 : vector<8x128xi32>
    %sign3A = arith.constant 0 : i32
    %sign3A_28 = vector.broadcast %sign3A : i32 to vector<8x128xi32>
    %sign3A_29 = arith.cmpi sgt, %iota3A_24, %sign3A_28 : vector<8x128xi32>
    %sign3A_30 = arith.extui %sign3A_29 : vector<8x128xi1> to vector<8x128xi32>
    %sign3A_31 = arith.constant 0 : i32
    %sign3A_32 = vector.broadcast %sign3A_31 : i32 to vector<8x128xi32>
    %sign3A_33 = arith.cmpi slt, %iota3A_24, %sign3A_32 : vector<8x128xi32>
    %sign3A_34 = arith.extui %sign3A_33 : vector<8x128xi1> to vector<8x128xi32>
    %sign3A_35 = arith.subi %sign3A_30, %sign3A_34 : vector<8x128xi32>
    %sign3A_36 = arith.constant 0 : i32
    %sign3A_37 = arith.cmpi sgt, %jit3A_25, %sign3A_36 : i32
    %sign3A_38 = arith.extui %sign3A_37 : i1 to i32
    %sign3A_39 = arith.constant 0 : i32
    %sign3A_40 = arith.cmpi slt, %jit3A_25, %sign3A_39 : i32
    %sign3A_41 = arith.extui %sign3A_40 : i1 to i32
    %sign3A_42 = arith.subi %sign3A_38, %sign3A_41 : i32
    %ne3A = vector.broadcast %sign3A_42 : i32 to vector<8x128xi32>
    %ne3A_43 = arith.cmpi ne, %sign3A_35, %ne3A : vector<8x128xi32>
    %rem3A = vector.broadcast %jit3A_25 : i32 to vector<8x128xi32>
    %rem3A_44 = arith.remsi %iota3A_24, %rem3A : vector<8x128xi32>
    %ne3A_45 = arith.constant 0 : i32
    %ne3A_46 = vector.broadcast %ne3A_45 : i32 to vector<8x128xi32>
    %ne3A_47 = arith.cmpi ne, %rem3A_44, %ne3A_46 : vector<8x128xi32>
    %and3A = arith.andi %ne3A_43, %ne3A_47 : vector<8x128xi1>
    %sub3A = arith.constant 1 : i32
    %sub3A_48 = vector.broadcast %sub3A : i32 to vector<8x128xi32>
    %sub3A_49 = arith.subi %div3A_27, %sub3A_48 : vector<8x128xi32>
    %select_n3A_50 = arith.select %and3A, %sub3A_49, %div3A_27 : vector<8x128xi1>, vector<8x128xi32>
    %eq3A = arith.cmpi eq, %iota3A, %select_n3A_50 : vector<8x128xi32>
    %convert_element_type3A = arith.extui %eq3A : vector<8x128xi1> to vector<8x128xi32>
    %convert_element_type3A_51 = arith.sitofp %convert_element_type3A : vector<8x128xi32> to vector<8x128xf32>
    %dot_general3A = arith.constant dense<0.000000e+00> : vector<1000x128xf32>
    %dot_general3A_52 = tpu.matmul %select_n3A, %convert_element_type3A_51, %dot_general3A {dimension_numbers = #tpu.dot_dimension_numbers<[1], [0], [0], [1], [0, 0, 1, 1], [], []>, transpose_lhs_hint = false} : vector<1000x8xf32>, vector<8x128xf32>, vector<1000x128xf32> -> vector<1000x128xf32>
    %mul3A = arith.mulf %add3A, %dot_general3A_52 : vector<1000x128xf32>
    %get3A_53 = arith.constant 0 : index
    %get3A_54 = arith.constant 0 : index
    %get3A_55 = vector.load %arg1[%get3A_53, %get3A_54] : memref<1000x128xf32, #tpu.memory_space<vmem>>, vector<1000x128xf32>
    %get3A_56 = arith.constant 0 : index
    %get3A_57 = arith.constant 0 : index
    %get3A_58 = vector.load %arg4[%get3A_56, %get3A_57] : memref<128x128xf32, #tpu.memory_space<vmem>>, vector<128x128xf32>
    %dot_general3A_59 = arith.constant dense<0.000000e+00> : vector<1000x128xf32>
    %dot_general3A_60 = tpu.matmul %mul3A, %get3A_58, %dot_general3A_59 {dimension_numbers = #tpu.dot_dimension_numbers<[1], [0], [0], [1], [0, 0, 1, 1], [], []>, transpose_lhs_hint = false} : vector<1000x128xf32>, vector<128x128xf32>, vector<1000x128xf32> -> vector<1000x128xf32>
    %add3A_61 = arith.addf %get3A_55, %dot_general3A_60 : vector<1000x128xf32>
    %get3A_62 = arith.constant 0 : index
    %get3A_63 = arith.constant 0 : index
    %get3A_64 = vector.load %arg5[%get3A_62, %get3A_63] : memref<1x128xf32, #tpu.memory_space<vmem>>, vector<1x128xf32>
    %add3A_65 = vector.broadcast %get3A_64 : vector<1x128xf32> to vector<1000x128xf32>
    %add3A_66 = arith.addf %add3A_61, %add3A_65 : vector<1000x128xf32>
    %reduce_sum3A = arith.constant dense<0.000000e+00> : vector<1000xf32>
    %reduce_sum3A_67 = vector.multi_reduction <add>, %add3A_66, %reduce_sum3A [1] : vector<1000x128xf32> to vector<1000xf32>
    %broadcast_in_dim3A_68 = vector.shape_cast %reduce_sum3A_67 : vector<1000xf32> to vector<1000x1xf32>
    %div3A_69 = arith.constant 1.280000e+02 : f32
    %div3A_70 = vector.broadcast %div3A_69 : f32 to vector<1000x1xf32>
    %div3A_71 = arith.divf %broadcast_in_dim3A_68, %div3A_70 : vector<1000x1xf32>
    %sub3A_72 = vector.broadcast %div3A_71 : vector<1000x1xf32> to vector<1000x128xf32>
    %sub3A_73 = arith.subf %add3A_66, %sub3A_72 : vector<1000x128xf32>
    %integer_pow3A = arith.mulf %sub3A_73, %sub3A_73 : vector<1000x128xf32>
    %reduce_sum3A_74 = arith.constant dense<0.000000e+00> : vector<1000xf32>
    %reduce_sum3A_75 = vector.multi_reduction <add>, %integer_pow3A, %reduce_sum3A_74 [1] : vector<1000x128xf32> to vector<1000xf32>
    %broadcast_in_dim3A_76 = vector.shape_cast %reduce_sum3A_75 : vector<1000xf32> to vector<1000x1xf32>
    %div3A_77 = arith.constant 1.280000e+02 : f32
    %div3A_78 = vector.broadcast %div3A_77 : f32 to vector<1000x1xf32>
    %div3A_79 = arith.divf %broadcast_in_dim3A_76, %div3A_78 : vector<1000x1xf32>
    %sub3A_80 = vector.broadcast %div3A_71 : vector<1000x1xf32> to vector<1000x128xf32>
    %sub3A_81 = arith.subf %add3A_66, %sub3A_80 : vector<1000x128xf32>
    %add3A_82 = arith.constant 9.99999974E-6 : f32
    %add3A_83 = vector.broadcast %add3A_82 : f32 to vector<1000x1xf32>
    %add3A_84 = arith.addf %div3A_79, %add3A_83 : vector<1000x1xf32>
    %rsqrt3A = math.rsqrt %add3A_84 : vector<1000x1xf32>
    %mul3A_85 = vector.broadcast %rsqrt3A : vector<1000x1xf32> to vector<1000x128xf32>
    %mul3A_86 = arith.mulf %sub3A_81, %mul3A_85 : vector<1000x128xf32>
    %get3A_87 = arith.constant 0 : index
    %get3A_88 = arith.constant 0 : index
    %get3A_89 = vector.load %arg6[%get3A_87, %get3A_88] : memref<1x128xf32, #tpu.memory_space<vmem>>, vector<1x128xf32>
    %mul3A_90 = vector.broadcast %get3A_89 : vector<1x128xf32> to vector<1000x128xf32>
    %mul3A_91 = arith.mulf %mul3A_86, %mul3A_90 : vector<1000x128xf32>
    %get3A_92 = arith.constant 0 : index
    %get3A_93 = arith.constant 0 : index
    %get3A_94 = vector.load %arg7[%get3A_92, %get3A_93] : memref<1x128xf32, #tpu.memory_space<vmem>>, vector<1x128xf32>
    %add3A_95 = vector.broadcast %get3A_94 : vector<1x128xf32> to vector<1000x128xf32>
    %add3A_96 = arith.addf %mul3A_91, %add3A_95 : vector<1000x128xf32>
    %get3A_97 = arith.constant 0 : index
    %get3A_98 = arith.constant 0 : index
    %get3A_99 = vector.load %arg8[%get3A_97, %get3A_98] : memref<128x512xf32, #tpu.memory_space<vmem>>, vector<128x512xf32>
    %dot_general3A_100 = arith.constant dense<0.000000e+00> : vector<1000x512xf32>
    %dot_general3A_101 = tpu.matmul %add3A_96, %get3A_99, %dot_general3A_100 {dimension_numbers = #tpu.dot_dimension_numbers<[1], [0], [0], [1], [0, 0, 1, 1], [], []>, transpose_lhs_hint = false} : vector<1000x128xf32>, vector<128x512xf32>, vector<1000x512xf32> -> vector<1000x512xf32>
    %get3A_102 = arith.constant 0 : index
    %get3A_103 = arith.constant 0 : index
    %get3A_104 = vector.load %arg9[%get3A_102, %get3A_103] : memref<1x512xf32, #tpu.memory_space<vmem>>, vector<1x512xf32>
    %add3A_105 = vector.broadcast %get3A_104 : vector<1x512xf32> to vector<1000x512xf32>
    %add3A_106 = arith.addf %dot_general3A_101, %add3A_105 : vector<1000x512xf32>
    %mul3A_107 = arith.constant 5.000000e-01 : f32
    %mul3A_108 = vector.broadcast %mul3A_107 : f32 to vector<1000x512xf32>
    %mul3A_109 = arith.mulf %add3A_106, %mul3A_108 : vector<1000x512xf32>
    %mul3A_110 = arith.constant 0.707106769 : f32
    %mul3A_111 = vector.broadcast %mul3A_110 : f32 to vector<1000x512xf32>
    %mul3A_112 = arith.mulf %add3A_106, %mul3A_111 : vector<1000x512xf32>
    %erf3A = math.erf %mul3A_112 : vector<1000x512xf32>
    %add3A_113 = arith.constant 1.000000e+00 : f32
    %add3A_114 = vector.broadcast %add3A_113 : f32 to vector<1000x512xf32>
    %add3A_115 = arith.addf %add3A_114, %erf3A : vector<1000x512xf32>
    %mul3A_116 = arith.mulf %mul3A_109, %add3A_115 : vector<1000x512xf32>
    %get3A_117 = arith.constant 0 : index
    %get3A_118 = arith.constant 0 : index
    %get3A_119 = vector.load %arg10[%get3A_117, %get3A_118] : memref<512x128xf32, #tpu.memory_space<vmem>>, vector<512x128xf32>
    %dot_general3A_120 = arith.constant dense<0.000000e+00> : vector<1000x128xf32>
    %dot_general3A_121 = tpu.matmul %mul3A_116, %get3A_119, %dot_general3A_120 {dimension_numbers = #tpu.dot_dimension_numbers<[1], [0], [0], [1], [0, 0, 1, 1], [], []>, transpose_lhs_hint = false} : vector<1000x512xf32>, vector<512x128xf32>, vector<1000x128xf32> -> vector<1000x128xf32>
    %get3A_122 = arith.constant 0 : index
    %get3A_123 = arith.constant 0 : index
    %get3A_124 = vector.load %arg11[%get3A_122, %get3A_123] : memref<1x128xf32, #tpu.memory_space<vmem>>, vector<1x128xf32>
    %add3A_125 = vector.broadcast %get3A_124 : vector<1x128xf32> to vector<1000x128xf32>
    %add3A_126 = arith.addf %dot_general3A_121, %add3A_125 : vector<1000x128xf32>
    %add3A_127 = arith.addf %add3A_66, %add3A_126 : vector<1000x128xf32>
    %swap3A = arith.constant 0 : index
    %swap3A_128 = arith.constant 0 : index
    %swap3A_129 = vector.load %arg12[%swap3A, %swap3A_128] : memref<1000x128xf32, #tpu.memory_space<vmem>>, vector<1000x128xf32>
    tpu.vector_store %arg12[%swap3A, %swap3A_128], %add3A_127 {strides = array<i32>} : memref<1000x128xf32, #tpu.memory_space<vmem>>, vector<1000x128xf32>,
    return
  }
  func.func @transform_0(%arg0: i32) -> (i32, i32) {
    %c0_i32 = arith.constant 0 : i32
    %c0_i32_0 = arith.constant 0 : i32
    return %arg0, %c0_i32 : i32, i32
  }
  func.func @transform_1(%arg0: i32) -> (i32, i32, i32) {
    %c0_i32 = arith.constant 0 : i32
    %c0_i32_0 = arith.constant 0 : i32
    %c0_i32_1 = arith.constant 0 : i32
    return %c0_i32, %arg0, %c0_i32_0 : i32, i32, i32
  }
  func.func @transform_2(%arg0: i32) -> (i32, i32, i32) {
    %c0_i32 = arith.constant 0 : i32
    %c0_i32_0 = arith.constant 0 : i32
    %c0_i32_1 = arith.constant 0 : i32
    return %c0_i32, %arg0, %c0_i32_0 : i32, i32, i32
  }
  func.func @transform_3(%arg0: i32) -> (i32, i32) {
    %c0_i32 = arith.constant 0 : i32
    %c0_i32_0 = arith.constant 0 : i32
    %c0_i32_1 = arith.constant 0 : i32
    return %c0_i32, %c0_i32_0 : i32, i32
  }
  func.func @transform_4(%arg0: i32) -> (i32, i32) {
    %c0_i32 = arith.constant 0 : i32
    %c0_i32_0 = arith.constant 0 : i32
    %c0_i32_1 = arith.constant 0 : i32
    return %c0_i32, %c0_i32_0 : i32, i32
  }
  func.func @transform_5(%arg0: i32) -> (i32, i32) {
    %c0_i32 = arith.constant 0 : i32
    %c0_i32_0 = arith.constant 0 : i32
    %c0_i32_1 = arith.constant 0 : i32
    return %c0_i32, %c0_i32_0 : i32, i32
  }
  func.func @transform_6(%arg0: i32) -> (i32, i32) {
    %c0_i32 = arith.constant 0 : i32
    %c0_i32_0 = arith.constant 0 : i32
    %c0_i32_1 = arith.constant 0 : i32
    return %c0_i32, %c0_i32_0 : i32, i32
  }
  func.func @transform_7(%arg0: i32) -> (i32, i32) {
    %c0_i32 = arith.constant 0 : i32
    %c0_i32_0 = arith.constant 0 : i32
    %c0_i32_1 = arith.constant 0 : i32
    return %c0_i32, %c0_i32_0 : i32, i32
  }
  func.func @transform_8(%arg0: i32) -> (i32, i32) {
    %c0_i32 = arith.constant 0 : i32
    %c0_i32_0 = arith.constant 0 : i32
    %c0_i32_1 = arith.constant 0 : i32
    return %c0_i32, %c0_i32_0 : i32, i32
  }
  func.func @transform_9(%arg0: i32) -> (i32, i32) {
    %c0_i32 = arith.constant 0 : i32
    %c0_i32_0 = arith.constant 0 : i32
    %c0_i32_1 = arith.constant 0 : i32
    return %c0_i32, %c0_i32_0 : i32, i32
  }
  func.func @transform_10(%arg0: i32) -> (i32, i32) {
    %c0_i32 = arith.constant 0 : i32
    %c0_i32_0 = arith.constant 0 : i32
    %c0_i32_1 = arith.constant 0 : i32
    return %c0_i32, %c0_i32_0 : i32, i32
  }
  func.func @transform_11(%arg0: i32) -> (i32, i32) {
    %c0_i32 = arith.constant 0 : i32
    %c0_i32_0 = arith.constant 0 : i32
    return %arg0, %c0_i32 : i32, i32
  }
}

</mosaic_0001>

<sc_bundles>
// kernel: kernel.5.cloned.1.call-start
scs
__scs_entry_jumppad:
0x0: {  	(pc) =	sbr.rel $0x88, $3  }
0x1: {  	(tag) =	ssettag $0x0;
	lr =	simm.s32 $0x1  }
0x2: {  	[smem:$0x3F91] =	sst lr;
	_ =	strace $0xD0000000  }
0x3: {  	_ = 	snop  }
0x4: {  	_ = 	snop  }
0x5: {  	_ = 	snop  }
0x6: {  	_ = 	snop  }
0x7: {  	_ = 	snop  }
__scs_overlays_trampoline_lowered:
0x8: {  	[smem:$0x3FA0] =	sst s0  }
0x9: {  	[smem:$0x3FA1] =	sst s1  }
0xa: {  	[smem:$0x3FA2] =	sst s2  }
0xb: {  	[smem:$0x3FA3] =	sst s3  }
0xc: {  	[smem:$0x3FA4] =	sst s4  }
0xd: {  	[smem:$0x3FA5] =	sst s5  }
0xe: {  	[smem:$0x3FA6] =	sst s6  }
0xf: {  	[smem:$0x3FA7] =	sst s7  }
0x10: {  	[smem:$0x3FA8] =	sst s8  }
0x11: {  	[smem:$0x3FA9] =	sst s9;
	s0 =	simm.s32 @!p0 $0x0  }
0x12: {  	s1 =	sld [smem:$0x3F8F];
	s0 =	simm.s32 @p0 $0x1  }
0x13: {  	[smem:$0x3FAA] =	sst s0;
	s0 =	simm.s32 @!p1 $0x0  }
0x14: {  	s2 =	sld [smem:$0x3F8E];
	s0 =	simm.s32 @p1 $0x1  }
0x15: {  	[smem:$0x3FAB] =	sst s0;
	s0 =	simm.s32 @!p2 $0x0  }
0x16: {  	s3 =	sld [smem:$0x3FDB];
	s0 =	simm.s32 @p2 $0x1  }
0x17: {  	s4 =	simm.s32 $0x1BF5;
	[smem:$0x3FAD] =	sst s0  }
0x18: {  	s0 =	sld [smem:$0x3F90];
	_ =	swait.ge [sflag:s4], $0x0  }
0x19: {  	s7 =	sld [smem:$0x3F91]  }
0x1a: {  	s8 =	sadd.s32 $0xFFFFE003, lr  }
0x1b: {  	s9 =	sadd.s32 $0xFFFFFEF7, lr;
	s5 =	simm.s32 $0xFFFFFFFF;
	p2 =	slt.u32 s8, $0xFFFFF086  }
0x1c: {  	p1 =	slt.u32 s9, $0xF7A;
	s5 =	simm.s32 @!p2 $0x0  }
0x1d: {  	s5 =	simm.s32 @p1 $0x1;
	p0 =	seq.s32 s7, s2  }
0x1e: {  	s7 =	smul.u32 @!p0 $0xF7A, s2;
	p2 =	seq.s32 @!p0 s5, $0x0  }
0x1f: {  	s9 =	smul.u32 $0xF7A, s1;
	s8 =	simm.s32 @!p0 $0x1BF5;
	p2 =	por !p2, p0  }
0x20: {  	[sflag:s8] =	ssyncset.s32 @!p0 $0xFFFFF086;
	s6 =	sadd.s32 @!p0 s3, s7;
	s7 =	simm.s32 @!p0 $0x108  }
0x21: {  	s3 =	sadd.s32 s3, s9;
	s6 =	sadd.s32 @!p0 $0x88, s6;
	s7 =	simm.s32 @p2 $0x1082  }
0x22: {  	[simem:s7], [sflag:s8] =	dma.local @!p0 [hbm:s6], $0xF7A  }
0x23: {  	s9 =	sor.u32 $0xD0000000, s2;
	s6 =	simm.s32 $0x108;
	_ =	swait.ge @!p0 [sflag:s8], $0x0  }
0x24: {  	s3 =	sadd.s32 $0x88, s3;
	s6 =	simm.s32 @!p1 $0x1082;
	[sflag:s4] =	ssyncset.s32 $0xFFFFF086  }
0x25: {  	[simem:s6], [sflag:s4] =	dma.local [hbm:s3], $0xF7A  }
0x26: {  	[smem:$0x3F91] =	sst s1;
	(tag) =	ssettag s2;
	_ =	strace s9  }
0x27: {  	s1 =	sld [smem:$0x3FA1]  }
0x28: {  	s2 =	sld [smem:$0x3FA2]  }
0x29: {  	s4 =	sld [smem:$0x3FA4]  }
0x2a: {  	p0 =	seq.s32 s5, $0x0;
	s5 =	sld [smem:$0x3FA5]  }
0x2b: {  	s6 =	sld [smem:$0x3FA6]  }
0x2c: {  	s7 =	sld [smem:$0x3FA7]  }
0x2d: {  	s3 =	simm.s32 $0x108;
	s8 =	sld [smem:$0x3FA8]  }
0x2e: {  	s3 =	simm.s32 @!p0 $0x1082;
	s9 =	sld [smem:$0x3FA9]  }
0x2f: {  	lr =	sadd.s32 s0, s3;
	s0 =	sld [smem:$0x3FA0]  }
0x30: {  	s3 =	sld [smem:$0x3FA3]  }
0x31: {  	[smem:$0x3FAC] =	sst s10  }
0x32: {  	s10 =	sld [smem:$0x3FAA];
	_ =	sdelay $0x3  }
0x33: {  	p0 =	seq.s32 s10, $0x1;
	s10 =	sld [smem:$0x3FAC];
	_ =	sdelay $0x3  }
0x34: {  	[smem:$0x3FAC] =	sst s10  }
0x35: {  	s10 =	sld [smem:$0x3FAB];
	_ =	sdelay $0x3  }
0x36: {  	p1 =	seq.s32 s10, $0x1;
	s10 =	sld [smem:$0x3FAC];
	_ =	sdelay $0x3  }
0x37: {  	[smem:$0x3FAC] =	sst s10  }
0x38: {  	s10 =	sld [smem:$0x3FAD]  }
0x39: {  	_ = 	snop;
	(pc) =	sbr.ind lr, $3  }
0x3a: {  	_ = 	snop  }
0x3b: {  	_ = 	snop  }
0x3c: {  	p2 =	seq.s32 s10, $0x1;
	s10 =	sld [smem:$0x3FAC]  }
0x3d: {  	_ =	shalt  }
0x3e: {  	_ =	shalt  }
0x3f: {  	_ =	shalt  }
0x40: {  	_ =	shalt  }
0x41: {  	_ =	shalt  }
0x42: {  	_ =	shalt  }
0x43: {  	_ =	shalt  }
0x44: {  	_ =	shalt  }
0x45: {  	_ =	shalt  }
0x46: {  	_ =	shalt  }
0x47: {  	_ =	shalt  }
0x48: {  	_ =	shalt  }
0x49: {  	_ =	shalt  }
0x4a: {  	_ =	shalt  }
0x4b: {  	_ =	shalt  }
0x4c: {  	_ =	shalt  }
0x4d: {  	_ =	shalt  }
0x4e: {  	_ =	shalt  }
0x4f: {  	_ =	shalt  }
0x50: {  	_ =	shalt  }
0x51: {  	_ =	shalt  }
0x52: {  	_ =	shalt  }
0x53: {  	_ =	shalt  }
0x54: {  	_ =	shalt  }
0x55: {  	_ =	shalt  }
0x56: {  	_ =	shalt  }
0x57: {  	_ =	shalt  }
0x58: {  	_ =	shalt  }
0x59: {  	_ =	shalt  }
0x5a: {  	_ =	shalt  }
0x5b: {  	_ =	shalt  }
0x5c: {  	_ =	shalt  }
0x5d: {  	_ =	shalt  }
0x5e: {  	_ =	shalt  }
0x5f: {  	_ =	shalt  }
0x60: {  	_ =	shalt  }
0x61: {  	_ =	shalt  }
0x62: {  	_ =	shalt  }
0x63: {  	_ =	shalt  }
0x64: {  	_ =	shalt  }
0x65: {  	_ =	shalt  }
0x66: {  	_ =	shalt  }
0x67: {  	_ =	shalt  }
0x68: {  	_ =	shalt  }
0x69: {  	_ =	shalt  }
0x6a: {  	_ =	shalt  }
0x6b: {  	_ =	shalt  }
0x6c: {  	_ =	shalt  }
0x6d: {  	_ =	shalt  }
0x6e: {  	_ =	shalt  }
0x6f: {  	_ =	shalt  }
0x70: {  	_ =	shalt  }
0x71: {  	_ =	shalt  }
0x72: {  	_ =	shalt  }
0x73: {  	_ =	shalt  }
0x74: {  	_ =	shalt  }
0x75: {  	_ =	shalt  }
0x76: {  	_ =	shalt  }
0x77: {  	_ =	shalt  }
0x78: {  	_ =	shalt  }
0x79: {  	_ =	shalt  }
0x7a: {  	_ =	shalt  }
0x7b: {  	_ =	shalt  }
0x7c: {  	_ =	shalt  }
0x7d: {  	_ =	shalt  }
0x7e: {  	_ =	shalt  }
0x7f: {  	_ =	shalt  }
0x80: {  	_ =	shalt  }
0x81: {  	_ =	shalt  }
0x82: {  	_ =	shalt  }
0x83: {  	_ =	shalt  }
0x84: {  	_ =	shalt  }
0x85: {  	_ =	shalt  }
0x86: {  	_ =	shalt  }
0x87: {  	_ =	shalt  }
.Lfunc_end0:
.L_simem_size_0:
called_computation_lowered:
.L_overlay_start_0:
0x88: {  	s2 =	sld [smem:$0x3FD9]  }
0x89: {  	s3 =	sld [smem:$0x3FFE];
	_ =	sdelay $0x1  }
0x8a: {  	s1 =	srdreg.scid  }
0x8b: {  	s0 =	sand.u32 $0x1, s1  }
0x8c: {  	s17 =	sshll.u32 s0, $0xA;
	s2 =	sadd.s32 s3, s2  }
0x8d: {  	s2 =	sadd.s32 s2, s17  }
0x8e: {  	[smem:$0x3FB8] =	sst s2  }
0x8f: {  	_ = 	snop  }
0x90: {  	s2 =	sld [smem:$0x3FD0];
	(tm) =	ssettm $0x1  }
0x91: {  	s18 =	sld [smem:$0x3FFB];
	_ =	sdelay $0x3  }
0x92: {  	_ =	strace s18  }
0x93: {  	s3 =	sld [smem:$0x3FFC];
	_ =	sdelay $0x3  }
0x94: {  	_ =	strace s3  }
0x95: {  	s3 =	sld [smem:$0x3FFD];
	_ =	sdelay $0x3  }
0x96: {  	_ =	strace s3  }
0x97: {  	_ =	strace $0x8FFFFFFF  }
0x98: {  	s19 =	sld [smem:$0x3FDB];
	_ =	sdelay $0x1  }
0x99: {  	s4 =	simm.s32 $_scs_section_size  }
0x9a: {  	s5 =	simm.s32 $_size__tile_overlayer_lowered;
	s6 =	simm.s32 $_tile_overlayer_lowered  }
0x9b: {  	s22 =	simm.s32 $0x1BFF;
	s21 =	sshll.u32 s6, $0x1;
	s3 =	sadd.s32 s4, s19  }
0x9c: {  	s7 =	simm.s32 $0x0;
	s20 =	sshll.u32 s5, $0x1;
	s5 =	sadd.s32 s21, s3  }
0x9d: {  	[timem:s7], [sflag:s22] =	dma.local [hbm:s5], s20  }
0x9e: {  	_ =	swait.ge [sflag:s22], s20  }
0x9f: {  	s4 =	ssub.s32 $0x0, s20;
	[sflag:s22] =	ssyncset.done $0x0  }
0xa0: {  	[sflag:s22] =	ssyncadd.s32 s4;
	_ =	sdelay $0x1  }
0xa1: {  	s23 =	simm.s32 $0x1B8B  }
0xa2: {  	_ =	swait.ge [sflag:s23], $0x1  }
0xa3: {  	[sflag:s23] =	ssyncset.done $0x0  }
0xa4: {  	s25 =	simm.s32 $0x1B8E;
	s24 =	sld [smem:$0x3FFE];
	[sflag:s23] =	ssyncadd.s32 $0xFFFFFFFF  }
0xa5: {  	s26 =	simm.s32 $execute0_lowered;
	[smem:$0x3FD2] =	sst s25  }
0xa6: {  	s5 =	sshll.u32 s26, $0x1;
	_ =	strace $0x80000046;
	[dreg:$0x1] =	wrdreg $0xFFFFFFFF  }
0xa7: {  	s28 =	simm.s32 $_size_execute0_lowered;
	s3 =	sadd.s32 s3, s5;
	[dreg:$0x0] =	wrdreg $0x0  }
0xa8: {  	s5 =	sshll.u32 s28, $0x1;
	[dreg:$0x2] =	wrdreg s3  }
0xa9: {  	[dreg:$0x3] =	wrdreg s5  }
0xaa: {  	[dreg:$0x4] =	wrdreg $0xC0  }
0xab: {  	_ =	task [dreg:s7], $0x5FFFF  }
0xac: {  	[dreg:$0x1] =	wrdreg $0xFFFFFFFF  }
0xad: {  	[dreg:$0x0] =	wrdreg $0x60  }
0xae: {  	[dreg:$0x2] =	wrdreg s2  }
0xaf: {  	[dreg:$0x3] =	wrdreg s24  }
0xb0: {  	[dreg:$0x4] =	wrdreg $0x0  }
0xb1: {  	[dreg:$0x5] =	wrdreg $0x13C000  }
0xb2: {  	[dreg:$0x6] =	wrdreg $0x9  }
0xb3: {  	_ =	task.clear_ibuf [dreg:s7], $0x7FFFF;
	_ =	strace $0x90000046  }
0xb4: {  	s29 =	simm.s32 $0x9;
	_ =	strace $0x80000048  }
0xb5: {  	_ =	swait.ge [sflag:s29], $0x1  }
0xb6: {  	[sflag:s29] =	ssyncadd.s32 $0xFFFFFFFF  }
0xb7: {  	_ =	strace $0x90000048  }
0xb8: {  	_ =	sfence  }
0xb9: {  	s30 =	sld [smem:$0x0];
	_ =	sdelay $0x2  }
0xba: {  	s31 =	sshll.u32 s1, $0xD;
	s1 =	sshrl.u32 s1, $0x2  }
0xbb: {  	s3 =	sand.u32 $0x4000, s31;
	s1 =	sadd.s32 s1, s30  }
0xbc: {  	s0 =	sor.u32 s3, s0;
	s1 =	sshll.u32 s1, $0x11  }
0xbd: {  	s0 =	sor.u32 s1, s0  }
0xbe: {  	s0 =	sadd.s32 $0x8F2B, s0  }
0xbf: {  	[sflag:s0] =	ssyncadd.remote.s32 $0x1  }
0xc0: {  	_ =	sfence.sel $0xFFFF  }
0xc1: {  	[dreg:$0x0] =	wrdreg $0xFFFFFFFF;
	(pc) =	sbr.abs _section_cstart, $3  }
0xc2: {  	[dreg:$0x1] =	wrdreg $0xFFFFFFFF  }
0xc3: {  	_ =	task.clear_ibuf [dreg:s7], $0x2FFFF;
	_ =	strace $0x9FFFFFFF  }
0xc4: {  	(tm) =	ssettm $0x7FFFFFFF  }
0xc5: {  	_ =	shalt  }
tec
execute0_lowered:
.L_overlay_start_1:
0x0: {  	(tag) =	ssettag $0x1  }
0x1: {  	s0 =	rddreg [dreg:$0x1]  }
0x2: {  	s4 =	rddreg [dreg:$0x2]  }
0x3: {  	s2 =	srdreg.scid;
	s1 =	stileid.u32  }
0x4: {  	s8 =	rddreg [dreg:$0x3];
	s3 =	smul.u32 $0x13C00, s1  }
0x5: {  	s5 =	simm.s32 $0x0;
	s2 =	sand.u32 $0x1, s2;
	s10 =	smul.u32 $0x2780, s1  }
0x6: {  	[smem:$0x7FF] =	sst s5;
	s6 =	sadd.s32 $0x51A00, s0;
	s14 =	smul.u32 $0x278, s1  }
0x7: {  	s7 =	sadd.s32 $0x78C00, s0;
	s15 =	sadd.s32 $0x3800, s0;
	s9 =	smul.u32 $0x13C000, s2  }
0x8: {  	_ =	strace $0x80000047;
	s11 =	smul.u32 $0x27800, s2;
	s13 =	ssub.s32 $0x2, s2  }
0x9: {  	s2 =	sshll.u32 s2, $0x4;
	[dreg:$0x5] =	wrdreg s15;
	s23 =	sshrl.u32 s13, $0x1  }
0xa: {  	s16 =	sadd.s32 s3, s4;
	s24 =	sadd.s32 $0x50, s14;
	s17 =	sadd.s32 s10, s8  }
0xb: {  	s26 =	sadd.s32 $0xA0, s14;
	s31 =	sadd.s32 $0xF0, s14;
	s20 =	sadd.s32 $0x140, s14  }
0xc: {  	s22 =	sadd.s32 $0x190, s14;
	s2 =	sor.u32 s1, s2;
	s1 =	simm.s32 $0x0  }
0xd: {  	s12 =	sadd.s32 s3, s9;
	s9 =	sadd.s32 $0x9FE00, s0;
	s11 =	sadd.s32 s10, s11  }
0xe: {  	s25 =	sshll.u32 s24, $0x7;
	s3 =	sshll.u32 s24, $0x4;
	s28 =	sshll.u32 s26, $0x7  }
0xf: {  	s18 =	sshll.u32 s31, $0x7;
	s19 =	sshll.u32 s31, $0x4;
	s21 =	sshll.u32 s20, $0x7  }
0x10: {  	s24 =	sshll.u32 s22, $0x7;
	s2 =	smul.u32 $0x2710, s2;
	[dreg:$0x6] =	wrdreg s16  }
0x11: {  	[dreg:$0x7] =	wrdreg s17;
	s12 =	sshrl.u32 s12, $0x3;
	s10 =	sadd.s32 s25, s4  }
0x12: {  	s11 =	sshrl.u32 s11, $0x3;
	s3 =	sadd.s32 s3, s8;
	[dreg:$0x8] =	wrdreg s10  }
0x13: {  	s25 =	sadd.s32 s24, s4;
	s29 =	smov.u32 s9;
	[dreg:$0x9] =	wrdreg s3  }
0x14: {  	s12 =	sadd.s32 s12, s0;
	s10 =	sadd.s32 s28, s4;
	[dreg:$0x10] =	wrdreg s25  }
0x15: {  	s0 =	sadd.s32 s11, s0;
	s24 =	sadd.s32 s9, s2;
	[dreg:$0xa] =	wrdreg s10  }
0x16: {  	s3 =	sshll.u32 s26, $0x4;
	s25 =	sadd.s32 $0x50, s2;
	[dreg:$0x17] =	wrdreg s24  }
0x17: {  	s28 =	sshll.u32 s22, $0x4;
	s3 =	sadd.s32 s3, s8;
	[dreg:$0x18] =	wrdreg s25  }
0x18: {  	s11 =	ssub.s32 s13, s23;
	s10 =	sadd.s32 s28, s8;
	[dreg:$0xb] =	wrdreg s3  }
0x19: {  	s23 =	sshll.u32 s20, $0x4;
	s0 =	sadd.s32 $0x17200, s0;
	[dreg:$0x11] =	wrdreg s10  }
0x1a: {  	s26 =	sadd.s32 $0x1E0, s14;
	s28 =	smax.u32 s11, $0x1;
	[dreg:$0x1a] =	wrdreg s0  }
0x1b: {  	s31 =	sshll.u32 s26, $0x7;
	s3 =	sadd.s32 s18, s4;
	[dreg:$0x1b] =	wrdreg s28  }
0x1c: {  	s14 =	sadd.s32 $0x230, s14;
	s13 =	sadd.s32 s31, s4;
	[dreg:$0xc] =	wrdreg s3  }
0x1d: {  	s22 =	sshrl.u32 s2, $0x3;
	s3 =	sadd.s32 s19, s8;
	[dreg:$0x12] =	wrdreg s13  }
0x1e: {  	s19 =	sshll.u32 s14, $0x7;
	[dreg:$0xd] =	wrdreg s3;
	s3 =	sadd.s32 s21, s4  }
0x1f: {  	s10 =	sshll.u32 s14, $0x4;
	s20 =	sadd.s32 s19, s4;
	[dreg:$0xe] =	wrdreg s3  }
0x20: {  	s30 =	sadd.s32 $0x26C0, s2;
	s21 =	sadd.s32 s10, s8;
	[dreg:$0x14] =	wrdreg s20  }
0x21: {  	s13 =	simm.s32 $0x1B9D0;
	s3 =	sadd.s32 s23, s8;
	[dreg:$0x15] =	wrdreg s21  }
0x22: {  	s14 =	simm.s32 $0x5;
	s23 =	sadd.s32 s15, s22;
	[dreg:$0xf] =	wrdreg s3  }
0x23: {  	s3 =	sshll.u32 s26, $0x4;
	s26 =	sadd.s32 $0xEE000, s12;
	[dreg:$0x16] =	wrdreg s23  }
0x24: {  	s19 =	simm.s32 $0x2;
	s31 =	sadd.s32 $0x9C40, s23;
	[dreg:$0x19] =	wrdreg s26  }
0x25: {  	s20 =	simm.s32 $0x3;
	s18 =	sadd.s32 s3, s8;
	[dreg:$0x1c] =	wrdreg s31  }
0x26: {  	v0 =	vimm.f32 $0.0e+00;
	v1 =	vlaneseq.u32;
	s21 =	simm.s32 $0x4;
	[dreg:$0x13] =	wrdreg s18;
	s18 =	simm.s32 $0x50  }
.LBB2_1:
0x27: {  	s0 =	simm.s32 $0x1BA10  }
0x28: {  	[tilespmem:s0+$0xFFFFFFD0] =	vst v0  }
0x29: {  	[tilespmem:s0+$0xFFFFFFE0] =	vst v0  }
0x2a: {  	[tilespmem:s0+$0xFFFFFFF0] =	vst v0  }
0x2b: {  	[tilespmem:s0+$0x0] =	vst v0  }
0x2c: {  	[tilespmem:s0+$0x10] =	vst v0  }
0x2d: {  	[tilespmem:s0+$0x20] =	vst v0  }
0x2e: {  	[tilespmem:s0+$0x30] =	vst v0  }
0x2f: {  	[dreg:$0x1d] =	wrdreg s1;
	s3 =	simm.s32 $0x0;
	s2 =	simm.s32 $0x40;
	[tilespmem:s0+$0xFFFFFFC0] =	vst v0  }
.LBB2_2:
0x30: {  	p0 =	sne.s32 s2, $0x13C0;
	[tilespmem:s3+$0x1E1D0] =	vst v0;
	s0 =	sadd.s32 $0x80, s0  }
0x31: {  	[tilespmem:s0+$0xFFFFFFD0] =	vst v0  }
0x32: {  	[tilespmem:s0+$0xFFFFFFE0] =	vst v0  }
0x33: {  	[tilespmem:s0+$0xFFFFFFF0] =	vst v0  }
.Ltmp0:
0x34: {  	[tilespmem:s0+$0x0] =	vst v0;
	(pc) =	sbr.rel @p0 .LBB2_2-.Ltmp0, $4  }
0x35: {  	[tilespmem:s0+$0x10] =	vst v0  }
0x36: {  	[tilespmem:s0+$0x20] =	vst v0  }
0x37: {  	[tilespmem:s0+$0x30] =	vst v0  }
0x38: {  	s3 =	sshra.s32 s2, $0x2;
	s2 =	sadd.s32 $0x40, s2;
	[tilespmem:s0+$0xFFFFFFC0] =	vst v0  }
0x39: {  	[tilespmem:s3+$0x1E1D0] =	vst v0  }
0x3a: {  	[spmem:s16] =	stream.linear.scatter [tilespmem:s13], [sflag:$0x5], $0x2800, $0x38;
	[tilespmem:$0x1E6D0] =	vst v63  }
0x3b: {  	_ =	swait.ge [sflag:s14], $0x2800  }
0x3c: {  	[sflag:s14] =	ssyncset.done $0x0  }
0x3d: {  	s1 =	simm.s32 $0x1E1D0;
	[sflag:s14] =	ssyncadd.s32 $0xFFFFD800  }
0x3e: {  	[spmem:s17] =	stream.linear.scatter [tilespmem:s1], [sflag:$0x5], $0x500, $0x38;
	[tilespmem:$0x1E6D0] =	vst v63  }
0x3f: {  	_ =	swait.ge [sflag:s14], $0x500  }
0x40: {  	[sflag:s14] =	ssyncset.done $0x0  }
0x41: {  	s0 =	rddreg [dreg:$0x8];
	[sflag:s14] =	ssyncadd.s32 $0xFFFFFB00  }
0x42: {  	[spmem:s0] =	stream.linear.scatter [tilespmem:s13], [sflag:$0x5], $0x2800, $0x38;
	[tilespmem:$0x1E6D0] =	vst v63  }
0x43: {  	_ =	swait.ge [sflag:s14], $0x2800  }
0x44: {  	[sflag:s14] =	ssyncset.done $0x0  }
0x45: {  	s25 =	rddreg [dreg:$0x9];
	[sflag:s14] =	ssyncadd.s32 $0xFFFFD800  }
0x46: {  	[spmem:s25] =	stream.linear.scatter [tilespmem:s1], [sflag:$0x5], $0x500, $0x38;
	[tilespmem:$0x1E6D0] =	vst v63  }
0x47: {  	_ =	swait.ge [sflag:s14], $0x500  }
0x48: {  	[sflag:s14] =	ssyncset.done $0x0  }
0x49: {  	s26 =	rddreg [dreg:$0xa];
	[sflag:s14] =	ssyncadd.s32 $0xFFFFFB00  }
0x4a: {  	[spmem:s26] =	stream.linear.scatter [tilespmem:s13], [sflag:$0x5], $0x2800, $0x38;
	[tilespmem:$0x1E6D0] =	vst v63  }
0x4b: {  	_ =	swait.ge [sflag:s14], $0x2800  }
0x4c: {  	[sflag:s14] =	ssyncset.done $0x0  }
0x4d: {  	s28 =	rddreg [dreg:$0xb];
	[sflag:s14] =	ssyncadd.s32 $0xFFFFD800  }
0x4e: {  	[spmem:s28] =	stream.linear.scatter [tilespmem:s1], [sflag:$0x5], $0x500, $0x38;
	[tilespmem:$0x1E6D0] =	vst v63  }
0x4f: {  	_ =	swait.ge [sflag:s14], $0x500  }
0x50: {  	[sflag:s14] =	ssyncset.done $0x0  }
0x51: {  	s31 =	rddreg [dreg:$0xc];
	[sflag:s14] =	ssyncadd.s32 $0xFFFFFB00  }
0x52: {  	[spmem:s31] =	stream.linear.scatter [tilespmem:s13], [sflag:$0x5], $0x2800, $0x38;
	[tilespmem:$0x1E6D0] =	vst v63  }
0x53: {  	_ =	swait.ge [sflag:s14], $0x2800  }
0x54: {  	[sflag:s14] =	ssyncset.done $0x0  }
0x55: {  	s2 =	rddreg [dreg:$0xd];
	[sflag:s14] =	ssyncadd.s32 $0xFFFFD800  }
0x56: {  	[spmem:s2] =	stream.linear.scatter [tilespmem:s1], [sflag:$0x5], $0x500, $0x38;
	[tilespmem:$0x1E6D0] =	vst v63  }
0x57: {  	_ =	swait.ge [sflag:s14], $0x500  }
0x58: {  	[sflag:s14] =	ssyncset.done $0x0  }
0x59: {  	s3 =	rddreg [dreg:$0xe];
	[sflag:s14] =	ssyncadd.s32 $0xFFFFFB00  }
0x5a: {  	[spmem:s3] =	stream.linear.scatter [tilespmem:s13], [sflag:$0x5], $0x2800, $0x38;
	[tilespmem:$0x1E6D0] =	vst v63  }
0x5b: {  	_ =	swait.ge [sflag:s14], $0x2800  }
0x5c: {  	[sflag:s14] =	ssyncset.done $0x0  }
0x5d: {  	s4 =	rddreg [dreg:$0xf];
	[sflag:s14] =	ssyncadd.s32 $0xFFFFD800  }
0x5e: {  	[spmem:s4] =	stream.linear.scatter [tilespmem:s1], [sflag:$0x5], $0x500, $0x38;
	[tilespmem:$0x1E6D0] =	vst v63  }
0x5f: {  	_ =	swait.ge [sflag:s14], $0x500  }
0x60: {  	[sflag:s14] =	ssyncset.done $0x0  }
0x61: {  	s8 =	rddreg [dreg:$0x10];
	[sflag:s14] =	ssyncadd.s32 $0xFFFFFB00  }
0x62: {  	[spmem:s8] =	stream.linear.scatter [tilespmem:s13], [sflag:$0x5], $0x2800, $0x38;
	[tilespmem:$0x1E6D0] =	vst v63  }
0x63: {  	_ =	swait.ge [sflag:s14], $0x2800  }
0x64: {  	[sflag:s14] =	ssyncset.done $0x0  }
0x65: {  	s9 =	rddreg [dreg:$0x11];
	[sflag:s14] =	ssyncadd.s32 $0xFFFFD800  }
0x66: {  	[spmem:s9] =	stream.linear.scatter [tilespmem:s1], [sflag:$0x5], $0x500, $0x38;
	[tilespmem:$0x1E6D0] =	vst v63  }
0x67: {  	_ =	swait.ge [sflag:s14], $0x500  }
0x68: {  	[sflag:s14] =	ssyncset.done $0x0  }
0x69: {  	s10 =	rddreg [dreg:$0x12];
	[sflag:s14] =	ssyncadd.s32 $0xFFFFFB00  }
0x6a: {  	[spmem:s10] =	stream.linear.scatter [tilespmem:s13], [sflag:$0x5], $0x2800, $0x38;
	[tilespmem:$0x1E6D0] =	vst v63  }
0x6b: {  	_ =	swait.ge [sflag:s14], $0x2800  }
0x6c: {  	[sflag:s14] =	ssyncset.done $0x0  }
0x6d: {  	s11 =	rddreg [dreg:$0x13];
	[sflag:s14] =	ssyncadd.s32 $0xFFFFD800  }
0x6e: {  	[spmem:s11] =	stream.linear.scatter [tilespmem:s1], [sflag:$0x5], $0x500, $0x38;
	[tilespmem:$0x1E6D0] =	vst v63  }
0x6f: {  	_ =	swait.ge [sflag:s14], $0x500  }
0x70: {  	[sflag:s14] =	ssyncset.done $0x0  }
0x71: {  	s12 =	rddreg [dreg:$0x14];
	[sflag:s14] =	ssyncadd.s32 $0xFFFFFB00  }
0x72: {  	[spmem:s12] =	stream.linear.scatter [tilespmem:s13], [sflag:$0x5], $0x2400, $0x38;
	[tilespmem:$0x1E6D0] =	vst v63  }
0x73: {  	_ =	swait.ge [sflag:s14], $0x2400  }
0x74: {  	[sflag:s14] =	ssyncset.done $0x0  }
0x75: {  	s15 =	rddreg [dreg:$0x15];
	[sflag:s14] =	ssyncadd.s32 $0xFFFFDC00  }
0x76: {  	[spmem:s15] =	stream.linear.scatter [tilespmem:s1], [sflag:$0x5], $0x480, $0x38;
	[tilespmem:$0x1E6D0] =	vst v63  }
0x77: {  	_ =	swait.ge [sflag:s14], $0x480  }
0x78: {  	[sflag:s14] =	ssyncset.done $0x0  }
0x79: {  	[sflag:s14] =	ssyncadd.s32 $0xFFFFFB80  }
0x7a: {  	[bflag:$0x0] =	sbarrier.arrive $0xFFFF  }
0x7b: {  	s22 =	simm.s32 $0x0;
	s17 =	simm.s32 $0x16380;
	s16 =	rddreg [dreg:$0x16]  }
0x7c: {  	[tilespmem:s17], [sflag:$0x5] =	stream.linear.gather [hbm4b:s16+s22], $0x50, $0x38;
	[tilespmem:$0x1E6D0] =	vst v63  }
0x7d: {  	_ =	swait.ge [sflag:s14], $0x50  }
0x7e: {  	[sflag:s14] =	ssyncset.done $0x0  }
0x7f: {  	s2 =	simm.s32 $0x16420;
	s23 =	rddreg [dreg:$0x1c];
	[sflag:s14] =	ssyncadd.s32 $0xFFFFFFB0  }
0x80: {  	[tilespmem:s2], [sflag:$0x5] =	stream.linear.gather [hbm4b:s23+s22], $0x50, $0x38;
	[tilespmem:$0x1E6D0] =	vst v63  }
0x81: {  	_ =	swait.ge [sflag:s14], $0x50  }
0x82: {  	[sflag:s14] =	ssyncset.done $0x0  }
0x83: {  	s25 =	simm.s32 $0x164C0;
	s24 =	rddreg [dreg:$0x17];
	[sflag:s14] =	ssyncadd.s32 $0xFFFFFFB0  }
0x84: {  	[tilespmem:s25], [sflag:$0x5] =	stream.linear.gather [hbm4b:s24+s22], $0x280, $0x38;
	[tilespmem:$0x1E6D0] =	vst v63  }
0x85: {  	_ =	swait.ge [sflag:s14], $0x280  }
0x86: {  	[sflag:s14] =	ssyncset.done $0x0  }
0x87: {  	[sflag:s14] =	ssyncadd.s32 $0xFFFFFD80  }
0x88: {  	s28 =	simm.s32 $0x169D0;
	s26 =	rddreg [dreg:$0x0]  }
0x89: {  	[tilespmem:s28], [sflag:$0x2] =	stream.indirect.gather [hbm4b:s26+s18], $0x80, s17, s18, $0xb8;
	[tilespmem:$0x1E6D0] =	vst v63  }
0x8a: {  	p0 =	por $0x0, $0x0;
	s31 =	simm.s32 $0x191D0  }
0x8b: {  	[tilespmem:s31], [sflag:$0x2] =	stream.indirect.gather [hbm4b:s6+s18], $0x80, s2, s18, $0xb8;
	[tilespmem:$0x1E6D0] =	vst v63  }
.LBB2_4:
0x8c: {  	p1 =	sne.s32 s22, $0x0  }
.Ltmp1:
0x8d: {  	_ = 	snop;
	(pc) =	sbr.rel @!p1 .LBB2_5-.Ltmp1, $3  }
0x8e: {  	_ =	sdelay $0x1  }
0x8f: {  	s0 =	sand.u32 $0x1, s22  }
0x90: {  	s23 =	sxor.u32 $0x1, s0  }
0x91: {  	_ =	swait.ge [sflag:s21], $0x2800  }
0x92: {  	s17 =	smul.u32 $0x50, s0;
	p2 =	seq.s32 s22, $0x7C;
	[sflag:s21] =	ssyncset.done $0x0  }
.Ltmp2:
0x93: {  	[sflag:s21] =	ssyncadd.s32 $0xFFFFD800;
	(pc) =	sbr.rel @p2 .LBB2_8-.Ltmp2, $4  }
.Ltmp3:
0x94: {  	_ =	swait.ge [sflag:s21], $0x500;
	(pc) =	sbr.rel @!p2 .LBB2_7-.Ltmp3, $4  }
0x95: {  	[sflag:s21] =	ssyncset.done $0x0  }
0x96: {  	p1 =	por $0x1, $0x1;
	s0 =	sor.u32 $0x16380, s17;
	[sflag:s21] =	ssyncadd.s32 $0xFFFFFB00  }
0x97: {  	[tilespmem:s13], [sflag:$0x3] =	stream.indirect.gather [hbm4b:s7+s18], $0x80, s0, s18, $0xb8;
	[tilespmem:$0x1E6D0] =	vst v63  }
0x98: {  	_ = 	snop  }
.LBB2_5:
0x99: {  	s0 =	smul.u32 $0x140, s0;
	_ =	sdelay $0x1  }
0x9a: {  	s0 =	sshrl.u32 s0, $0x2  }
0x9b: {  	s17 =	simm.s32 $0x0;
	s0 =	sor.u32 $0x16380, s0  }
0x9c: {  	[tilespmem:s13], [sflag:$0x3] =	stream.indirect.gather [hbm4b:s7+s18], $0x80, s0, s18, $0xb8;
	[tilespmem:$0x1E6D0] =	vst v63  }
.LBB2_7:
0x9d: {  	s0 =	smul.u32 $0x50, s22  }
0x9e: {  	s1 =	rddreg [dreg:$0x18]  }
0x9f: {  	s0 =	sadd.s32 s0, s1  }
0xa0: {  	s2 =	smov.u32 s30;
	p1 =	slt.s32 s0, s30  }
0xa1: {  	s24 =	smul.u32 $0x50, s23;
	s2 =	smov.u32 @p1 s0  }
0xa2: {  	s25 =	rddreg [dreg:$0x5];
	s3 =	sshrl.u32 s2, $0x3  }
0xa3: {  	s10 =	sor.u32 $0x16380, s24;
	s11 =	smulhi.u32 $0xCCCCCCCD, s2;
	s3 =	sadd.s32 s25, s3  }
0xa4: {  	[tilespmem:s10], [sflag:$0x1] =	stream.linear.gather [hbm4b:s3+s5], $0x50, $0x38;
	[tilespmem:$0x1E6D0] =	vst v63  }
0xa5: {  	s26 =	smul.u32 $0xA20, s23;
	s11 =	sshrl.u32 s11, $0x6  }
0xa6: {  	s0 =	sadd.s32 $0x16420, s24;
	s3 =	sadd.s32 $0x9C40, s3;
	s11 =	smul.u32 $0x50, s11  }
0xa7: {  	[tilespmem:s0], [sflag:$0x1] =	stream.linear.gather [hbm4b:s3+s5], $0x50, $0x38;
	[tilespmem:$0x1E6D0] =	vst v63  }
0xa8: {  	s28 =	sshrl.u32 s26, $0x2;
	s31 =	sadd.s32 s29, s2;
	s2 =	ssub.s32 s11, s2  }
0xa9: {  	p1 =	por $0x0, $0x0;
	s0 =	sadd.s32 $0x164C0, s28;
	s2 =	sadd.s32 s2, s31  }
0xaa: {  	[tilespmem:s0], [sflag:$0x1] =	stream.linear.gather [hbm4b:s2+s5], $0x280, $0x38;
	[tilespmem:$0x1E6D0] =	vst v63  }
.LBB2_8:
0xab: {  	_ =	swait.ge [sflag:s19], $0x2800  }
0xac: {  	[sflag:s19] =	ssyncset.done $0x0  }
0xad: {  	[sflag:s19] =	ssyncadd.s32 $0xFFFFD800  }
0xae: {  	_ =	swait.ge [sflag:s19], $0x2800  }
0xaf: {  	[sflag:s19] =	ssyncset.done $0x0  }
0xb0: {  	s2 =	simm.s32 $0x16AD0;
	[sflag:s19] =	ssyncadd.s32 $0xFFFFD800  }
0xb1: {  	s24 =	simm.s32 $0x192D0;
	v2 =	vld [tilespmem:s2+$0xF0]  }
0xb2: {  	v3 =	vld [tilespmem:s24+$0xF0]  }
0xb3: {  	v4 =	vld [tilespmem:s2+$0xFFFFFF00]  }
0xb4: {  	v5 =	vld [tilespmem:s2+$0xE0]  }
0xb5: {  	v6 =	vld [tilespmem:s24+$0xE0]  }
0xb6: {  	v7 =	vld [tilespmem:s24+$0xFFFFFF00]  }
0xb7: {  	v8 =	vld [tilespmem:s2+$0xC0]  }
0xb8: {  	v9 =	vld [tilespmem:s24+$0xC0]  }
0xb9: {  	v10 =	vld [tilespmem:s2+$0xFFFFFF80]  }
0xba: {  	v11 =	vld [tilespmem:s2+$0xB0]  }
0xbb: {  	v12 =	vld [tilespmem:s24+$0xB0]  }
0xbc: {  	v13 =	vld [tilespmem:s24+$0xFFFFFF80]  }
0xbd: {  	v14 =	vld [tilespmem:s2+$0x90]  }
0xbe: {  	v15 =	vld [tilespmem:s24+$0x90]  }
0xbf: {  	v17 =	vld [tilespmem:s2+$0x80];
	v2 =	vmul.f32 v3, v2  }
0xc0: {  	s0 =	simm.s32 $0x1;
	v3 =	vld [tilespmem:s24+$0x80];
	v5 =	vmul.f32 v6, v5  }
0xc1: {  	s0 =	simm.s32 @!p0 $0x0;
	v16 =	vld [tilespmem:s2+$0x0];
	(xrf2) =	vadd.scan.msk.f32 $0xffff, v2;
	v2 =	vmul.f32 v9, v8  }
0xc2: {  	s0 =	smul.u32 $0xA20, s0;
	v8 =	vld [tilespmem:s2+$0xA0];
	(xrf2) =	vadd.scan.msk.f32 $0xffff, v5;
	v5 =	vmul.f32 v12, v11  }
0xc3: {  	v9 =	vld [tilespmem:s24+$0xA0];
	(xrf2) =	vadd.scan.msk.f32 $0xffff, v2;
	v2 =	vmul.f32 v15, v14  }
0xc4: {  	s0 =	sshrl.u32 s0, $0x2;
	(xrf2) =	vadd.scan.msk.f32 $0xffff, v5;
	v5 =	vld [tilespmem:s2+$0xD0]  }
0xc5: {  	s25 =	sadd.s32 $0x164D0, s0;
	v3 =	vmul.f32 v3, v17;
	(xrf2) =	vadd.scan.msk.f32 $0xffff, v2;
	v2 =	vld [tilespmem:s24+$0xD0]  }
0xc6: {  	v11 =	vld [tilespmem:s25+$0x8]  }
0xc7: {  	v36 =	vld [tilespmem:s2+$0xFFFFFF10];
	(xrf2) =	vadd.scan.msk.f32 $0xffff, v3  }
0xc8: {  	v37 =	vld [tilespmem:s24+$0xFFFFFF90];
	v8 =	vmul.f32 v9, v8  }
0xc9: {  	v38 =	vld [tilespmem:s24+$0x10]  }
0xca: {  	v18 =	vld [tilespmem:s2+$0xFFFFFF20];
	(xrf2) =	vadd.scan.msk.f32 $0xffff, v8;
	v2 =	vmul.f32 v2, v5  }
0xcb: {  	v19 =	vld [tilespmem:s24+$0xFFFFFF20];
	(v2sf) =	vpush v11, $0x7  }
0xcc: {  	v6 =	vld [tilespmem:s24+$0x0];
	(v2sf) =	vpush v11, $0x6;
	v5, _, _ =	vpop (xrf2)  }
0xcd: {  	v3 =	vld [tilespmem:s24+$0xFFFFFF10];
	(v2sf) =	vpush v11, $0x5;
	v39, _, _ =	vpop (xrf2);
	(xrf2) =	vadd.scan.msk.f32 $0xffff, v2  }
0xce: {  	v9 =	vld [tilespmem:s2+$0xFFFFFF90];
	(v2sf) =	vpush v11, $0x4;
	v2, _, _ =	vpop (xrf2)  }
0xcf: {  	v4 =	vmul.f32 v7, v4;
	v8 =	vld [tilespmem:s2+$0x10];
	(v2sf) =	vpush v11, $0x3;
	v7, _, _ =	vpop (xrf2)  }
0xd0: {  	v20 =	vld [tilespmem:s2+$0xFFFFFFA0];
	(v2sf) =	vpush v11, $0x2;
	v40, _, _ =	vpop (xrf2)  }
0xd1: {  	v21 =	vld [tilespmem:s24+$0xFFFFFFA0];
	v10 =	vmul.f32 v13, v10;
	(v2sf) =	vpush v11, $0x0;
	v41, _, _ =	vpop (xrf2)  }
0xd2: {  	v6 =	vmul.f32 v6, v16;
	(xrf2) =	vadd.scan.msk.f32 $0xffff, v4;
	v4 =	vld [tilespmem:s2+$0x20];
	(v2sf) =	vpush v41, $0xF  }
0xd3: {  	v3 =	vmul.f32 v3, v36;
	(xrf2) =	vadd.scan.msk.f32 $0xffff, v10;
	v10 =	vld [tilespmem:s24+$0x20];
	(v2sf) =	vpush v11, $0x1  }
0xd4: {  	v9 =	vmul.f32 v37, v9;
	(xrf2) =	vadd.scan.msk.f32 $0xffff, v6;
	v6 =	vmul.f32 v38, v8;
	v8, _, _ =	vpop (xrf2);
	(v2sf) =	vpush v40, $0xF  }
0xd5: {  	(xrf2) =	vadd.scan.msk.f32 $0xffff, v3;
	(v2sf) =	vpush v8, $0xF  }
0xd6: {  	v3 =	vmul.f32 v19, v18;
	(xrf2) =	vadd.scan.msk.f32 $0xffff, v9;
	(v2sf) =	vpush v7, $0xF  }
0xd7: {  	v9 =	vmul.f32 v21, v20;
	(xrf2) =	vadd.scan.msk.f32 $0xffff, v6;
	(v2sf) =	vpush v2, $0xF;
	v2, _, _ =	vpop (xrf2)  }
0xd8: {  	v4 =	vmul.f32 v10, v4;
	(xrf2) =	vadd.scan.msk.f32 $0xffff, v3;
	(v2sf) =	vpush v2, $0xF  }
0xd9: {  	(xrf2) =	vadd.scan.msk.f32 $0xffff, v9;
	(v2sf) =	vpush v39, $0xF  }
0xda: {  	v42 =	vld [tilespmem:s24+$0xFFFFFF40];
	s0 =	spop (v2sf);
	(xrf2) =	vadd.scan.msk.f32 $0xffff, v4;
	(v2sf) =	vpush v5, $0xF  }
0xdb: {  	v6 =	vld [tilespmem:s2+$0xFFFFFFB0];
	s12 =	spop (v2sf)  }
0xdc: {  	v11 =	vld [tilespmem:s2+$0xFFFFFF30];
	v2, _, _ =	vpop (xrf2);
	s3 =	spop (v2sf)  }
0xdd: {  	v8 =	vld [tilespmem:s24+$0xFFFFFF30];
	v3, _, _ =	vpop (xrf2);
	s10 =	spop (v2sf);
	(v2sf) =	vpush v2, $0xF  }
0xde: {  	v7 =	vld [tilespmem:s24+$0xFFFFFFB0];
	s11 =	spop (v2sf);
	v2, _, _ =	vpop (xrf2);
	(v2sf) =	vpush v3, $0xF  }
0xdf: {  	v10 =	vld [tilespmem:s24+$0x30];
	s16 =	spop (v2sf);
	(v2sf) =	vpush v2, $0xF;
	v2, _, _ =	vpop (xrf2)  }
0xe0: {  	v9 =	vld [tilespmem:s2+$0x30];
	s26 =	spop (v2sf);
	(v2sf) =	vpush v2, $0xF;
	v2, _, _ =	vpop (xrf2)  }
0xe1: {  	v43 =	vld [tilespmem:s2+$0xFFFFFFC0];
	(v2sf) =	vpush v2, $0xF;
	v2, _, _ =	vpop (xrf2);
	s28 =	spop (v2sf)  }
0xe2: {  	vm5 =	veq.s32 v1, $0x0;
	v44 =	vld [tilespmem:s24+$0xFFFFFFC0];
	(v2sf) =	vpush v2, $0xF;
	v4, _, _ =	vpop (xrf2);
	s26 =	sadd.f32 s28, s26;
	s28 =	spop (v2sf)  }
0xe3: {  	v5 =	vld [tilespmem:s2+$0xFFFFFF40];
	v8 =	vmul.f32 v8, v11;
	v6 =	vmul.f32 v7, v6;
	(v2sf) =	vpush v4, $0xF;
	v7, _, _ =	vpop (xrf2);
	s31 =	spop (v2sf)  }
0xe4: {  	vm6 =	veq.s32 v1, $0x1;
	v3 =	vld [tilespmem:s25+$0xFFFFFFF8];
	(v2sf) =	vpush v7, $0xF;
	v7, _, _ =	vpop (xrf2);
	v11 =	vmov s26;
	s8 =	sadd.f32 s31, s28;
	s28 =	spop (v2sf)  }
0xe5: {  	v9 =	vmul.f32 v10, v9;
	(xrf2) =	vadd.scan.msk.f32 $0xffff, v8;
	v2 =	vld [tilespmem:s25+$0x0];
	(v2sf) =	vpush v7, $0xF;
	v7 =	vnsel vm5, $0x0, v11;
	s16 =	sadd.f32 s28, s16;
	s28 =	spop (v2sf)  }
0xe6: {  	vm7 =	veq.s32 v1, $0x2;
	(xrf2) =	vadd.scan.msk.f32 $0xffff, v6;
	v4 =	vld [tilespmem:s25+$0xFFFFFFF0];
	v7 =	vsel vm6, s8, v7;
	s11 =	sadd.f32 s28, s11;
	s9 =	spop (v2sf)  }
0xe7: {  	vm0 =	veq.s32 v1, $0x3;
	v45 =	vld [tilespmem:s2+$0x40];
	(xrf2) =	vadd.scan.msk.f32 $0xffff, v9;
	v7 =	vsel vm7, s16, v7;
	s10 =	sadd.f32 s9, s10;
	s15 =	spop (v2sf)  }
0xe8: {  	vm1 =	veq.s32 v1, $0x4;
	vm2 =	veq.s32 v1, $0x5;
	v10 =	vld [tilespmem:s24+$0x40];
	v7 =	vsel vm0, s11, v7;
	s3 =	sadd.f32 s15, s3;
	s26 =	spop (v2sf)  }
0xe9: {  	vm3 =	veq.s32 v1, $0x6;
	v8 =	vld [tilespmem:s2+$0xFFFFFF50];
	(v2sf) =	vpush v3, $0x0;
	v7 =	vsel vm1, s10, v7;
	s1 =	sadd.f32 s26, s12;
	s4 =	spop (v2sf)  }
0xea: {  	vm4 =	veq.s32 v1, $0x7;
	v6 =	vld [tilespmem:s24+$0xFFFFFF50];
	(v2sf) =	vpush v2, $0x0;
	v7 =	vsel vm2, s3, v7;
	s0 =	sadd.f32 s4, s0  }
0xeb: {  	v47 =	vld [tilespmem:s2+$0x50];
	v5 =	vmul.f32 v42, v5;
	(v2sf) =	vpush v4, $0x0;
	v7 =	vsel vm3, s1, v7  }
0xec: {  	v48 =	vld [tilespmem:s24+$0x50];
	v46 =	vmul.f32 v44, v43;
	(v2sf) =	vpush v4, $0x1;
	v7 =	vsel vm4, s0, v7  }
0xed: {  	v9 =	vld [tilespmem:s2+$0xFFFFFFD0];
	(xrf2) =	vadd.scan.msk.f32 $0xffff, v5;
	(v2sf) =	vpush v3, $0x1;
	v7 =	vmul.f32 $1.442695020e+00, v7  }
0xee: {  	v10 =	vmul.f32 v10, v45;
	(xrf2) =	vadd.scan.msk.f32 $0xffff, v46;
	v11 =	vld [tilespmem:s24+$0xFFFFFFD0];
	(v2sf) =	vpush v2, $0x1  }
0xef: {  	v49 =	vld [tilespmem:s24+$0xFFFFFF60];
	v6 =	vmul.f32 v6, v8;
	v50, _, _ =	vpop (xrf2);
	s3 =	spop (v2sf);
	(v2sf) =	vpush v4, $0x2  }
0xf0: {  	v52 =	vld [tilespmem:s24+$0x60];
	(xrf2) =	vadd.scan.msk.f32 $0xffff, v10;
	v51, _, _ =	vpop (xrf2);
	s8 =	spop (v2sf);
	(v2sf) =	vpush v3, $0x2  }
0xf1: {  	v53 =	vld [tilespmem:s2+$0xFFFFFFF0];
	s9 =	spop (v2sf);
	(v2sf) =	vpush v2, $0x2;
	(erf) = vpow2.f32 v7;
	v7, _, _ =	vpop (xrf2);
	(xrf2) =	vadd.scan.msk.f32 $0xffff, v6  }
0xf2: {  	v54 =	vld [tilespmem:s24+$0xFFFFFFF0];
	s11 =	spop (v2sf);
	(v2sf) =	vpush v50, $0xF  }
0xf3: {  	v56 =	vld [tilespmem:s2+$0x70];
	v9 =	vmul.f32 v11, v9;
	s12 =	spop (v2sf);
	(v2sf) =	vpush v51, $0xF  }
0xf4: {  	v5 =	vld [tilespmem:s2+$0xFFFFFF60];
	s16 =	spop (v2sf);
	(v2sf) =	vpush v7, $0xF;
	v7 =	vmul.f32 v48, v47  }
0xf5: {  	v10 =	vld [tilespmem:s2+$0xFFFFFFE0];
	(xrf2) =	vadd.scan.msk.f32 $0xffff, v9;
	(v2sf) =	vpush v4, $0x3  }
0xf6: {  	v8 =	vld [tilespmem:s24+$0xFFFFFFE0];
	s26 =	spop (v2sf);
	(v2sf) =	vpush v3, $0x3  }
0xf7: {  	v11 =	vld [tilespmem:s2+$0x60];
	s31 =	spop (v2sf);
	v55, _, _ =	vpop (xrf2);
	(xrf2) =	vadd.scan.msk.f32 $0xffff, v7;
	(v2sf) =	vpush v2, $0x3  }
0xf8: {  	v6 =	vld [tilespmem:s2+$0xFFFFFF70];
	s4 =	spop (v2sf);
	v7, _, _ =	vpop (xrf2);
	(v2sf) =	vpush v55, $0xF  }
0xf9: {  	v9 =	vld [tilespmem:s24+$0xFFFFFF70];
	s15 =	spop (v2sf);
	(v2sf) =	vpush v7, $0xF;
	v7 =	vmul.f32 v49, v5  }
0xfa: {  	v57 =	vld [tilespmem:s24+$0x70];
	s0 =	sadd.f32 s8, s15;
	s1 =	spop (v2sf);
	v58, _, _ =	vpop (xrf2)  }
0xfb: {  	s2 =	sadd.f32 s9, s1;
	s8 =	spop (v2sf);
	(v2sf) =	vpush v58, $0xF;
	v60, _, _ =	vpop (xrf2);
	(xrf2) =	vadd.scan.msk.f32 $0xffff, v7  }
0xfc: {  	v8 =	vmul.f32 v8, v10;
	s3 =	sadd.f32 s3, s8;
	s9 =	spop (v2sf);
	(v2sf) =	vpush v4, $0x4  }
0xfd: {  	v10 =	vmul.f32 v52, v11;
	v59 =	vmov s0;
	s10 =	sadd.f32 s11, s9;
	s15 =	spop (v2sf);
	(v2sf) =	vpush v3, $0x4  }
0xfe: {  	v11 =	vmul.f32 v9, v6;
	v6 =	vmul.f32 v54, v53;
	v9 =	vpop (erf);
	s1 =	sadd.f32 s12, s15;
	s8 =	spop (v2sf);
	(v2sf) =	vpush v2, $0x4;
	(xrf2) =	vadd.scan.msk.f32 $0xffff, v8  }
0xff: {  	s28 =	simm.s32 $0x1E1F0;
	v5 =	vmul.f32 v57, v56;
	v12 =	vnsel vm5, $0x0, v59;
	s11 =	sadd.f32 s16, s8;
	s9 =	spop (v2sf);
	(v2sf) =	vpush v60, $0xF;
	v61, _, _ =	vpop (xrf2)  }
0x100: {  	v62 =	vmov s3;
	[tilespmem:s28+$0x10] =	vst v9;
	v9 =	vmov s2;
	s15 =	sadd.f32 s26, s9;
	s16 =	spop (v2sf);
	(v2sf) =	vpush v61, $0xF  }
0x101: {  	v7 =	vnsel vm5, $0x0, v9;
	v9 =	vnsel vm5, $0x0, v62;
	s3 =	sadd.f32 s31, s16;
	s26 =	spop (v2sf);
	(v2sf) =	vpush v4, $0x5;
	v63, _, _ =	vpop (xrf2);
	(xrf2) =	vadd.scan.msk.f32 $0xffff, v10  }
0x102: {  	v8 =	vsel vm6, s10, v9;
	v9 =	vsel vm6, s1, v12;
	s4 =	sadd.f32 s4, s26;
	s0 =	spop (v2sf);
	(v2sf) =	vpush v3, $0x5  }
0x103: {  	v7 =	vsel vm6, s11, v7;
	v8 =	vsel vm7, s15, v8;
	s10 =	spop (v2sf);
	(v2sf) =	vpush v63, $0xF  }
0x104: {  	s2 =	simm.s32 $0x16CD0;
	s31 =	simm.s32 $0x0;
	v9 =	vsel vm7, s3, v9;
	v7 =	vsel vm7, s4, v7;
	(xrf2) =	vadd.scan.msk.f32 $0xffff, v11;
	s3 =	spop (v2sf);
	(v2sf) =	vpush v2, $0x5  }
.LBB2_9:
0x105: {  	v10 =	vld [tilespmem:s2+$0xF0];
	s24 =	sadd.s32 $0x200, s24;
	s4 =	spop (v2sf);
	v11, _, _ =	vpop (xrf2);
	(v2sf) =	vpush v4, $0x6  }
0x106: {  	v12 =	vld [tilespmem:s24+$0xF0];
	s0 =	sadd.f32 s0, s4;
	(v2sf) =	vpush v11, $0xF;
	s4 =	spop (v2sf)  }
0x107: {  	v11 =	vld [tilespmem:s2+$0xFFFFFF00];
	s4 =	sadd.f32 s10, s4;
	(v2sf) =	vpush v3, $0x6;
	(xrf2) =	vadd.scan.msk.f32 $0xffff, v6;
	s10 =	spop (v2sf)  }
0x108: {  	v6 =	vld [tilespmem:s2+$0xE0];
	v8 =	vsel vm0, s0, v8;
	s0 =	sadd.f32 s3, s10;
	s3 =	spop (v2sf);
	v13, _, _ =	vpop (xrf2);
	(v2sf) =	vpush v2, $0x6  }
0x109: {  	v14 =	vld [tilespmem:s24+$0xE0];
	v9 =	vsel vm0, s4, v9;
	s4 =	spop (v2sf);
	(v2sf) =	vpush v13, $0xF  }
0x10a: {  	v13 =	vld [tilespmem:s24+$0xFFFFFF00];
	v7 =	vsel vm0, s0, v7;
	(v2sf) =	vpush v4, $0x7;
	s0 =	spop (v2sf);
	(xrf2) =	vadd.scan.msk.f32 $0xffff, v5  }
0x10b: {  	v4 =	vld [tilespmem:s2+$0xC0];
	v5 =	vmul.f32 v12, v10;
	s10 =	spop (v2sf);
	(v2sf) =	vpush v3, $0x7;
	v3, _, _ =	vpop (xrf2)  }
0x10c: {  	v10 =	vld [tilespmem:s24+$0xC0];
	s3 =	sadd.f32 s3, s10;
	s10 =	spop (v2sf);
	(v2sf) =	vpush v3, $0xF  }
0x10d: {  	v3 =	vld [tilespmem:s2+$0xFFFFFF80];
	(xrf2) =	vadd.scan.msk.f32 $0xffff, v5;
	s4 =	sadd.f32 s4, s10;
	s10 =	spop (v2sf);
	(v2sf) =	vpush v2, $0x7  }
0x10e: {  	v2 =	vld [tilespmem:s2+$0xB0];
	v5 =	vmul.f32 v14, v6;
	v6 =	vsel vm1, s3, v8;
	s0 =	sadd.f32 s0, s10;
	s3 =	spop (v2sf);
	v8, _, _ =	vpop (xrf2)  }
0x10f: {  	v11 =	vmul.f32 v13, v11;
	v12 =	vld [tilespmem:s24+$0xB0];
	v9 =	vsel vm1, s4, v9;
	(v2sf) =	vpush v8, $0xF;
	s4 =	spop (v2sf)  }
0x110: {  	v8 =	vld [tilespmem:s24+$0xFFFFFF80];
	(xrf2) =	vadd.scan.msk.f32 $0xffff, v5;
	v5 =	vsel vm1, s0, v7;
	s0 =	spop (v2sf)  }
0x111: {  	v7 =	vld [tilespmem:s2+$0x90];
	v4 =	vmul.f32 v10, v4;
	s0 =	sadd.f32 s3, s0;
	s3 =	spop (v2sf);
	v10, _, _ =	vpop (xrf2)  }
0x112: {  	v13 =	vld [tilespmem:s24+$0x90];
	s3 =	sadd.f32 s4, s3;
	(v2sf) =	vpush v10, $0xF;
	s4 =	spop (v2sf)  }
0x113: {  	v10 =	vld [tilespmem:s2+$0x0];
	(xrf2) =	vadd.scan.msk.f32 $0xffff, v4;
	v4 =	vsel vm2, s0, v6;
	s0 =	spop (v2sf)  }
0x114: {  	v6 =	vld [tilespmem:s2+$0x80];
	v2 =	vmul.f32 v12, v2;
	v9 =	vsel vm2, s3, v9;
	s0 =	sadd.f32 s4, s0;
	s3 =	spop (v2sf);
	v12, _, _ =	vpop (xrf2)  }
0x115: {  	s31 =	sadd.s32 $0x4, s31;
	v3 =	vmul.f32 v8, v3;
	v8 =	vld [tilespmem:s24+$0x80];
	s4 =	spop (v2sf);
	(v2sf) =	vpush v12, $0xF  }
0x116: {  	p2 =	slt.u32 s31, $0x4C;
	v12 =	vld [tilespmem:s24+$0x0];
	(xrf2) =	vadd.scan.msk.f32 $0xffff, v2;
	s3 =	sadd.f32 s4, s3;
	v2 =	vsel vm2, s0, v5;
	s0 =	spop (v2sf)  }
0x117: {  	v5 =	vmul.f32 v13, v7;
	v7 =	vld [tilespmem:s2+$0xA0];
	v13, _, _ =	vpop (xrf2);
	s4 =	spop (v2sf)  }
0x118: {  	s25 =	sadd.s32 $0x20, s25;
	v14 =	vld [tilespmem:s24+$0xA0];
	v4 =	vsel vm3, s3, v4;
	s3 =	spop (v2sf)  }
0x119: {  	v15 =	vld [tilespmem:s25+$0x8];
	(xrf2) =	vadd.scan.msk.f32 $0xffff, v5;
	s0 =	sadd.f32 s3, s0;
	s3 =	spop (v2sf)  }
0x11a: {  	v5 =	vmul.f32 v8, v6;
	v6 =	vld [tilespmem:s2+$0xD0];
	v8, _, _ =	vpop (xrf2);
	s10 =	spop (v2sf)  }
0x11b: {  	v10 =	vmul.f32 v12, v10;
	v12 =	vld [tilespmem:s24+$0xD0];
	v9 =	vsel vm3, s0, v9;
	s0 =	spop (v2sf)  }
0x11c: {  	v16 =	vld [tilespmem:s2+$0xFFFFFF10];
	(xrf2) =	vadd.scan.msk.f32 $0xffff, v5;
	s0 =	sadd.f32 s0, s4;
	s4 =	spop (v2sf)  }
0x11d: {  	v5 =	vld [tilespmem:s24+$0xFFFFFF10];
	v7 =	vmul.f32 v14, v7;
	v14, _, _ =	vpop (xrf2)  }
0x11e: {  	v17 =	vld [tilespmem:s2+$0xFFFFFF90];
	v2 =	vsel vm3, s0, v2;
	s0 =	spop (v2sf)  }
0x11f: {  	v18 =	vld [tilespmem:s24+$0xFFFFFF90];
	(xrf2) =	vadd.scan.msk.f32 $0xffff, v7;
	s0 =	sadd.f32 s0, s3  }
0x120: {  	v7 =	vld [tilespmem:s2+$0x10];
	v6 =	vmul.f32 v12, v6;
	v12, _, _ =	vpop (xrf2);
	(v2sf) =	vpush v15, $0x7  }
0x121: {  	v19 =	vld [tilespmem:s24+$0x10];
	(v2sf) =	vpush v15, $0x6;
	v4 =	vsel vm4, s0, v4;
	s0 =	spop (v2sf)  }
0x122: {  	v5 =	vmul.f32 v5, v16;
	v16 =	vld [tilespmem:s2+$0xFFFFFF20];
	(xrf2) =	vadd.scan.msk.f32 $0xffff, v6;
	(v2sf) =	vpush v15, $0x5;
	v4 =	vmul.f32 $1.442695020e+00, v4;
	s0 =	sadd.f32 s0, s10  }
0x123: {  	v6 =	vld [tilespmem:s24+$0xFFFFFF20];
	v20, _, _ =	vpop (xrf2);
	(v2sf) =	vpush v15, $0x4  }
0x124: {  	v17 =	vmul.f32 v18, v17;
	v18 =	vld [tilespmem:s2+$0xFFFFFFA0];
	(v2sf) =	vpush v15, $0x3;
	v9 =	vsel vm4, s0, v9;
	s0 =	spop (v2sf)  }
0x125: {  	v21 =	vld [tilespmem:s24+$0xFFFFFFA0];
	(xrf2) =	vadd.scan.msk.f32 $0xffff, v11;
	(v2sf) =	vpush v15, $0x2;
	v9 =	vmul.f32 $1.442695020e+00, v9;
	s0 =	sadd.f32 s0, s4;
	(erf) = vpow2.f32 v4  }
0x126: {  	v4 =	vmul.f32 v19, v7;
	v7 =	vld [tilespmem:s2+$0x20];
	v11, _, _ =	vpop (xrf2);
	(v2sf) =	vpush v15, $0x0  }
0x127: {  	v19 =	vld [tilespmem:s24+$0x20];
	(v2sf) =	vpush v11, $0xF;
	v2 =	vsel vm4, s0, v2;
	(erf) = vpow2.f32 v9  }
0x128: {  	v6 =	vmul.f32 v6, v16;
	v9 =	vld [tilespmem:s2+$0xFFFFFF30];
	(xrf2) =	vadd.scan.msk.f32 $0xffff, v3;
	(v2sf) =	vpush v15, $0x1;
	v2 =	vmul.f32 $1.442695020e+00, v2  }
0x129: {  	v3 =	vld [tilespmem:s24+$0xFFFFFF30];
	(v2sf) =	vpush v20, $0xF;
	v11, _, _ =	vpop (xrf2)  }
0x12a: {  	v15 =	vmul.f32 v21, v18;
	v16 =	vld [tilespmem:s2+$0xFFFFFFB0];
	(v2sf) =	vpush v11, $0xF;
	(erf) = vpow2.f32 v2  }
0x12b: {  	v2 =	vld [tilespmem:s24+$0xFFFFFFB0];
	(xrf2) =	vadd.scan.msk.f32 $0xffff, v10;
	(v2sf) =	vpush v12, $0xF  }
0x12c: {  	v7 =	vmul.f32 v19, v7;
	v10 =	vld [tilespmem:s2+$0x30];
	(v2sf) =	vpush v14, $0xF;
	v11, _, _ =	vpop (xrf2)  }
0x12d: {  	v12 =	vld [tilespmem:s24+$0x30];
	(v2sf) =	vpush v11, $0xF  }
0x12e: {  	v3 =	vmul.f32 v3, v9;
	v9 =	vld [tilespmem:s2+$0xFFFFFF40];
	(xrf2) =	vadd.scan.msk.f32 $0xffff, v5;
	(v2sf) =	vpush v8, $0xF;
	v5 =	vpop (erf)  }
0x12f: {  	v8 =	vld [tilespmem:s24+$0xFFFFFF40];
	v11, _, _ =	vpop (xrf2);
	(v2sf) =	vpush v13, $0xF;
	s0 =	spop (v2sf);
	[tilespmem:s28+$0xFFFFFFE0] =	vst v5  }
0x130: {  	v2 =	vmul.f32 v2, v16;
	v5 =	vld [tilespmem:s2+$0xFFFFFFC0];
	(v2sf) =	vpush v11, $0xF;
	s12 =	spop (v2sf);
	v11 =	vpop (erf)  }
0x131: {  	v13 =	vld [tilespmem:s24+$0xFFFFFFC0];
	(xrf2) =	vadd.scan.msk.f32 $0xffff, v17;
	s3 =	spop (v2sf);
	[tilespmem:s28+$0xFFFFFFF0] =	vst v11  }
0x132: {  	v10 =	vmul.f32 v12, v10;
	v11 =	vld [tilespmem:s2+$0x40];
	v12, _, _ =	vpop (xrf2);
	s4 =	spop (v2sf)  }
0x133: {  	v14 =	vld [tilespmem:s24+$0x40];
	(v2sf) =	vpush v12, $0xF;
	s10 =	spop (v2sf);
	v12 =	vpop (erf)  }
0x134: {  	v8 =	vmul.f32 v8, v9;
	v9 =	vld [tilespmem:s2+$0xFFFFFF50];
	(xrf2) =	vadd.scan.msk.f32 $0xffff, v4;
	s11 =	spop (v2sf);
	[tilespmem:s28+$0x0] =	vst v12  }
0x135: {  	v4 =	vld [tilespmem:s24+$0xFFFFFF50];
	v12, _, _ =	vpop (xrf2);
	s16 =	spop (v2sf)  }
0x136: {  	v13 =	vmul.f32 v13, v5;
	v5 =	vld [tilespmem:s2+$0xFFFFFFD0];
	(v2sf) =	vpush v12, $0xF;
	s26 =	spop (v2sf)  }
0x137: {  	v12 =	vld [tilespmem:s24+$0xFFFFFFD0];
	s16 =	sadd.f32 s26, s16;
	(xrf2) =	vadd.scan.msk.f32 $0xffff, v6;
	s26 =	spop (v2sf)  }
0x138: {  	v11 =	vmul.f32 v14, v11;
	v6 =	vld [tilespmem:s2+$0x50];
	v14, _, _ =	vpop (xrf2);
	s1 =	spop (v2sf)  }
0x139: {  	v16 =	vld [tilespmem:s24+$0x50];
	v18 =	vmov s16;
	s1 =	sadd.f32 s1, s26;
	(v2sf) =	vpush v14, $0xF;
	s16 =	spop (v2sf)  }
0x13a: {  	v9 =	vmul.f32 v4, v9;
	v4 =	vld [tilespmem:s2+$0xFFFFFF60];
	v14 =	vnsel vm5, $0x0, v18;
	s11 =	sadd.f32 s16, s11;
	(xrf2) =	vadd.scan.msk.f32 $0xffff, v15;
	s16 =	spop (v2sf)  }
0x13b: {  	v15 =	vld [tilespmem:s24+$0xFFFFFF60];
	v14 =	vsel vm6, s1, v14;
	s1 =	sadd.f32 s16, s10;
	v17, _, _ =	vpop (xrf2);
	s10 =	spop (v2sf)  }
0x13c: {  	v12 =	vmul.f32 v12, v5;
	v5 =	vld [tilespmem:s2+$0xFFFFFFE0];
	v14 =	vsel vm7, s11, v14;
	s4 =	sadd.f32 s10, s4;
	(v2sf) =	vpush v17, $0xF;
	s10 =	spop (v2sf)  }
0x13d: {  	v17 =	vld [tilespmem:s24+$0xFFFFFFE0];
	v14 =	vsel vm0, s1, v14;
	s1 =	sadd.f32 s10, s3;
	(xrf2) =	vadd.scan.msk.f32 $0xffff, v7;
	s3 =	spop (v2sf)  }
0x13e: {  	v7 =	vmul.f32 v16, v6;
	v6 =	vld [tilespmem:s2+$0x60];
	v14 =	vsel vm1, s4, v14;
	s3 =	sadd.f32 s3, s12;
	v16, _, _ =	vpop (xrf2);
	s4 =	spop (v2sf)  }
0x13f: {  	v18 =	vld [tilespmem:s24+$0x60];
	v14 =	vsel vm2, s1, v14;
	s1 =	sadd.f32 s4, s0;
	s0 =	spop (v2sf);
	(v2sf) =	vpush v16, $0xF  }
0x140: {  	v15 =	vmul.f32 v15, v4;
	v4 =	vld [tilespmem:s2+$0xFFFFFF70];
	v14 =	vsel vm3, s3, v14;
	(xrf2) =	vadd.scan.msk.f32 $0xffff, v3  }
0x141: {  	v3 =	vld [tilespmem:s24+$0xFFFFFF70];
	v14 =	vsel vm4, s1, v14;
	v16, _, _ =	vpop (xrf2)  }
0x142: {  	v17 =	vmul.f32 v17, v5;
	v5 =	vld [tilespmem:s2+$0xFFFFFFF0];
	v14 =	vmul.f32 $1.442695020e+00, v14;
	(v2sf) =	vpush v16, $0xF;
	s12 =	spop (v2sf)  }
0x143: {  	v16 =	vld [tilespmem:s24+$0xFFFFFFF0]  }
0x144: {  	v18 =	vmul.f32 v18, v6;
	v19 =	vld [tilespmem:s2+$0x70];
	v6, _, _ =	vpop (xrf2);
	(xrf2) =	vadd.scan.msk.f32 $0xffff, v2;
	(erf) = vpow2.f32 v14  }
0x145: {  	v14 =	vld [tilespmem:s24+$0x70];
	(v2sf) =	vpush v6, $0xF;
	s10 =	spop (v2sf)  }
0x146: {  	v20 =	vmul.f32 v3, v4;
	v3 =	vld [tilespmem:s25+$0xFFFFFFF8]  }
0x147: {  	v2 =	vld [tilespmem:s25+$0x0];
	v21, _, _ =	vpop (xrf2);
	(xrf2) =	vadd.scan.msk.f32 $0xffff, v10  }
0x148: {  	v4 =	vld [tilespmem:s25+$0xFFFFFFF0];
	v6 =	vmul.f32 v16, v5;
	s26 =	spop (v2sf);
	(v2sf) =	vpush v21, $0xF;
	_ =	sdelay $0x1  }
0x149: {  	v5 =	vmul.f32 v14, v19;
	v10, _, _ =	vpop (xrf2);
	(xrf2) =	vadd.scan.msk.f32 $0xffff, v8  }
0x14a: {  	(v2sf) =	vpush v3, $0x0;
	s11 =	spop (v2sf)  }
0x14b: {  	(v2sf) =	vpush v2, $0x0  }
0x14c: {  	s28 =	sadd.s32 $0x40, s28;
	(v2sf) =	vpush v4, $0x0;
	(xrf2) =	vadd.scan.msk.f32 $0xffff, v13;
	v8 =	vpop (erf)  }
0x14d: {  	[tilespmem:s28+$0x10] =	vst v8;
	(v2sf) =	vpush v4, $0x1;
	v8, _, _ =	vpop (xrf2);
	s16 =	spop (v2sf)  }
0x14e: {  	(v2sf) =	vpush v3, $0x1  }
0x14f: {  	(v2sf) =	vpush v2, $0x1;
	(xrf2) =	vadd.scan.msk.f32 $0xffff, v11  }
0x150: {  	s3 =	spop (v2sf);
	(v2sf) =	vpush v4, $0x2;
	v11, _, _ =	vpop (xrf2)  }
0x151: {  	(v2sf) =	vpush v3, $0x2  }
0x152: {  	(xrf2) =	vadd.scan.msk.f32 $0xffff, v9;
	(v2sf) =	vpush v2, $0x2  }
0x153: {  	(v2sf) =	vpush v10, $0xF;
	v9, _, _ =	vpop (xrf2);
	s1 =	spop (v2sf)  }
0x154: {  	(v2sf) =	vpush v8, $0xF  }
0x155: {  	(xrf2) =	vadd.scan.msk.f32 $0xffff, v12;
	(v2sf) =	vpush v11, $0xF  }
0x156: {  	(v2sf) =	vpush v4, $0x3;
	v8, _, _ =	vpop (xrf2);
	s4 =	spop (v2sf)  }
0x157: {  	(v2sf) =	vpush v3, $0x3  }
0x158: {  	(v2sf) =	vpush v2, $0x3;
	(xrf2) =	vadd.scan.msk.f32 $0xffff, v7  }
0x159: {  	(v2sf) =	vpush v9, $0xF;
	s15 =	spop (v2sf);
	v7, _, _ =	vpop (xrf2)  }
0x15a: {  	s12 =	sadd.f32 s12, s15;
	(v2sf) =	vpush v8, $0xF;
	s15 =	spop (v2sf)  }
0x15b: {  	s10 =	sadd.f32 s10, s15;
	s15 =	spop (v2sf);
	(xrf2) =	vadd.scan.msk.f32 $0xffff, v15;
	(v2sf) =	vpush v7, $0xF  }
0x15c: {  	s0 =	sadd.f32 s0, s15;
	v7 =	vmov s12;
	s12 =	spop (v2sf);
	(v2sf) =	vpush v4, $0x4;
	v8, _, _ =	vpop (xrf2)  }
0x15d: {  	s12 =	sadd.f32 s26, s12;
	v7 =	vnsel vm5, $0x0, v7;
	v9 =	vmov s10;
	s10 =	spop (v2sf);
	(v2sf) =	vpush v3, $0x4  }
0x15e: {  	v10 =	vmov s0;
	s0 =	sadd.f32 s11, s10;
	v9 =	vnsel vm5, $0x0, v9;
	(xrf2) =	vadd.scan.msk.f32 $0xffff, v17;
	s10 =	spop (v2sf);
	(v2sf) =	vpush v2, $0x4  }
0x15f: {  	s10 =	sadd.f32 s16, s10;
	s11 =	spop (v2sf)  }
0x160: {  	v10 =	vnsel vm5, $0x0, v10;
	(v2sf) =	vpush v8, $0xF;
	v8, _, _ =	vpop (xrf2);
	s3 =	sadd.f32 s3, s11  }
.Ltmp4:
0x161: {  	v12 =	vsel vm6, s12, v10;
	v7 =	vsel vm6, s0, v7;
	s0 =	spop (v2sf);
	(v2sf) =	vpush v8, $0xF;
	(pc) =	sbr.rel @p2 .LBB2_9-.Ltmp4, $4  }
0x162: {  	s1 =	sadd.f32 s1, s0;
	v11 =	vsel vm6, s10, v9;
	(v2sf) =	vpush v4, $0x5;
	s0 =	spop (v2sf);
	(xrf2) =	vadd.scan.msk.f32 $0xffff, v18  }
0x163: {  	v8 =	vsel vm7, s3, v12;
	s3 =	sadd.f32 s4, s0;
	s0 =	spop (v2sf);
	(v2sf) =	vpush v3, $0x5;
	v10, _, _ =	vpop (xrf2)  }
0x164: {  	v9 =	vsel vm7, s1, v7;
	s10 =	spop (v2sf);
	(v2sf) =	vpush v10, $0xF  }
0x165: {  	s2 =	sadd.s32 $0x200, s2;
	v7 =	vsel vm7, s3, v11;
	(xrf2) =	vadd.scan.msk.f32 $0xffff, v20;
	s3 =	spop (v2sf);
	(v2sf) =	vpush v2, $0x5  }
0x166: {  	(xrf2) =	vadd.scan.msk.f32 $0xffff, v6  }
0x167: {  	s1 =	spop (v2sf);
	v6, _, _ =	vpop (xrf2);
	(v2sf) =	vpush v4, $0x6;
	(xrf2) =	vadd.scan.msk.f32 $0xffff, v5  }
0x168: {  	(v2sf) =	vpush v6, $0xF;
	s2 =	spop (v2sf)  }
0x169: {  	(v2sf) =	vpush v3, $0x6;
	s4 =	spop (v2sf)  }
0x16a: {  	v5, _, _ =	vpop (xrf2);
	s11 =	spop (v2sf);
	(v2sf) =	vpush v2, $0x6  }
0x16b: {  	s12 =	spop (v2sf);
	(v2sf) =	vpush v5, $0xF  }
0x16c: {  	(v2sf) =	vpush v4, $0x7;
	s15 =	spop (v2sf)  }
0x16d: {  	s16 =	spop (v2sf);
	(v2sf) =	vpush v3, $0x7;
	v3, _, _ =	vpop (xrf2)  }
0x16e: {  	s24 =	spop (v2sf);
	(v2sf) =	vpush v3, $0xF  }
0x16f: {  	s25 =	spop (v2sf);
	(v2sf) =	vpush v2, $0x7;
	v2, _, _ =	vpop (xrf2)  }
0x170: {  	s26 =	spop (v2sf);
	(v2sf) =	vpush v2, $0xF;
	v2, _, _ =	vpop (xrf2)  }
0x171: {  	s31 =	spop (v2sf);
	(v2sf) =	vpush v2, $0xF;
	v2, _, _ =	vpop (xrf2)  }
0x172: {  	s8 =	spop (v2sf);
	(v2sf) =	vpush v2, $0xF  }
0x173: {  	s9 =	spop (v2sf)  }
0x174: {  	s0 =	sadd.f32 s0, s1;
	s1 =	spop (v2sf)  }
0x175: {  	s2 =	sadd.f32 s10, s2;
	s10 =	spop (v2sf)  }
0x176: {  	s3 =	sadd.f32 s3, s4;
	s4 =	spop (v2sf)  }
0x177: {  	s11 =	sadd.f32 s11, s16;
	s16 =	spop (v2sf)  }
0x178: {  	s12 =	sadd.f32 s12, s24;
	s24 =	spop (v2sf)  }
0x179: {  	s15 =	sadd.f32 s15, s25;
	s25 =	spop (v2sf)  }
0x17a: {  	s8 =	sadd.f32 s26, s8;
	s26 =	spop (v2sf)  }
0x17b: {  	s9 =	sadd.f32 s31, s9;
	s31 =	spop (v2sf)  }
0x17c: {  	s1 =	sadd.f32 s1, s10;
	s10 =	spop (v2sf)  }
0x17d: {  	s4 =	sadd.f32 s16, s4;
	s16 =	spop (v2sf)  }
0x17e: {  	v2 =	vsel vm0, s0, v8;
	s0 =	sadd.f32 s26, s24;
	s24 =	spop (v2sf)  }
0x17f: {  	v3 =	vsel vm0, s2, v9;
	v2 =	vsel vm1, s11, v2;
	s2 =	sadd.f32 s16, s25;
	s26 =	spop (v2sf)  }
0x180: {  	v4 =	vsel vm0, s3, v7;
	v3 =	vsel vm1, s12, v3;
	v2 =	vsel vm2, s8, v2;
	s11 =	sadd.f32 s26, s31;
	s12 =	spop (v2sf)  }
0x181: {  	v4 =	vsel vm1, s15, v4;
	v3 =	vsel vm2, s9, v3;
	v2 =	vsel vm3, s4, v2;
	s16 =	sadd.f32 s12, s10;
	s25 =	spop (v2sf)  }
0x182: {  	v4 =	vsel vm2, s1, v4;
	v3 =	vsel vm3, s0, v3;
	v2 =	vsel vm4, s11, v2;
	s26 =	sadd.f32 s25, s24  }
0x183: {  	v4 =	vsel vm3, s2, v4;
	v2 =	vmul.f32 $1.442695020e+00, v2;
	v3 =	vsel vm4, s16, v3  }
0x184: {  	v3 =	vmul.f32 $1.442695020e+00, v3;
	v4 =	vsel vm4, s26, v4  }
0x185: {  	(erf) = vpow2.f32 v2;
	v2 =	vmul.f32 $1.442695020e+00, v4  }
0x186: {  	(erf) = vpow2.f32 v3  }
0x187: {  	(erf) = vpow2.f32 v2;
	_ =	sdelay $0x6  }
0x188: {  	v2 =	vpop (erf)  }
0x189: {  	[tilespmem:s28+$0xFFFFFFE0] =	vst v2;
	v2 =	vpop (erf)  }
0x18a: {  	[tilespmem:s28+$0xFFFFFFF0] =	vst v2;
	v2 =	vpop (erf)  }
0x18b: {  	[tilespmem:s28+$0x0] =	vst v2  }
0x18c: {  	_ =	swait.ge [sflag:s20], $0x2800  }
0x18d: {  	[sflag:s20] =	ssyncset.done $0x0  }
0x18e: {  	s0 =	simm.s32 @!p1 $0x1;
	[sflag:s20] =	ssyncadd.s32 $0xFFFFD800  }
0x18f: {  	_ =	swait.ge @!p1 [sflag:s0], $0x50  }
0x190: {  	[sflag:s0] =	ssyncset.done @!p1 $0x0  }
0x191: {  	[sflag:s0] =	ssyncadd.s32 @!p1 $0xFFFFFFB0  }
0x192: {  	_ =	swait.ge @!p1 [sflag:s0], $0x50  }
0x193: {  	[sflag:s0] =	ssyncset.done @!p1 $0x0  }
0x194: {  	[sflag:s0] =	ssyncadd.s32 @!p1 $0xFFFFFFB0  }
0x195: {  	_ =	swait.ge @!p1 [sflag:s0], $0x280  }
0x196: {  	s1 =	smul.u32 @!p1 $0x50, s23;
	[sflag:s0] =	ssyncset.done @!p1 $0x0  }
0x197: {  	s3 =	simm.s32 @!p1 $0x169D0;
	[sflag:s0] =	ssyncadd.s32 @!p1 $0xFFFFFD80  }
0x198: {  	s2 =	sor.u32 @!p1 $0x16380, s1;
	s0 =	simm.s32 @!p1 $0x50;
	s4 =	rddreg [dreg:$0x0]  }
0x199: {  	[tilespmem:s3], [sflag:$0x2] =	stream.indirect.gather @!p1 [hbm4b:s4+s0], $0x80, s2, s0, $0xb8;
	[tilespmem:$0x1E6D0] =	vst v63  }
0x19a: {  	s1 =	sadd.s32 @!p1 $0x16420, s1;
	s31 =	simm.s32 $0x1E1F0;
	s2 =	simm.s32 @!p1 $0x191D0  }
0x19b: {  	[tilespmem:s2], [sflag:$0x2] =	stream.indirect.gather @!p1 [hbm4b:s6+s0], $0x80, s1, s0, $0xb8;
	[tilespmem:$0x1E6D0] =	vst v63  }
0x19c: {  	v5 =	vld [tilespmem:s31+$0x10]  }
0x19d: {  	s2 =	simm.s32 $0x1BAD0;
	v2 =	vld [tilespmem:s31+$0xFFFFFFF0]  }
0x19e: {  	v3 =	vld [tilespmem:s2+$0xF0]  }
0x19f: {  	v4 =	vld [tilespmem:s31+$0x0]  }
0x1a0: {  	v6 =	vld [tilespmem:s31+$0xFFFFFFE0]  }
0x1a1: {  	v7 =	vld [tilespmem:s2+$0xFFFFFF00]  }
0x1a2: {  	v8 =	vld [tilespmem:s2+$0xFFFFFF10];
	v9 =	vbroadcast v5, $0x0  }
0x1a3: {  	v12 =	vld [tilespmem:s2+$0xFFFFFF20];
	v10 =	vbroadcast v5, $0x7;
	v11 =	vbroadcast v2, $0x0  }
0x1a4: {  	v15 =	vld [tilespmem:s2+$0xFFFFFF30];
	v13 =	vbroadcast v2, $0x1;
	v14 =	vbroadcast v2, $0x2  }
0x1a5: {  	v17 =	vld [tilespmem:s2+$0xFFFFFF40];
	v16 =	vbroadcast v2, $0x3;
	v18 =	vbroadcast v2, $0x4  }
0x1a6: {  	v20 =	vld [tilespmem:s2+$0xFFFFFF50];
	v19 =	vbroadcast v6, $0x0;
	v21 =	vbroadcast v6, $0x1  }
0x1a7: {  	v23 =	vld [tilespmem:s2+$0xFFFFFF60];
	v22 =	vbroadcast v6, $0x2;
	v24 =	vbroadcast v6, $0x3  }
0x1a8: {  	v26 =	vld [tilespmem:s2+$0xFFFFFF70];
	v25 =	vbroadcast v6, $0x4;
	v27 =	vbroadcast v6, $0x5  }
0x1a9: {  	v29 =	vld [tilespmem:s2+$0xFFFFFF80];
	v28 =	vbroadcast v6, $0x6;
	v30 =	vbroadcast v6, $0x7  }
0x1aa: {  	v32 =	vld [tilespmem:s2+$0xFFFFFF90];
	v31 =	vbroadcast v2, $0x5;
	v33 =	vbroadcast v2, $0x6  }
0x1ab: {  	v35 =	vld [tilespmem:s2+$0xFFFFFFA0];
	v34 =	vbroadcast v2, $0x7;
	v36 =	vbroadcast v4, $0x0  }
0x1ac: {  	v38 =	vld [tilespmem:s2+$0xFFFFFFB0];
	v37 =	vbroadcast v4, $0x1;
	v39 =	vbroadcast v4, $0x2  }
0x1ad: {  	v41 =	vld [tilespmem:s2+$0xFFFFFFC0];
	v40 =	vbroadcast v4, $0x3;
	v42 =	vbroadcast v4, $0x4  }
0x1ae: {  	v44 =	vld [tilespmem:s2+$0xFFFFFFD0];
	v43 =	vbroadcast v4, $0x5;
	v45 =	vbroadcast v4, $0x6  }
0x1af: {  	v47 =	vld [tilespmem:s2+$0xFFFFFFE0];
	v46 =	vbroadcast v4, $0x7;
	v48 =	vbroadcast v5, $0x1  }
0x1b0: {  	v49 =	vld [tilespmem:s2+$0xFFFFFFF0];
	v6 =	vbroadcast v5, $0x2;
	v10 =	vmul.f32 v3, v10  }
0x1b1: {  	v50 =	vld [tilespmem:s2+$0x0];
	v4 =	vbroadcast v5, $0x4;
	v7 =	vmul.f32 v19, v7  }
0x1b2: {  	v62 =	vld [tilespmem:s2+$0x80];
	v2 =	vbroadcast v5, $0x5;
	v8 =	vmul.f32 v8, v21;
	[tilespmem:s2+$0xF0] =	vst v10  }
0x1b3: {  	v63 =	vld [tilespmem:s2+$0x90];
	v3 =	vbroadcast v5, $0x3;
	v12 =	vmul.f32 v12, v22;
	[tilespmem:s2+$0xFFFFFF00] =	vst v7  }
0x1b4: {  	v15 =	vmul.f32 v15, v24;
	v21 =	vmul.f32 v23, v28;
	v23 =	vld [tilespmem:s2+$0x50];
	[tilespmem:s2+$0xFFFFFF10] =	vst v8  }
0x1b5: {  	v5 =	vbroadcast v5, $0x6;
	v17 =	vmul.f32 v17, v25;
	v24 =	vld [tilespmem:s2+$0x60];
	[tilespmem:s2+$0xFFFFFF20] =	vst v12  }
0x1b6: {  	v19 =	vmul.f32 v20, v27;
	v22 =	vmul.f32 v26, v30;
	v10 =	vld [tilespmem:s2+$0x10];
	[tilespmem:s2+$0xFFFFFF30] =	vst v15  }
0x1b7: {  	v11 =	vmul.f32 v11, v29;
	v13 =	vmul.f32 v32, v13;
	v7 =	vld [tilespmem:s2+$0x20];
	[tilespmem:s2+$0xFFFFFF40] =	vst v17  }
0x1b8: {  	v25 =	vmul.f32 v35, v14;
	v26 =	vmul.f32 v38, v16;
	v12 =	vld [tilespmem:s2+$0x40];
	[tilespmem:s2+$0xFFFFFF50] =	vst v19  }
0x1b9: {  	v61 =	vmul.f32 v41, v18;
	v20 =	vmul.f32 v44, v31;
	v8 =	vld [tilespmem:s2+$0x30];
	[tilespmem:s2+$0xFFFFFF60] =	vst v21  }
0x1ba: {  	v27 =	vld [tilespmem:s2+$0x70];
	v18 =	vmul.f32 v49, v34;
	v16 =	vmul.f32 v36, v50;
	[tilespmem:s2+$0xFFFFFF70] =	vst v22  }
0x1bb: {  	v19 =	vmul.f32 v47, v33;
	[tilespmem:s2+$0xFFFFFF80] =	vst v11;
	v21 =	vld [tilespmem:s2+$0xA0];
	v11 =	vmul.f32 v9, v62  }
0x1bc: {  	[tilespmem:s2+$0xFFFFFF90] =	vst v13;
	v22 =	vld [tilespmem:s2+$0xB0];
	v9 =	vmul.f32 v63, v48;
	v17 =	vmul.f32 v10, v37  }
0x1bd: {  	[tilespmem:s2+$0xFFFFFFA0] =	vst v25;
	v13 =	vmul.f32 v12, v42;
	v12 =	vmul.f32 v23, v43;
	v23 =	vld [tilespmem:s2+$0xC0]  }
0x1be: {  	[tilespmem:s2+$0xFFFFFFB0] =	vst v26;
	v15 =	vmul.f32 v7, v39;
	v14 =	vmul.f32 v8, v40;
	v7 =	vld [tilespmem:s2+$0xD0]  }
0x1bf: {  	s23 =	simm.s32 $0x1BAD0;
	s24 =	simm.s32 $0x0;
	s25 =	simm.s32 $0x1E230;
	[tilespmem:s2+$0xFFFFFFC0] =	vst v61;
	v10 =	vmul.f32 v24, v45;
	v8 =	vmul.f32 v27, v46;
	v24 =	vld [tilespmem:s2+$0xE0]  }
.LBB2_11:
0x1c0: {  	v25 =	vld [tilespmem:s25+$0x10];
	s24 =	sadd.s32 $0x4, s24;
	[tilespmem:s2+$0xFFFFFFD0] =	vst v20;
	v6 =	vmul.f32 v21, v6  }
0x1c1: {  	s2 =	sadd.s32 $0x200, s2;
	v20 =	vld [tilespmem:s25+$0xFFFFFFF0];
	p1 =	slt.u32 s24, $0x4C;
	[tilespmem:s23+$0xFFFFFFE0] =	vst v19;
	v3 =	vmul.f32 v22, v3  }
0x1c2: {  	v19 =	vld [tilespmem:s2+$0xF0];
	[tilespmem:s23+$0xFFFFFFF0] =	vst v18;
	v4 =	vmul.f32 v23, v4  }
0x1c3: {  	v18 =	vld [tilespmem:s25+$0x0];
	[tilespmem:s23+$0x0] =	vst v16;
	v2 =	vmul.f32 v7, v2  }
0x1c4: {  	v16 =	vld [tilespmem:s25+$0xFFFFFFE0];
	[tilespmem:s23+$0x10] =	vst v17;
	v5 =	vmul.f32 v24, v5  }
0x1c5: {  	v17 =	vld [tilespmem:s2+$0xFFFFFF00];
	v7 =	vbroadcast v25, $0x0;
	v21 =	vbroadcast v25, $0x7;
	[tilespmem:s23+$0x20] =	vst v15  }
0x1c6: {  	v15 =	vld [tilespmem:s2+$0xFFFFFF10];
	v22 =	vbroadcast v20, $0x0;
	v23 =	vbroadcast v20, $0x1;
	[tilespmem:s23+$0x30] =	vst v14  }
0x1c7: {  	v24 =	vbroadcast v20, $0x2;
	v14 =	vld [tilespmem:s2+$0xFFFFFF20];
	v19 =	vmul.f32 v19, v21;
	[tilespmem:s23+$0x40] =	vst v13  }
0x1c8: {  	v26 =	vbroadcast v20, $0x4;
	v21 =	vbroadcast v20, $0x3;
	v13 =	vld [tilespmem:s2+$0xFFFFFF30];
	[tilespmem:s23+$0x50] =	vst v12  }
0x1c9: {  	v12 =	vbroadcast v16, $0x0;
	v27 =	vbroadcast v16, $0x1;
	v28 =	vld [tilespmem:s2+$0xFFFFFF40];
	[tilespmem:s2+$0xF0] =	vst v19  }
0x1ca: {  	v19 =	vbroadcast v16, $0x2;
	v29 =	vbroadcast v16, $0x3;
	v30 =	vld [tilespmem:s2+$0xFFFFFF50];
	[tilespmem:s23+$0x60] =	vst v10  }
0x1cb: {  	v31 =	vbroadcast v16, $0x5;
	v10 =	vbroadcast v16, $0x4;
	v32 =	vld [tilespmem:s2+$0xFFFFFF60];
	[tilespmem:s23+$0x70] =	vst v8  }
0x1cc: {  	v8 =	vbroadcast v16, $0x6;
	v16 =	vbroadcast v16, $0x7;
	v33 =	vld [tilespmem:s2+$0xFFFFFF70];
	[tilespmem:s23+$0x80] =	vst v11  }
0x1cd: {  	v34 =	vbroadcast v20, $0x5;
	v35 =	vbroadcast v20, $0x6;
	v11 =	vld [tilespmem:s2+$0xFFFFFF80];
	[tilespmem:s23+$0x90] =	vst v9  }
0x1ce: {  	v36 =	vbroadcast v20, $0x7;
	v37 =	vbroadcast v18, $0x0;
	v9 =	vld [tilespmem:s2+$0xFFFFFF90];
	[tilespmem:s23+$0xA0] =	vst v6  }
0x1cf: {  	v38 =	vbroadcast v18, $0x1;
	v39 =	vbroadcast v18, $0x2;
	v20 =	vld [tilespmem:s2+$0xFFFFFFA0];
	[tilespmem:s23+$0xB0] =	vst v3  }
0x1d0: {  	v41 =	vbroadcast v18, $0x3;
	v42 =	vbroadcast v18, $0x4;
	v40 =	vld [tilespmem:s2+$0xFFFFFFB0];
	[tilespmem:s23+$0xC0] =	vst v4  }
0x1d1: {  	v44 =	vbroadcast v18, $0x5;
	v45 =	vbroadcast v18, $0x6;
	v43 =	vld [tilespmem:s2+$0xFFFFFFC0];
	[tilespmem:s23+$0xD0] =	vst v2  }
0x1d2: {  	v48 =	vbroadcast v25, $0x1;
	v47 =	vbroadcast v18, $0x7;
	v46 =	vld [tilespmem:s2+$0xFFFFFFD0];
	[tilespmem:s23+$0xE0] =	vst v5;
	s23 =	smov.u32 s2  }
0x1d3: {  	v6 =	vbroadcast v25, $0x2;
	v3 =	vbroadcast v25, $0x3;
	v18 =	vld [tilespmem:s2+$0xFFFFFFE0]  }
0x1d4: {  	v4 =	vbroadcast v25, $0x4;
	v2 =	vbroadcast v25, $0x5;
	v49 =	vld [tilespmem:s2+$0xFFFFFFF0]  }
0x1d5: {  	v12 =	vmul.f32 v12, v17;
	v5 =	vbroadcast v25, $0x6;
	v17 =	vld [tilespmem:s2+$0x0]  }
0x1d6: {  	v15 =	vmul.f32 v15, v27;
	v14 =	vmul.f32 v14, v19;
	v25 =	vld [tilespmem:s2+$0x10]  }
0x1d7: {  	v10 =	vmul.f32 v28, v10;
	[tilespmem:s2+$0xFFFFFF00] =	vst v12;
	v12 =	vmul.f32 v13, v29;
	v13 =	vld [tilespmem:s2+$0x20]  }
0x1d8: {  	v8 =	vmul.f32 v32, v8;
	[tilespmem:s2+$0xFFFFFF10] =	vst v15;
	v15 =	vmul.f32 v30, v31;
	v27 =	vld [tilespmem:s2+$0x30]  }
0x1d9: {  	v11 =	vmul.f32 v22, v11;
	[tilespmem:s2+$0xFFFFFF20] =	vst v14;
	v14 =	vmul.f32 v33, v16;
	v22 =	vld [tilespmem:s2+$0x40]  }
0x1da: {  	v9 =	vmul.f32 v9, v23;
	v23 =	vmul.f32 v20, v24;
	[tilespmem:s2+$0xFFFFFF30] =	vst v12;
	v12 =	vld [tilespmem:s2+$0x50]  }
0x1db: {  	v24 =	vmul.f32 v40, v21;
	v26 =	vmul.f32 v43, v26;
	[tilespmem:s2+$0xFFFFFF40] =	vst v10;
	v10 =	vld [tilespmem:s2+$0x60]  }
0x1dc: {  	v20 =	vmul.f32 v46, v34;
	v19 =	vmul.f32 v18, v35;
	[tilespmem:s2+$0xFFFFFF50] =	vst v15;
	v28 =	vld [tilespmem:s2+$0x70]  }
0x1dd: {  	v18 =	vmul.f32 v49, v36;
	v16 =	vmul.f32 v37, v17;
	[tilespmem:s2+$0xFFFFFF60] =	vst v8;
	v29 =	vld [tilespmem:s2+$0x80]  }
0x1de: {  	v17 =	vmul.f32 v25, v38;
	v15 =	vmul.f32 v13, v39;
	[tilespmem:s2+$0xFFFFFF70] =	vst v14;
	v25 =	vld [tilespmem:s2+$0x90]  }
.Ltmp5:
0x1df: {  	v14 =	vmul.f32 v27, v41;
	v13 =	vmul.f32 v22, v42;
	[tilespmem:s2+$0xFFFFFF80] =	vst v11;
	v21 =	vld [tilespmem:s2+$0xA0];
	(pc) =	sbr.rel @p1 .LBB2_11-.Ltmp5, $4  }
0x1e0: {  	v12 =	vmul.f32 v12, v44;
	[tilespmem:s2+$0xFFFFFF90] =	vst v9;
	v10 =	vmul.f32 v10, v45;
	v22 =	vld [tilespmem:s2+$0xB0]  }
0x1e1: {  	[tilespmem:s2+$0xFFFFFFA0] =	vst v23;
	v8 =	vmul.f32 v28, v47;
	v23 =	vld [tilespmem:s2+$0xC0]  }
0x1e2: {  	[tilespmem:s2+$0xFFFFFFB0] =	vst v24;
	v11 =	vmul.f32 v7, v29;
	v7 =	vld [tilespmem:s2+$0xD0]  }
0x1e3: {  	s25 =	sadd.s32 $0x40, s25;
	[tilespmem:s2+$0xFFFFFFC0] =	vst v26;
	v9 =	vmul.f32 v25, v48;
	v24 =	vld [tilespmem:s2+$0xE0]  }
0x1e4: {  	[tilespmem:s2+$0xFFFFFFD0] =	vst v20  }
0x1e5: {  	[tilespmem:s23+$0x0] =	vst v16  }
0x1e6: {  	[tilespmem:s23+$0x10] =	vst v17  }
0x1e7: {  	[tilespmem:s23+$0x20] =	vst v15  }
0x1e8: {  	[tilespmem:s23+$0x30] =	vst v14  }
0x1e9: {  	[tilespmem:s23+$0x40] =	vst v13  }
0x1ea: {  	[tilespmem:s23+$0x50] =	vst v12  }
0x1eb: {  	[tilespmem:s23+$0x60] =	vst v10  }
0x1ec: {  	[tilespmem:s23+$0x70] =	vst v8  }
0x1ed: {  	[tilespmem:s23+$0x80] =	vst v11  }
0x1ee: {  	[tilespmem:s23+$0xFFFFFFE0] =	vst v19  }
0x1ef: {  	v6 =	vmul.f32 v21, v6;
	[tilespmem:s23+$0xFFFFFFF0] =	vst v18  }
0x1f0: {  	v3 =	vmul.f32 v22, v3;
	[tilespmem:s23+$0x90] =	vst v9  }
0x1f1: {  	v4 =	vmul.f32 v23, v4;
	[tilespmem:s23+$0xA0] =	vst v6  }
0x1f2: {  	s22 =	sadd.s32 $0x1, s22;
	v2 =	vmul.f32 v7, v2;
	[tilespmem:s23+$0xB0] =	vst v3  }
0x1f3: {  	p1 =	sne.s32 s22, $0x7D;
	v3 =	vmul.f32 v24, v5;
	[tilespmem:s23+$0xC0] =	vst v4  }
.Ltmp6:
0x1f4: {  	[tilespmem:s23+$0xD0] =	vst v2;
	(pc) =	sbr.rel @p1 .LBB2_4-.Ltmp6, $4  }
0x1f5: {  	s0 =	sadd.s32 $0x16420, s17;
	s1 =	rddreg [dreg:$0x2];
	[tilespmem:s23+$0xE0] =	vst v3  }
0x1f6: {  	[spmem:s1] =	stream.indirect.scatter.add.f32 [tilespmem:s13], [sflag:$0x4], $0x80, s0, s18, $0xb8;
	[tilespmem:$0x1E6D0] =	vst v63  }
0x1f7: {  	s28 =	rddreg [dreg:$0x3];
	s31 =	simm.s32 $0x1E1D0;
	p0 =	por !p0, !p0  }
0x1f8: {  	[spmem:s28] =	stream.indirect.scatter.add.f32 [tilespmem:s31], [sflag:$0x4], $0x10, s0, s18, $0xb8;
	[tilespmem:$0x1E6D0] =	vst v63  }
0x1f9: {  	_ =	swait.ge [sflag:s21], $0x2800  }
0x1fa: {  	[sflag:s21] =	ssyncset.done $0x0  }
0x1fb: {  	[sflag:s21] =	ssyncadd.s32 $0xFFFFD800  }
0x1fc: {  	_ =	swait.ge [sflag:s21], $0x500  }
0x1fd: {  	[sflag:s21] =	ssyncset.done $0x0  }
0x1fe: {  	[sflag:s21] =	ssyncadd.s32 $0xFFFFFB00  }
0x1ff: {  	s0 =	stileid.u32;
	[bflag:$0x0] =	sbarrier.arrive $0xFFFF  }
0x200: {  	s0 =	sshll.u32 s0, $0x6;
	s16 =	rddreg [dreg:$0x6]  }
0x201: {  	s0 =	sor.u32 $0x1C05, s0;
	s2 =	rddreg [dreg:$0x19];
	s1 =	sshrl.u32 s16, $0x3  }
0x202: {  	[hbm:s2], [sflag:s0] =	dma.local [spmem:s1], $0x2780  }
0x203: {  	_ =	swait.ge [sflag:s14], $0x2780  }
0x204: {  	[sflag:s14] =	ssyncset.done $0x0;
	s17 =	rddreg [dreg:$0x7]  }
0x205: {  	s26 =	rddreg [dreg:$0x1a];
	[sflag:s14] =	ssyncadd.s32 $0xFFFFD880;
	s25 =	sshrl.u32 s17, $0x3  }
0x206: {  	[hbm:s26], [sflag:s0] =	dma.local [spmem:s25], $0x4F0  }
0x207: {  	_ =	swait.ge [sflag:s14], $0x4F0  }
0x208: {  	s28 =	rddreg [dreg:$0x1d]  }
0x209: {  	s31 =	rddreg [dreg:$0x1b];
	s1 =	sadd.s32 $0x1, s28  }
0x20a: {  	p0 =	sne.s32 s1, s31  }
.Ltmp7:
0x20b: {  	_ = 	snop;
	(pc) =	sbr.rel @p0 .LBB2_1-.Ltmp7, $3  }
0x20c: {  	_ =	sdelay $0x1  }
0x20d: {  	[sflag:s14] =	ssyncset.done $0x0  }
0x20e: {  	[sflag:s14] =	ssyncadd.s32 $0xFFFFFB10  }
0x20f: {  	_ =	sfence.sel $0x180000  }
0x210: {  	[bflag:$0x0] =	sbarrier.arrive $0xFFFF  }
0x211: {  	_ =	strace $0x90000047  }
0x212: {  	s0 =	stileid.u32;
	[bflag:$0x2] =	sbarrier.arrive $0xFFFF  }
0x213: {  	p0 =	sne.s32 s0, $0x0;
	s0 =	rddreg [dreg:$0x4]  }
0x214: {  	s0 =	sadd.s32 @!p0 $0x100000, s0  }
0x215: {  	[sflag:s0] =	ssyncadd.tile.s32 @!p0 $0x1;
	_ =	shalt  }
.Lfunc_end2:
_tile_overlayer_lowered:
.L_overlay_start_2:
0x216: {  	(tag) =	ssettag $0x2  }
0x217: {  	s0 =	rddreg [dreg:$0x0];
	s2 =	stileid.u32  }
0x218: {  	s1 =	rddreg [dreg:$0x1];
	p0 =	sne.s32 s2, $0x0  }
0x219: {  	s3 =	rddreg [dreg:$0x2];
	[bflag:$0x3] =	sbarrier.arrive $0xFFFF;
	s2 =	simm.s32 @!p0 $0x1C05  }
0x21a: {  	[timem:s3], [sflag:s2] =	dma.local @!p0 [hbm:s0], s1  }
0x21b: {  	s0 =	simm.s32 @!p0 $0x5  }
0x21c: {  	_ =	swait.ge @!p0 [sflag:s0], s1  }
0x21d: {  	s1 =	ssub.s32 @!p0 $0x0, s1;
	[sflag:s0] =	ssyncset.done @!p0 $0x0  }
0x21e: {  	[sflag:s0] =	ssyncadd.s32 @!p0 s1  }
0x21f: {  	[bflag:$0x3] =	sbarrier.arrive $0xFFFF  }
0x220: {  	_ =	shalt  }

</sc_bundles>
